<compile_context>
chip_gen: v7x
topology: tpu7x:2x2x1
jax: 0.10.2.dev20260603
libtpu: 0.0.44.dev20260713+nightly
codegen_flags: <defaults>
</compile_context>

<pallas_src>
import functools

import jax
import jax.numpy as jnp
from jax import lax
from jax.experimental import pallas as pl
from jax.experimental.pallas import tpu as pltpu
from jax.experimental.pallas import tpu_sc as plsc

_NC = 2
_NS = 16
_LANE = 128


def _edge_block(e_per_s: int) -> int:
    for b in (128, 120, 112, 104, 96, 88, 80, 72, 64, 56, 48, 40, 32, 24, 16, 8):
        if e_per_s % b == 0:
            return b
    return 0


@functools.lru_cache(maxsize=None)
def _seg_accum(C: int, N: int, E: int):
    assert C % _NC == 0 and E % _NS == 0
    cpc = C // _NC
    e_per_s = E // _NS
    B = _edge_block(e_per_s)
    assert B > 0
    nblk = e_per_s // B
    ph0 = (nblk // 2 + 7) // 8 * 8
    if ph0 >= nblk:
        ph0 = nblk - 8
    phases = ((0, ph0), (ph0, nblk - ph0))
    ph_max = max(ph0, nblk - ph0)

    mesh = plsc.VectorSubcoreMesh(
        core_axis_name="c", subcore_axis_name="s", num_cores=_NC, num_subcores=_NS
    )

    n_hi = ((N // _NS) + 7) // 8 * 8
    n_lo = N - (_NS - 1) * n_hi
    assert n_lo > 0 and n_lo % 8 == 0

    def _row_copy(src_ref, dst_ref, src_base, dst_base, sub):
        @pl.when(sub < _NS - 1)
        def _():
            s = pl.multiple_of(src_base + sub * n_hi, 8)
            d = pl.multiple_of(dst_base + sub * n_hi, 8)
            pltpu.sync_copy(src_ref.at[pl.ds(s, n_hi)], dst_ref.at[pl.ds(d, n_hi)])

        @pl.when(sub == _NS - 1)
        def _():
            s = pl.multiple_of(src_base + (_NS - 1) * n_hi, 8)
            d = pl.multiple_of(dst_base + (_NS - 1) * n_hi, 8)
            pltpu.sync_copy(src_ref.at[pl.ds(s, n_lo)], dst_ref.at[pl.ds(d, n_lo)])

    @functools.partial(
        pl.kernel,
        out_type=jax.ShapeDtypeStruct((C * N, _LANE), jnp.float32),
        mesh=mesh,
        scratch_types=[
            pltpu.VMEM((ph_max, B), jnp.int32),
            pltpu.VMEM((nblk, B), jnp.int32),
            pltpu.VMEM((B, _LANE), jnp.float32),
            pltpu.VMEM((B, _LANE), jnp.float32),
            pltpu.VMEM_SHARED((N, _LANE), jnp.float32),
            pltpu.SemaphoreType.DMA,
            pltpu.SemaphoreType.DMA,
        ],
    )
    def seg_kernel(x_hbm, srco_hbm, dst_hbm, out_hbm, src_v, dst_v,
                   rows0, rows1, acc_sh, gs0, gs1):
        core = lax.axis_index("c")
        sub = lax.axis_index("s")
        pltpu.sync_copy(dst_hbm.at[sub], dst_v)

        def pipe_phase(base, n, c):
            def g_start(i, buf, sem):
                pltpu.async_copy(x_hbm.at[src_v.at[i]], buf, sem)

            def g_wait(i, buf, sem):
                pltpu.make_async_copy(x_hbm.at[src_v.at[i]], buf, sem).wait()

            def scat(i, buf):
                pltpu.sync_copy(buf, acc_sh.at[dst_v.at[base + i]], add=True)

            g_start(0, rows0, gs0)
            g_start(1, rows1, gs1)
            n_pairs = (n - 2) // 2

            @pl.loop(0, n_pairs)
            def _(t):
                i = t * 2
                g_wait(i, rows0, gs0)
                scat(i, rows0)
                g_start(i + 2, rows0, gs0)
                g_wait(i + 1, rows1, gs1)
                scat(i + 1, rows1)
                g_start(i + 3, rows1, gs1)

            r = 2 * n_pairs
            g_wait(r, rows0, gs0)
            scat(r, rows0)
            if n - r == 3:
                g_start(r + 2, rows0, gs0)
            g_wait(r + 1, rows1, gs1)
            scat(r + 1, rows1)
            if n - r == 3:
                g_wait(r + 2, rows0, gs0)
                scat(r + 2, rows0)

        for j in range(cpc):
            c = core * cpc + j
            _row_copy(x_hbm, acc_sh, c * N, 0, sub)
            plsc.subcore_barrier()

            for base, n_ph in phases:
                pltpu.sync_copy(
                    srco_hbm.at[c * _NS + sub].at[pl.ds(base, n_ph)],
                    src_v.at[pl.ds(0, n_ph)],
                )
                pipe_phase(base, n_ph, c)

            plsc.subcore_barrier()
            _row_copy(acc_sh, out_hbm, 0, c * N, sub)

    return seg_kernel


@functools.lru_cache(maxsize=None)
def _gin_linear(C_in: int, C_out: int, N: int, BN: int):
    D_out = C_out * _LANE
    grid = (N // BN,)

    def body(s_ref, w_ref, b_ref, o_ref):
        acc = jnp.dot(s_ref[0], w_ref[0], preferred_element_type=jnp.float32)
        for c in range(1, C_in):
            acc += jnp.dot(s_ref[c], w_ref[c], preferred_element_type=jnp.float32)
        acc = acc + b_ref[...]
        h = jnp.where(acc >= 0, acc, 0.01 * acc)
        for j in range(C_out):
            o_ref[j] = h[:, j * _LANE:(j + 1) * _LANE]

    return pl.pallas_call(
        body,
        grid=grid,
        in_specs=[
            pl.BlockSpec((C_in, BN, _LANE), lambda i: (0, i, 0)),
            pl.BlockSpec((C_in, _LANE, D_out), lambda i: (0, 0, 0)),
            pl.BlockSpec((1, D_out), lambda i: (0, 0)),
        ],
        out_specs=pl.BlockSpec((C_out, BN, _LANE), lambda i: (0, i, 0)),
        out_shape=jax.ShapeDtypeStruct((C_out, N, _LANE), jnp.float32),
    )


@functools.lru_cache(maxsize=None)
def _gin_final(C_in: int, N: int, BN: int, n_classes: int):
    D_h = 512
    grid = (N // BN,)

    def body(s_ref, w2_ref, b2_ref, w3_ref, b3_ref, o_ref, acc_ref):
        i = pl.program_id(0)
        z = jnp.dot(s_ref[0], w2_ref[0], preferred_element_type=jnp.float32)
        for c in range(1, C_in):
            z += jnp.dot(s_ref[c], w2_ref[c], preferred_element_type=jnp.float32)
        z = z + b2_ref[...]
        h = jnp.where(z >= 0, z, 0.01 * z)
        colsum = jnp.sum(h, axis=0, keepdims=True)

        @pl.when(i == 0)
        def _():
            acc_ref[...] = colsum

        @pl.when(i > 0)
        def _():
            acc_ref[...] = acc_ref[...] + colsum

        @pl.when(i == pl.num_programs(0) - 1)
        def _():
            o_ref[...] = (
                jnp.dot(acc_ref[...], w3_ref[...], preferred_element_type=jnp.float32)
                + b3_ref[...]
            )

    return pl.pallas_call(
        body,
        grid=grid,
        in_specs=[
            pl.BlockSpec((C_in, BN, _LANE), lambda i: (0, i, 0)),
            pl.BlockSpec((C_in, _LANE, D_h), lambda i: (0, 0, 0)),
            pl.BlockSpec((1, D_h), lambda i: (0, 0)),
            pl.BlockSpec((D_h, n_classes), lambda i: (0, 0)),
            pl.BlockSpec((1, n_classes), lambda i: (0, 0)),
        ],
        out_specs=pl.BlockSpec((1, n_classes), lambda i: (0, 0)),
        out_shape=jax.ShapeDtypeStruct((1, n_classes), jnp.float32),
        scratch_shapes=[pltpu.VMEM((1, D_h), jnp.float32)],
    )


def kernel(in_feat, edge_index, W1, b1, W2, b2, W3, b3):
    N, D_in = in_feat.shape
    E = edge_index.shape[1]
    D_h = W1.shape[1]
    n_classes = W3.shape[1]
    C1 = D_in // _LANE
    C2 = D_h // _LANE

    src = edge_index[0].astype(jnp.int32)
    dst = edge_index[1].astype(jnp.int32)

    e_per_s = E // _NS
    B = _edge_block(e_per_s)
    nblk = e_per_s // B

    offs1 = (jnp.arange(C1, dtype=jnp.int32) * N)[:, None]
    offs2 = (jnp.arange(C2, dtype=jnp.int32) * N)[:, None]
    src_o1 = (src[None, :] + offs1).reshape(C1 * _NS, nblk, B)
    src_o2 = (src[None, :] + offs2).reshape(C2 * _NS, nblk, B)
    dst3 = dst.reshape(_NS, nblk, B)

    xc = jnp.transpose(in_feat.reshape(N, C1, _LANE), (1, 0, 2)).reshape(C1 * N, _LANE)

    s1 = _seg_accum(C1, N, E)(xc, src_o1, dst3)
    h1 = _gin_linear(C1, C2, N, 2000)(
        s1.reshape(C1, N, _LANE),
        W1.reshape(C1, _LANE, D_h),
        b1.reshape(1, D_h),
    )
    s2 = _seg_accum(C2, N, E)(h1.reshape(C2 * N, _LANE), src_o2, dst3)
    out = _gin_final(C2, N, 2000, n_classes)(
        s2.reshape(C2, N, _LANE),
        W2.reshape(C2, _LANE, D_h),
        b2.reshape(1, D_h),
        W3,
        b3.reshape(1, n_classes),
    )
    return out

# --- scband reference (transcript-rebuilt; emitter-appended) ---
"""Pipeline reference for scband-gnn-38577396252946 (READ-ONLY COPY).

The authoritative reference and input builder live on the scoring server;
editing this copy changes nothing except your own understanding.
"""

import jax, jax.numpy as jnp
import numpy as np

N = 10000
E = 160000
D_IN = 256
D_H = 512
N_CLASSES = 64


def setup_inputs(seed: int = 0) -> dict:
    key = jax.random.key(seed)
    k1, k2, k3, k4, k5 = jax.random.split(key, 5)
    in_feat = jax.random.normal(k1, (N, D_IN), dtype=jnp.float32)
    edge_index = jax.random.randint(k2, (2, E), 0, N, dtype=jnp.int64)
    # GINConv apply_func linear weights (eps=0, non-learnable in DGL default)
    W1 = jax.random.normal(k3, (D_IN, D_H), dtype=jnp.float32) * (1.0 / np.sqrt(D_IN))
    b1 = jnp.zeros((D_H,), dtype=jnp.float32)
    W2 = jax.random.normal(k4, (D_H, D_H), dtype=jnp.float32) * (1.0 / np.sqrt(D_H))
    b2 = jnp.zeros((D_H,), dtype=jnp.float32)
    W3 = jax.random.normal(k5, (D_H, N_CLASSES), dtype=jnp.float32) * (1.0 / np.sqrt(D_H))
    b3 = jnp.zeros((N_CLASSES,), dtype=jnp.float32)
    return {"in_feat": in_feat, "edge_index": edge_index, "W1": W1, "b1": b1, "W2": W2, "b2": b2, "W3": W3, "b3": b3}


def _gin_layer(x, src, dst, W, b):
    # DGL GINConv, aggregator_type='sum', eps=0, edge_weight=None:
    # rst = (1 + eps) * x + sum_{j in N(i)} x_j ; then apply_func (Linear); then activation
    agg = jax.ops.segment_sum(x[src], dst, num_segments=x.shape[0])
    h = (x + agg) @ W + b
    return jax.nn.leaky_relu(h, negative_slope=0.01)


def reference(in_feat, edge_index, W1, b1, W2, b2, W3, b3):
    src = edge_index[0]
    dst = edge_index[1]
    h = _gin_layer(in_feat, src, dst, W1, b1)
    h = _gin_layer(h, src, dst, W2, b2)
    # dgl.sum_nodes on a single (non-batched) graph: sum over all nodes -> [1, D_H]
    hg = jnp.sum(h, axis=0, keepdims=True)
    return hg @ W3 + b3

if __name__ == "__main__":
    import jax
    _d = setup_inputs()
    print(jax.jit(kernel)(*tuple(_d.values())))

</pallas_src>

<mosaic_0001>
#map = affine_map<(d0, d1) -> (0, 0)>
#map1 = affine_map<(d0, d1) -> (0, 0, 0)>
module attributes {stable_mosaic.version = 14 : i64} {
  func.func @seg_kernel(%arg0: i32, %arg1: i32, %arg2: memref<40000x128xf32, #tpu.memory_space<hbm>>, %arg3: memref<64x125x80xi32, #tpu.memory_space<hbm>>, %arg4: memref<16x125x80xi32, #tpu.memory_space<hbm>>, %arg5: memref<40000x128xf32, #tpu.memory_space<hbm>>, %arg6: memref<64x80xi32, #tpu.memory_space<vmem>>, %arg7: memref<125x80xi32, #tpu.memory_space<vmem>>, %arg8: memref<80x128xf32, #tpu.memory_space<vmem>>, %arg9: memref<80x128xf32, #tpu.memory_space<vmem>>, %arg10: memref<10000x128xf32, #tpu.memory_space<vmem_shared>>, %arg11: memref<!tpu.dma_semaphore, #tpu.memory_space<semaphore_mem>>, %arg12: memref<!tpu.dma_semaphore, #tpu.memory_space<semaphore_mem>>) attributes {dimension_semantics = [#tpu.dimension_semantics<core_parallel>, #tpu.dimension_semantics<subcore_parallel>], iteration_bounds = array<i64: 2, 16>, scalar_prefetch = 0 : i64, scratch_operands = 7 : i64, tpu.core_type = #tpu.core_type<sc_vector_subcore>, window_params = [{transform_indices = #map}, {transform_indices = #map1}, {transform_indices = #map1}, {transform_indices = #map}]} {
    "tpu.region"() ({
      %run_scoped3A_231 = tpu.sem_alloc : memref<!tpu.dma_semaphore, #tpu.memory_space<semaphore_mem>>
      %dma_start3A_232 = arith.constant 0 : i32
      %dma_start3A_233 = arith.constant 0 : i32
      %dma_start3A_234 = tpu.memref_slice %arg4[%arg1, %dma_start3A_232, %dma_start3A_233] : memref<16x125x80xi32, #tpu.memory_space<hbm>> -> memref<1x125x80xi32, #tpu.memory_space<hbm>>
      %dma_start3A_235 = tpu.memref_squeeze %dma_start3A_234 : memref<1x125x80xi32, #tpu.memory_space<hbm>> -> memref<125x80xi32, #tpu.memory_space<hbm>>
      %dma_start3A_236 = arith.constant 0 : i32
      %dma_start3A_237 = arith.constant 0 : i32
      %dma_start3A_238 = tpu.memref_slice %arg4[%arg1, %dma_start3A_236, %dma_start3A_237] : memref<16x125x80xi32, #tpu.memory_space<hbm>> -> memref<1x125x80xi32, #tpu.memory_space<hbm>>
      %dma_start3A_239 = tpu.memref_squeeze %dma_start3A_238 : memref<1x125x80xi32, #tpu.memory_space<hbm>> -> memref<125x80xi32, #tpu.memory_space<hbm>>
      tpu.enqueue_dma source(%dma_start3A_239 : memref<125x80xi32, #tpu.memory_space<hbm>>) target(%arg7 : memref<125x80xi32, #tpu.memory_space<vmem>>) target_semaphore(%run_scoped3A_231 : memref<!tpu.dma_semaphore, #tpu.memory_space<semaphore_mem>>)
      %dma_wait3A_240 = arith.constant 0 : i32
      %dma_wait3A_241 = arith.constant 0 : i32
      %dma_wait3A_242 = tpu.memref_slice %arg4[%arg1, %dma_wait3A_240, %dma_wait3A_241] : memref<16x125x80xi32, #tpu.memory_space<hbm>> -> memref<1x125x80xi32, #tpu.memory_space<hbm>>
      %dma_wait3A_243 = tpu.memref_squeeze %dma_wait3A_242 : memref<1x125x80xi32, #tpu.memory_space<hbm>> -> memref<125x80xi32, #tpu.memory_space<hbm>>
      %dma_wait3A_244 = arith.constant 0 : i32
      %dma_wait3A_245 = arith.constant 0 : i32
      %dma_wait3A_246 = tpu.memref_slice %arg4[%arg1, %dma_wait3A_244, %dma_wait3A_245] : memref<16x125x80xi32, #tpu.memory_space<hbm>> -> memref<1x125x80xi32, #tpu.memory_space<hbm>>
      %dma_wait3A_247 = tpu.memref_squeeze %dma_wait3A_246 : memref<1x125x80xi32, #tpu.memory_space<hbm>> -> memref<125x80xi32, #tpu.memory_space<hbm>>
      tpu.wait_dma2 semaphore(%run_scoped3A_231 : memref<!tpu.dma_semaphore, #tpu.memory_space<semaphore_mem>>) src(%dma_wait3A_247 : memref<125x80xi32, #tpu.memory_space<hbm>>) dst(%arg7 : memref<125x80xi32, #tpu.memory_space<vmem>>)
      tpu.yield
    }) : () -> ()
    %mul3A = arith.constant 2 : i32
    %mul3A_0 = arith.muli %arg0, %mul3A : i32
    %add3A = arith.constant 0 : i32
    %add3A_1 = arith.addi %mul3A_0, %add3A : i32
    %mul3A_2 = arith.constant 10000 : i32
    %mul3A_3 = arith.muli %add3A_1, %mul3A_2 : i32
    %lt3A = arith.constant 15 : i32
    %lt3A_4 = arith.cmpi slt, %arg1, %lt3A : i32
    %convert_element_type3A = arith.extui %lt3A_4 : i1 to i32
    %cond3A = arith.constant 0 : i32
    %cond3A_5 = arith.cmpi ne, %convert_element_type3A, %cond3A : i32
    scf.if %cond3A_5 {
      %mul3A_231 = arith.constant 632 : i32
      %mul3A_232 = arith.muli %arg1, %mul3A_231 : i32
      %add3A_233 = arith.addi %mul3A_3, %mul3A_232 : i32
      %multiple_of3A = tpu.assume_multiple %add3A_233, 8 : i32
      %mul3A_234 = arith.constant 632 : i32
      %mul3A_235 = arith.muli %arg1, %mul3A_234 : i32
      %add3A_236 = arith.constant 0 : i32
      %add3A_237 = arith.addi %add3A_236, %mul3A_235 : i32
      %multiple_of3A_238 = tpu.assume_multiple %add3A_237, 8 : i32
      "tpu.region"() ({
        %run_scoped3A_239 = tpu.sem_alloc : memref<!tpu.dma_semaphore, #tpu.memory_space<semaphore_mem>>
        %dma_start3A_240 = arith.constant 0 : i32
        %dma_start3A_241 = tpu.memref_slice %arg10[%multiple_of3A_238, %dma_start3A_240] : memref<10000x128xf32, #tpu.memory_space<vmem_shared>> -> memref<632x128xf32, #tpu.memory_space<vmem_shared>>
        %dma_start3A_242 = arith.constant 0 : i32
        %dma_start3A_243 = tpu.memref_slice %arg2[%multiple_of3A, %dma_start3A_242] : memref<40000x128xf32, #tpu.memory_space<hbm>> -> memref<632x128xf32, #tpu.memory_space<hbm>>
        tpu.enqueue_dma source(%dma_start3A_243 : memref<632x128xf32, #tpu.memory_space<hbm>>) target(%dma_start3A_241 : memref<632x128xf32, #tpu.memory_space<vmem_shared>>) target_semaphore(%run_scoped3A_239 : memref<!tpu.dma_semaphore, #tpu.memory_space<semaphore_mem>>)
        %dma_wait3A_244 = arith.constant 0 : i32
        %dma_wait3A_245 = tpu.memref_slice %arg10[%multiple_of3A_238, %dma_wait3A_244] : memref<10000x128xf32, #tpu.memory_space<vmem_shared>> -> memref<632x128xf32, #tpu.memory_space<vmem_shared>>
        %dma_wait3A_246 = arith.constant 0 : i32
        %dma_wait3A_247 = tpu.memref_slice %arg2[%multiple_of3A, %dma_wait3A_246] : memref<40000x128xf32, #tpu.memory_space<hbm>> -> memref<632x128xf32, #tpu.memory_space<hbm>>
        tpu.wait_dma2 semaphore(%run_scoped3A_239 : memref<!tpu.dma_semaphore, #tpu.memory_space<semaphore_mem>>) src(%dma_wait3A_247 : memref<632x128xf32, #tpu.memory_space<hbm>>) dst(%dma_wait3A_245 : memref<632x128xf32, #tpu.memory_space<vmem_shared>>)
        tpu.yield
      }) : () -> ()
    } else {
    }
    %eq3A = arith.constant 15 : i32
    %eq3A_6 = arith.cmpi eq, %arg1, %eq3A : i32
    %convert_element_type3A_7 = arith.extui %eq3A_6 : i1 to i32
    %cond3A_8 = arith.constant 0 : i32
    %cond3A_9 = arith.cmpi ne, %convert_element_type3A_7, %cond3A_8 : i32
    scf.if %cond3A_9 {
      %add3A_231 = arith.constant 9480 : i32
      %add3A_232 = arith.addi %mul3A_3, %add3A_231 : i32
      %multiple_of3A = tpu.assume_multiple %add3A_232, 8 : i32
      %multiple_of3A_233 = arith.constant 9480 : i32
      %multiple_of3A_234 = tpu.assume_multiple %multiple_of3A_233, 8 : i32
      "tpu.region"() ({
        %run_scoped3A_235 = tpu.sem_alloc : memref<!tpu.dma_semaphore, #tpu.memory_space<semaphore_mem>>
        %dma_start3A_236 = arith.constant 0 : i32
        %dma_start3A_237 = tpu.memref_slice %arg10[%multiple_of3A_234, %dma_start3A_236] : memref<10000x128xf32, #tpu.memory_space<vmem_shared>> -> memref<520x128xf32, #tpu.memory_space<vmem_shared>>
        %dma_start3A_238 = arith.constant 0 : i32
        %dma_start3A_239 = tpu.memref_slice %arg2[%multiple_of3A, %dma_start3A_238] : memref<40000x128xf32, #tpu.memory_space<hbm>> -> memref<520x128xf32, #tpu.memory_space<hbm>>
        tpu.enqueue_dma source(%dma_start3A_239 : memref<520x128xf32, #tpu.memory_space<hbm>>) target(%dma_start3A_237 : memref<520x128xf32, #tpu.memory_space<vmem_shared>>) target_semaphore(%run_scoped3A_235 : memref<!tpu.dma_semaphore, #tpu.memory_space<semaphore_mem>>)
        %dma_wait3A_240 = arith.constant 0 : i32
        %dma_wait3A_241 = tpu.memref_slice %arg10[%multiple_of3A_234, %dma_wait3A_240] : memref<10000x128xf32, #tpu.memory_space<vmem_shared>> -> memref<520x128xf32, #tpu.memory_space<vmem_shared>>
        %dma_wait3A_242 = arith.constant 0 : i32
        %dma_wait3A_243 = tpu.memref_slice %arg2[%multiple_of3A, %dma_wait3A_242] : memref<40000x128xf32, #tpu.memory_space<hbm>> -> memref<520x128xf32, #tpu.memory_space<hbm>>
        tpu.wait_dma2 semaphore(%run_scoped3A_235 : memref<!tpu.dma_semaphore, #tpu.memory_space<semaphore_mem>>) src(%dma_wait3A_243 : memref<520x128xf32, #tpu.memory_space<hbm>>) dst(%dma_wait3A_241 : memref<520x128xf32, #tpu.memory_space<vmem_shared>>)
        tpu.yield
      }) : () -> ()
    } else {
    }
    %barrier3A = arith.constant 0 : index
    tpu.barrier barrier_id(%barrier3A)
    %mul3A_10 = arith.constant 16 : i32
    %mul3A_11 = arith.muli %add3A_1, %mul3A_10 : i32
    %add3A_12 = arith.addi %mul3A_11, %arg1 : i32
    "tpu.region"() ({
      %run_scoped3A_231 = tpu.sem_alloc : memref<!tpu.dma_semaphore, #tpu.memory_space<semaphore_mem>>
      %dma_start3A_232 = arith.constant 0 : i32
      %dma_start3A_233 = arith.constant 0 : i32
      %dma_start3A_234 = tpu.memref_slice %arg6[%dma_start3A_232, %dma_start3A_233] : memref<64x80xi32, #tpu.memory_space<vmem>> -> memref<64x80xi32, #tpu.memory_space<vmem>>
      %dma_start3A_235 = arith.constant 0 : i32
      %dma_start3A_236 = arith.constant 0 : i32
      %dma_start3A_237 = tpu.memref_slice %arg3[%add3A_12, %dma_start3A_235, %dma_start3A_236] : memref<64x125x80xi32, #tpu.memory_space<hbm>> -> memref<1x125x80xi32, #tpu.memory_space<hbm>>
      %dma_start3A_238 = tpu.memref_squeeze %dma_start3A_237 : memref<1x125x80xi32, #tpu.memory_space<hbm>> -> memref<125x80xi32, #tpu.memory_space<hbm>>
      %dma_start3A_239 = arith.constant 0 : i32
      %dma_start3A_240 = arith.constant 0 : i32
      %dma_start3A_241 = tpu.memref_slice %dma_start3A_238[%dma_start3A_239, %dma_start3A_240] : memref<125x80xi32, #tpu.memory_space<hbm>> -> memref<64x80xi32, #tpu.memory_space<hbm>>
      %dma_start3A_242 = arith.constant 0 : i32
      %dma_start3A_243 = arith.constant 0 : i32
      %dma_start3A_244 = tpu.memref_slice %arg6[%dma_start3A_242, %dma_start3A_243] : memref<64x80xi32, #tpu.memory_space<vmem>> -> memref<64x80xi32, #tpu.memory_space<vmem>>
      %dma_start3A_245 = arith.constant 0 : i32
      %dma_start3A_246 = arith.constant 0 : i32
      %dma_start3A_247 = tpu.memref_slice %arg3[%add3A_12, %dma_start3A_245, %dma_start3A_246] : memref<64x125x80xi32, #tpu.memory_space<hbm>> -> memref<1x125x80xi32, #tpu.memory_space<hbm>>
      %dma_start3A_248 = tpu.memref_squeeze %dma_start3A_247 : memref<1x125x80xi32, #tpu.memory_space<hbm>> -> memref<125x80xi32, #tpu.memory_space<hbm>>
      %dma_start3A_249 = arith.constant 0 : i32
      %dma_start3A_250 = arith.constant 0 : i32
      %dma_start3A_251 = tpu.memref_slice %dma_start3A_248[%dma_start3A_249, %dma_start3A_250] : memref<125x80xi32, #tpu.memory_space<hbm>> -> memref<64x80xi32, #tpu.memory_space<hbm>>
      tpu.enqueue_dma source(%dma_start3A_251 : memref<64x80xi32, #tpu.memory_space<hbm>>) target(%dma_start3A_244 : memref<64x80xi32, #tpu.memory_space<vmem>>) target_semaphore(%run_scoped3A_231 : memref<!tpu.dma_semaphore, #tpu.memory_space<semaphore_mem>>)
      %dma_wait3A_252 = arith.constant 0 : i32
      %dma_wait3A_253 = arith.constant 0 : i32
      %dma_wait3A_254 = tpu.memref_slice %arg6[%dma_wait3A_252, %dma_wait3A_253] : memref<64x80xi32, #tpu.memory_space<vmem>> -> memref<64x80xi32, #tpu.memory_space<vmem>>
      %dma_wait3A_255 = arith.constant 0 : i32
      %dma_wait3A_256 = arith.constant 0 : i32
      %dma_wait3A_257 = tpu.memref_slice %arg3[%add3A_12, %dma_wait3A_255, %dma_wait3A_256] : memref<64x125x80xi32, #tpu.memory_space<hbm>> -> memref<1x125x80xi32, #tpu.memory_space<hbm>>
      %dma_wait3A_258 = tpu.memref_squeeze %dma_wait3A_257 : memref<1x125x80xi32, #tpu.memory_space<hbm>> -> memref<125x80xi32, #tpu.memory_space<hbm>>
      %dma_wait3A_259 = arith.constant 0 : i32
      %dma_wait3A_260 = arith.constant 0 : i32
      %dma_wait3A_261 = tpu.memref_slice %dma_wait3A_258[%dma_wait3A_259, %dma_wait3A_260] : memref<125x80xi32, #tpu.memory_space<hbm>> -> memref<64x80xi32, #tpu.memory_space<hbm>>
      %dma_wait3A_262 = arith.constant 0 : i32
      %dma_wait3A_263 = arith.constant 0 : i32
      %dma_wait3A_264 = tpu.memref_slice %arg6[%dma_wait3A_262, %dma_wait3A_263] : memref<64x80xi32, #tpu.memory_space<vmem>> -> memref<64x80xi32, #tpu.memory_space<vmem>>
      %dma_wait3A_265 = arith.constant 0 : i32
      %dma_wait3A_266 = arith.constant 0 : i32
      %dma_wait3A_267 = tpu.memref_slice %arg3[%add3A_12, %dma_wait3A_265, %dma_wait3A_266] : memref<64x125x80xi32, #tpu.memory_space<hbm>> -> memref<1x125x80xi32, #tpu.memory_space<hbm>>
      %dma_wait3A_268 = tpu.memref_squeeze %dma_wait3A_267 : memref<1x125x80xi32, #tpu.memory_space<hbm>> -> memref<125x80xi32, #tpu.memory_space<hbm>>
      %dma_wait3A_269 = arith.constant 0 : i32
      %dma_wait3A_270 = arith.constant 0 : i32
      %dma_wait3A_271 = tpu.memref_slice %dma_wait3A_268[%dma_wait3A_269, %dma_wait3A_270] : memref<125x80xi32, #tpu.memory_space<hbm>> -> memref<64x80xi32, #tpu.memory_space<hbm>>
      tpu.wait_dma2 semaphore(%run_scoped3A_231 : memref<!tpu.dma_semaphore, #tpu.memory_space<semaphore_mem>>) src(%dma_wait3A_271 : memref<64x80xi32, #tpu.memory_space<hbm>>) dst(%dma_wait3A_264 : memref<64x80xi32, #tpu.memory_space<vmem>>)
      tpu.yield
    }) : () -> ()
    %dma_start3A = arith.constant 0 : i32
    %dma_start3A_13 = arith.constant 0 : i32
    %dma_start3A_14 = tpu.memref_slice %arg6[%dma_start3A, %dma_start3A_13] : memref<64x80xi32, #tpu.memory_space<vmem>> -> memref<1x80xi32, #tpu.memory_space<vmem>>
    %dma_start3A_15 = tpu.memref_squeeze %dma_start3A_14 : memref<1x80xi32, #tpu.memory_space<vmem>> -> memref<80xi32, #tpu.memory_space<vmem>>
    %dma_start3A_16 = arith.constant 0 : i32
    %dma_start3A_17 = arith.constant 0 : i32
    %dma_start3A_18 = tpu.memref_slice %arg2[%dma_start3A_16, %dma_start3A_17] : memref<40000x128xf32, #tpu.memory_space<hbm>> -> memref<40000x128xf32, #tpu.memory_space<hbm>>
    tpu.enqueue_indirect_dma source(%dma_start3A_18 : memref<40000x128xf32, #tpu.memory_space<hbm>>) target(%arg8 : memref<80x128xf32, #tpu.memory_space<vmem>>) offsets(%dma_start3A_15 : memref<80xi32, #tpu.memory_space<vmem>>) semaphore(%arg11 : memref<!tpu.dma_semaphore, #tpu.memory_space<semaphore_mem>>)
    %dma_start3A_19 = arith.constant 1 : i32
    %dma_start3A_20 = arith.constant 0 : i32
    %dma_start3A_21 = tpu.memref_slice %arg6[%dma_start3A_19, %dma_start3A_20] : memref<64x80xi32, #tpu.memory_space<vmem>> -> memref<1x80xi32, #tpu.memory_space<vmem>>
    %dma_start3A_22 = tpu.memref_squeeze %dma_start3A_21 : memref<1x80xi32, #tpu.memory_space<vmem>> -> memref<80xi32, #tpu.memory_space<vmem>>
    %dma_start3A_23 = arith.constant 0 : i32
    %dma_start3A_24 = arith.constant 0 : i32
    %dma_start3A_25 = tpu.memref_slice %arg2[%dma_start3A_23, %dma_start3A_24] : memref<40000x128xf32, #tpu.memory_space<hbm>> -> memref<40000x128xf32, #tpu.memory_space<hbm>>
    tpu.enqueue_indirect_dma source(%dma_start3A_25 : memref<40000x128xf32, #tpu.memory_space<hbm>>) target(%arg9 : memref<80x128xf32, #tpu.memory_space<vmem>>) offsets(%dma_start3A_22 : memref<80xi32, #tpu.memory_space<vmem>>) semaphore(%arg12 : memref<!tpu.dma_semaphore, #tpu.memory_space<semaphore_mem>>)
    %scan3A = arith.constant 0 : i32
    %scan3A_26 = arith.constant 31 : i32
    %scan3A_27 = arith.addi %scan3A, %scan3A_26 : i32
    %scan3A_28 = arith.constant 1 : i32
    scf.for %scan3A_231 = %scan3A to %scan3A_27 step %scan3A_28  : i32 {
      %mul3A_232 = arith.constant 1 : i32
      %mul3A_233 = arith.muli %scan3A_231, %mul3A_232 : i32
      %add3A_234 = arith.constant 0 : i32
      %add3A_235 = arith.addi %add3A_234, %mul3A_233 : i32
      %mul3A_236 = arith.constant 2 : i32
      %mul3A_237 = arith.muli %add3A_235, %mul3A_236 : i32
      %dma_wait3A_238 = arith.constant 0 : i32
      %dma_wait3A_239 = tpu.memref_slice %arg6[%mul3A_237, %dma_wait3A_238] : memref<64x80xi32, #tpu.memory_space<vmem>> -> memref<1x80xi32, #tpu.memory_space<vmem>>
      %dma_wait3A_240 = tpu.memref_squeeze %dma_wait3A_239 : memref<1x80xi32, #tpu.memory_space<vmem>> -> memref<80xi32, #tpu.memory_space<vmem>>
      %dma_wait3A_241 = arith.constant 0 : i32
      %dma_wait3A_242 = arith.constant 0 : i32
      %dma_wait3A_243 = tpu.memref_slice %arg2[%dma_wait3A_241, %dma_wait3A_242] : memref<40000x128xf32, #tpu.memory_space<hbm>> -> memref<40000x128xf32, #tpu.memory_space<hbm>>
      tpu.wait_indirect_dma semaphore(%arg11 : memref<!tpu.dma_semaphore, #tpu.memory_space<semaphore_mem>>) src(%dma_wait3A_243 : memref<40000x128xf32, #tpu.memory_space<hbm>>) dst(%arg8 : memref<80x128xf32, #tpu.memory_space<vmem>>)
      %add3A_244 = arith.constant 0 : i32
      %add3A_245 = arith.addi %add3A_244, %mul3A_237 : i32
      "tpu.region"() ({
        %run_scoped3A_274 = tpu.sem_alloc : memref<!tpu.dma_semaphore, #tpu.memory_space<semaphore_mem>>
        %dma_start3A_275 = arith.constant 0 : i32
        %dma_start3A_276 = tpu.memref_slice %arg7[%add3A_245, %dma_start3A_275] : memref<125x80xi32, #tpu.memory_space<vmem>> -> memref<1x80xi32, #tpu.memory_space<vmem>>
        %dma_start3A_277 = tpu.memref_squeeze %dma_start3A_276 : memref<1x80xi32, #tpu.memory_space<vmem>> -> memref<80xi32, #tpu.memory_space<vmem>>
        %dma_start3A_278 = arith.constant 0 : i32
        %dma_start3A_279 = arith.constant 0 : i32
        %dma_start3A_280 = tpu.memref_slice %arg10[%dma_start3A_278, %dma_start3A_279] : memref<10000x128xf32, #tpu.memory_space<vmem_shared>> -> memref<10000x128xf32, #tpu.memory_space<vmem_shared>>
        tpu.enqueue_indirect_dma source(%arg8 : memref<80x128xf32, #tpu.memory_space<vmem>>) target(%dma_start3A_280 : memref<10000x128xf32, #tpu.memory_space<vmem_shared>>) offsets(%dma_start3A_277 : memref<80xi32, #tpu.memory_space<vmem>>) semaphore(%run_scoped3A_274 : memref<!tpu.dma_semaphore, #tpu.memory_space<semaphore_mem>>) {add = true}
        %dma_wait3A_281 = arith.constant 0 : i32
        %dma_wait3A_282 = tpu.memref_slice %arg7[%add3A_245, %dma_wait3A_281] : memref<125x80xi32, #tpu.memory_space<vmem>> -> memref<1x80xi32, #tpu.memory_space<vmem>>
        %dma_wait3A_283 = tpu.memref_squeeze %dma_wait3A_282 : memref<1x80xi32, #tpu.memory_space<vmem>> -> memref<80xi32, #tpu.memory_space<vmem>>
        %dma_wait3A_284 = arith.constant 0 : i32
        %dma_wait3A_285 = arith.constant 0 : i32
        %dma_wait3A_286 = tpu.memref_slice %arg10[%dma_wait3A_284, %dma_wait3A_285] : memref<10000x128xf32, #tpu.memory_space<vmem_shared>> -> memref<10000x128xf32, #tpu.memory_space<vmem_shared>>
        tpu.wait_indirect_dma semaphore(%run_scoped3A_274 : memref<!tpu.dma_semaphore, #tpu.memory_space<semaphore_mem>>) src(%arg8 : memref<80x128xf32, #tpu.memory_space<vmem>>) dst(%dma_wait3A_286 : memref<10000x128xf32, #tpu.memory_space<vmem_shared>>)
        tpu.yield
      }) : () -> ()
      %add3A_246 = arith.constant 2 : i32
      %add3A_247 = arith.addi %mul3A_237, %add3A_246 : i32
      %dma_start3A_248 = arith.constant 0 : i32
      %dma_start3A_249 = tpu.memref_slice %arg6[%add3A_247, %dma_start3A_248] : memref<64x80xi32, #tpu.memory_space<vmem>> -> memref<1x80xi32, #tpu.memory_space<vmem>>
      %dma_start3A_250 = tpu.memref_squeeze %dma_start3A_249 : memref<1x80xi32, #tpu.memory_space<vmem>> -> memref<80xi32, #tpu.memory_space<vmem>>
      %dma_start3A_251 = arith.constant 0 : i32
      %dma_start3A_252 = arith.constant 0 : i32
      %dma_start3A_253 = tpu.memref_slice %arg2[%dma_start3A_251, %dma_start3A_252] : memref<40000x128xf32, #tpu.memory_space<hbm>> -> memref<40000x128xf32, #tpu.memory_space<hbm>>
      tpu.enqueue_indirect_dma source(%dma_start3A_253 : memref<40000x128xf32, #tpu.memory_space<hbm>>) target(%arg8 : memref<80x128xf32, #tpu.memory_space<vmem>>) offsets(%dma_start3A_250 : memref<80xi32, #tpu.memory_space<vmem>>) semaphore(%arg11 : memref<!tpu.dma_semaphore, #tpu.memory_space<semaphore_mem>>)
      %add3A_254 = arith.constant 1 : i32
      %add3A_255 = arith.addi %mul3A_237, %add3A_254 : i32
      %dma_wait3A_256 = arith.constant 0 : i32
      %dma_wait3A_257 = tpu.memref_slice %arg6[%add3A_255, %dma_wait3A_256] : memref<64x80xi32, #tpu.memory_space<vmem>> -> memref<1x80xi32, #tpu.memory_space<vmem>>
      %dma_wait3A_258 = tpu.memref_squeeze %dma_wait3A_257 : memref<1x80xi32, #tpu.memory_space<vmem>> -> memref<80xi32, #tpu.memory_space<vmem>>
      %dma_wait3A_259 = arith.constant 0 : i32
      %dma_wait3A_260 = arith.constant 0 : i32
      %dma_wait3A_261 = tpu.memref_slice %arg2[%dma_wait3A_259, %dma_wait3A_260] : memref<40000x128xf32, #tpu.memory_space<hbm>> -> memref<40000x128xf32, #tpu.memory_space<hbm>>
      tpu.wait_indirect_dma semaphore(%arg12 : memref<!tpu.dma_semaphore, #tpu.memory_space<semaphore_mem>>) src(%dma_wait3A_261 : memref<40000x128xf32, #tpu.memory_space<hbm>>) dst(%arg9 : memref<80x128xf32, #tpu.memory_space<vmem>>)
      %add3A_262 = arith.constant 1 : i32
      %add3A_263 = arith.addi %mul3A_237, %add3A_262 : i32
      %add3A_264 = arith.constant 0 : i32
      %add3A_265 = arith.addi %add3A_264, %add3A_263 : i32
      "tpu.region"() ({
        %run_scoped3A_274 = tpu.sem_alloc : memref<!tpu.dma_semaphore, #tpu.memory_space<semaphore_mem>>
        %dma_start3A_275 = arith.constant 0 : i32
        %dma_start3A_276 = tpu.memref_slice %arg7[%add3A_265, %dma_start3A_275] : memref<125x80xi32, #tpu.memory_space<vmem>> -> memref<1x80xi32, #tpu.memory_space<vmem>>
        %dma_start3A_277 = tpu.memref_squeeze %dma_start3A_276 : memref<1x80xi32, #tpu.memory_space<vmem>> -> memref<80xi32, #tpu.memory_space<vmem>>
        %dma_start3A_278 = arith.constant 0 : i32
        %dma_start3A_279 = arith.constant 0 : i32
        %dma_start3A_280 = tpu.memref_slice %arg10[%dma_start3A_278, %dma_start3A_279] : memref<10000x128xf32, #tpu.memory_space<vmem_shared>> -> memref<10000x128xf32, #tpu.memory_space<vmem_shared>>
        tpu.enqueue_indirect_dma source(%arg9 : memref<80x128xf32, #tpu.memory_space<vmem>>) target(%dma_start3A_280 : memref<10000x128xf32, #tpu.memory_space<vmem_shared>>) offsets(%dma_start3A_277 : memref<80xi32, #tpu.memory_space<vmem>>) semaphore(%run_scoped3A_274 : memref<!tpu.dma_semaphore, #tpu.memory_space<semaphore_mem>>) {add = true}
        %dma_wait3A_281 = arith.constant 0 : i32
        %dma_wait3A_282 = tpu.memref_slice %arg7[%add3A_265, %dma_wait3A_281] : memref<125x80xi32, #tpu.memory_space<vmem>> -> memref<1x80xi32, #tpu.memory_space<vmem>>
        %dma_wait3A_283 = tpu.memref_squeeze %dma_wait3A_282 : memref<1x80xi32, #tpu.memory_space<vmem>> -> memref<80xi32, #tpu.memory_space<vmem>>
        %dma_wait3A_284 = arith.constant 0 : i32
        %dma_wait3A_285 = arith.constant 0 : i32
        %dma_wait3A_286 = tpu.memref_slice %arg10[%dma_wait3A_284, %dma_wait3A_285] : memref<10000x128xf32, #tpu.memory_space<vmem_shared>> -> memref<10000x128xf32, #tpu.memory_space<vmem_shared>>
        tpu.wait_indirect_dma semaphore(%run_scoped3A_274 : memref<!tpu.dma_semaphore, #tpu.memory_space<semaphore_mem>>) src(%arg9 : memref<80x128xf32, #tpu.memory_space<vmem>>) dst(%dma_wait3A_286 : memref<10000x128xf32, #tpu.memory_space<vmem_shared>>)
        tpu.yield
      }) : () -> ()
      %add3A_266 = arith.constant 3 : i32
      %add3A_267 = arith.addi %mul3A_237, %add3A_266 : i32
      %dma_start3A_268 = arith.constant 0 : i32
      %dma_start3A_269 = tpu.memref_slice %arg6[%add3A_267, %dma_start3A_268] : memref<64x80xi32, #tpu.memory_space<vmem>> -> memref<1x80xi32, #tpu.memory_space<vmem>>
      %dma_start3A_270 = tpu.memref_squeeze %dma_start3A_269 : memref<1x80xi32, #tpu.memory_space<vmem>> -> memref<80xi32, #tpu.memory_space<vmem>>
      %dma_start3A_271 = arith.constant 0 : i32
      %dma_start3A_272 = arith.constant 0 : i32
      %dma_start3A_273 = tpu.memref_slice %arg2[%dma_start3A_271, %dma_start3A_272] : memref<40000x128xf32, #tpu.memory_space<hbm>> -> memref<40000x128xf32, #tpu.memory_space<hbm>>
      tpu.enqueue_indirect_dma source(%dma_start3A_273 : memref<40000x128xf32, #tpu.memory_space<hbm>>) target(%arg9 : memref<80x128xf32, #tpu.memory_space<vmem>>) offsets(%dma_start3A_270 : memref<80xi32, #tpu.memory_space<vmem>>) semaphore(%arg12 : memref<!tpu.dma_semaphore, #tpu.memory_space<semaphore_mem>>)
    }
    %scan3A_29 = arith.constant 31 : i32
    %dma_wait3A = arith.constant 62 : i32
    %dma_wait3A_30 = arith.constant 0 : i32
    %dma_wait3A_31 = tpu.memref_slice %arg6[%dma_wait3A, %dma_wait3A_30] : memref<64x80xi32, #tpu.memory_space<vmem>> -> memref<1x80xi32, #tpu.memory_space<vmem>>
    %dma_wait3A_32 = tpu.memref_squeeze %dma_wait3A_31 : memref<1x80xi32, #tpu.memory_space<vmem>> -> memref<80xi32, #tpu.memory_space<vmem>>
    %dma_wait3A_33 = arith.constant 0 : i32
    %dma_wait3A_34 = arith.constant 0 : i32
    %dma_wait3A_35 = tpu.memref_slice %arg2[%dma_wait3A_33, %dma_wait3A_34] : memref<40000x128xf32, #tpu.memory_space<hbm>> -> memref<40000x128xf32, #tpu.memory_space<hbm>>
    tpu.wait_indirect_dma semaphore(%arg11 : memref<!tpu.dma_semaphore, #tpu.memory_space<semaphore_mem>>) src(%dma_wait3A_35 : memref<40000x128xf32, #tpu.memory_space<hbm>>) dst(%arg8 : memref<80x128xf32, #tpu.memory_space<vmem>>)
    %run_scoped3A = arith.constant 62 : i32
    "tpu.region"() ({
      %run_scoped3A_231 = tpu.sem_alloc : memref<!tpu.dma_semaphore, #tpu.memory_space<semaphore_mem>>
      %dma_start3A_232 = arith.constant 0 : i32
      %dma_start3A_233 = tpu.memref_slice %arg7[%run_scoped3A, %dma_start3A_232] : memref<125x80xi32, #tpu.memory_space<vmem>> -> memref<1x80xi32, #tpu.memory_space<vmem>>
      %dma_start3A_234 = tpu.memref_squeeze %dma_start3A_233 : memref<1x80xi32, #tpu.memory_space<vmem>> -> memref<80xi32, #tpu.memory_space<vmem>>
      %dma_start3A_235 = arith.constant 0 : i32
      %dma_start3A_236 = arith.constant 0 : i32
      %dma_start3A_237 = tpu.memref_slice %arg10[%dma_start3A_235, %dma_start3A_236] : memref<10000x128xf32, #tpu.memory_space<vmem_shared>> -> memref<10000x128xf32, #tpu.memory_space<vmem_shared>>
      tpu.enqueue_indirect_dma source(%arg8 : memref<80x128xf32, #tpu.memory_space<vmem>>) target(%dma_start3A_237 : memref<10000x128xf32, #tpu.memory_space<vmem_shared>>) offsets(%dma_start3A_234 : memref<80xi32, #tpu.memory_space<vmem>>) semaphore(%run_scoped3A_231 : memref<!tpu.dma_semaphore, #tpu.memory_space<semaphore_mem>>) {add = true}
      %dma_wait3A_238 = arith.constant 0 : i32
      %dma_wait3A_239 = tpu.memref_slice %arg7[%run_scoped3A, %dma_wait3A_238] : memref<125x80xi32, #tpu.memory_space<vmem>> -> memref<1x80xi32, #tpu.memory_space<vmem>>
      %dma_wait3A_240 = tpu.memref_squeeze %dma_wait3A_239 : memref<1x80xi32, #tpu.memory_space<vmem>> -> memref<80xi32, #tpu.memory_space<vmem>>
      %dma_wait3A_241 = arith.constant 0 : i32
      %dma_wait3A_242 = arith.constant 0 : i32
      %dma_wait3A_243 = tpu.memref_slice %arg10[%dma_wait3A_241, %dma_wait3A_242] : memref<10000x128xf32, #tpu.memory_space<vmem_shared>> -> memref<10000x128xf32, #tpu.memory_space<vmem_shared>>
      tpu.wait_indirect_dma semaphore(%run_scoped3A_231 : memref<!tpu.dma_semaphore, #tpu.memory_space<semaphore_mem>>) src(%arg8 : memref<80x128xf32, #tpu.memory_space<vmem>>) dst(%dma_wait3A_243 : memref<10000x128xf32, #tpu.memory_space<vmem_shared>>)
      tpu.yield
    }) : () -> ()
    %dma_wait3A_36 = arith.constant 63 : i32
    %dma_wait3A_37 = arith.constant 0 : i32
    %dma_wait3A_38 = tpu.memref_slice %arg6[%dma_wait3A_36, %dma_wait3A_37] : memref<64x80xi32, #tpu.memory_space<vmem>> -> memref<1x80xi32, #tpu.memory_space<vmem>>
    %dma_wait3A_39 = tpu.memref_squeeze %dma_wait3A_38 : memref<1x80xi32, #tpu.memory_space<vmem>> -> memref<80xi32, #tpu.memory_space<vmem>>
    %dma_wait3A_40 = arith.constant 0 : i32
    %dma_wait3A_41 = arith.constant 0 : i32
    %dma_wait3A_42 = tpu.memref_slice %arg2[%dma_wait3A_40, %dma_wait3A_41] : memref<40000x128xf32, #tpu.memory_space<hbm>> -> memref<40000x128xf32, #tpu.memory_space<hbm>>
    tpu.wait_indirect_dma semaphore(%arg12 : memref<!tpu.dma_semaphore, #tpu.memory_space<semaphore_mem>>) src(%dma_wait3A_42 : memref<40000x128xf32, #tpu.memory_space<hbm>>) dst(%arg9 : memref<80x128xf32, #tpu.memory_space<vmem>>)
    %run_scoped3A_43 = arith.constant 63 : i32
    "tpu.region"() ({
      %run_scoped3A_231 = tpu.sem_alloc : memref<!tpu.dma_semaphore, #tpu.memory_space<semaphore_mem>>
      %dma_start3A_232 = arith.constant 0 : i32
      %dma_start3A_233 = tpu.memref_slice %arg7[%run_scoped3A_43, %dma_start3A_232] : memref<125x80xi32, #tpu.memory_space<vmem>> -> memref<1x80xi32, #tpu.memory_space<vmem>>
      %dma_start3A_234 = tpu.memref_squeeze %dma_start3A_233 : memref<1x80xi32, #tpu.memory_space<vmem>> -> memref<80xi32, #tpu.memory_space<vmem>>
      %dma_start3A_235 = arith.constant 0 : i32
      %dma_start3A_236 = arith.constant 0 : i32
      %dma_start3A_237 = tpu.memref_slice %arg10[%dma_start3A_235, %dma_start3A_236] : memref<10000x128xf32, #tpu.memory_space<vmem_shared>> -> memref<10000x128xf32, #tpu.memory_space<vmem_shared>>
      tpu.enqueue_indirect_dma source(%arg9 : memref<80x128xf32, #tpu.memory_space<vmem>>) target(%dma_start3A_237 : memref<10000x128xf32, #tpu.memory_space<vmem_shared>>) offsets(%dma_start3A_234 : memref<80xi32, #tpu.memory_space<vmem>>) semaphore(%run_scoped3A_231 : memref<!tpu.dma_semaphore, #tpu.memory_space<semaphore_mem>>) {add = true}
      %dma_wait3A_238 = arith.constant 0 : i32
      %dma_wait3A_239 = tpu.memref_slice %arg7[%run_scoped3A_43, %dma_wait3A_238] : memref<125x80xi32, #tpu.memory_space<vmem>> -> memref<1x80xi32, #tpu.memory_space<vmem>>
      %dma_wait3A_240 = tpu.memref_squeeze %dma_wait3A_239 : memref<1x80xi32, #tpu.memory_space<vmem>> -> memref<80xi32, #tpu.memory_space<vmem>>
      %dma_wait3A_241 = arith.constant 0 : i32
      %dma_wait3A_242 = arith.constant 0 : i32
      %dma_wait3A_243 = tpu.memref_slice %arg10[%dma_wait3A_241, %dma_wait3A_242] : memref<10000x128xf32, #tpu.memory_space<vmem_shared>> -> memref<10000x128xf32, #tpu.memory_space<vmem_shared>>
      tpu.wait_indirect_dma semaphore(%run_scoped3A_231 : memref<!tpu.dma_semaphore, #tpu.memory_space<semaphore_mem>>) src(%arg9 : memref<80x128xf32, #tpu.memory_space<vmem>>) dst(%dma_wait3A_243 : memref<10000x128xf32, #tpu.memory_space<vmem_shared>>)
      tpu.yield
    }) : () -> ()
    %mul3A_44 = arith.constant 16 : i32
    %mul3A_45 = arith.muli %add3A_1, %mul3A_44 : i32
    %add3A_46 = arith.addi %mul3A_45, %arg1 : i32
    "tpu.region"() ({
      %run_scoped3A_231 = tpu.sem_alloc : memref<!tpu.dma_semaphore, #tpu.memory_space<semaphore_mem>>
      %dma_start3A_232 = arith.constant 0 : i32
      %dma_start3A_233 = arith.constant 0 : i32
      %dma_start3A_234 = tpu.memref_slice %arg6[%dma_start3A_232, %dma_start3A_233] : memref<64x80xi32, #tpu.memory_space<vmem>> -> memref<61x80xi32, #tpu.memory_space<vmem>>
      %dma_start3A_235 = arith.constant 0 : i32
      %dma_start3A_236 = arith.constant 0 : i32
      %dma_start3A_237 = tpu.memref_slice %arg3[%add3A_46, %dma_start3A_235, %dma_start3A_236] : memref<64x125x80xi32, #tpu.memory_space<hbm>> -> memref<1x125x80xi32, #tpu.memory_space<hbm>>
      %dma_start3A_238 = tpu.memref_squeeze %dma_start3A_237 : memref<1x125x80xi32, #tpu.memory_space<hbm>> -> memref<125x80xi32, #tpu.memory_space<hbm>>
      %dma_start3A_239 = arith.constant 64 : i32
      %dma_start3A_240 = arith.constant 0 : i32
      %dma_start3A_241 = tpu.memref_slice %dma_start3A_238[%dma_start3A_239, %dma_start3A_240] : memref<125x80xi32, #tpu.memory_space<hbm>> -> memref<61x80xi32, #tpu.memory_space<hbm>>
      %dma_start3A_242 = arith.constant 0 : i32
      %dma_start3A_243 = arith.constant 0 : i32
      %dma_start3A_244 = tpu.memref_slice %arg6[%dma_start3A_242, %dma_start3A_243] : memref<64x80xi32, #tpu.memory_space<vmem>> -> memref<61x80xi32, #tpu.memory_space<vmem>>
      %dma_start3A_245 = arith.constant 0 : i32
      %dma_start3A_246 = arith.constant 0 : i32
      %dma_start3A_247 = tpu.memref_slice %arg3[%add3A_46, %dma_start3A_245, %dma_start3A_246] : memref<64x125x80xi32, #tpu.memory_space<hbm>> -> memref<1x125x80xi32, #tpu.memory_space<hbm>>
      %dma_start3A_248 = tpu.memref_squeeze %dma_start3A_247 : memref<1x125x80xi32, #tpu.memory_space<hbm>> -> memref<125x80xi32, #tpu.memory_space<hbm>>
      %dma_start3A_249 = arith.constant 64 : i32
      %dma_start3A_250 = arith.constant 0 : i32
      %dma_start3A_251 = tpu.memref_slice %dma_start3A_248[%dma_start3A_249, %dma_start3A_250] : memref<125x80xi32, #tpu.memory_space<hbm>> -> memref<61x80xi32, #tpu.memory_space<hbm>>
      tpu.enqueue_dma source(%dma_start3A_251 : memref<61x80xi32, #tpu.memory_space<hbm>>) target(%dma_start3A_244 : memref<61x80xi32, #tpu.memory_space<vmem>>) target_semaphore(%run_scoped3A_231 : memref<!tpu.dma_semaphore, #tpu.memory_space<semaphore_mem>>)
      %dma_wait3A_252 = arith.constant 0 : i32
      %dma_wait3A_253 = arith.constant 0 : i32
      %dma_wait3A_254 = tpu.memref_slice %arg6[%dma_wait3A_252, %dma_wait3A_253] : memref<64x80xi32, #tpu.memory_space<vmem>> -> memref<61x80xi32, #tpu.memory_space<vmem>>
      %dma_wait3A_255 = arith.constant 0 : i32
      %dma_wait3A_256 = arith.constant 0 : i32
      %dma_wait3A_257 = tpu.memref_slice %arg3[%add3A_46, %dma_wait3A_255, %dma_wait3A_256] : memref<64x125x80xi32, #tpu.memory_space<hbm>> -> memref<1x125x80xi32, #tpu.memory_space<hbm>>
      %dma_wait3A_258 = tpu.memref_squeeze %dma_wait3A_257 : memref<1x125x80xi32, #tpu.memory_space<hbm>> -> memref<125x80xi32, #tpu.memory_space<hbm>>
      %dma_wait3A_259 = arith.constant 64 : i32
      %dma_wait3A_260 = arith.constant 0 : i32
      %dma_wait3A_261 = tpu.memref_slice %dma_wait3A_258[%dma_wait3A_259, %dma_wait3A_260] : memref<125x80xi32, #tpu.memory_space<hbm>> -> memref<61x80xi32, #tpu.memory_space<hbm>>
      %dma_wait3A_262 = arith.constant 0 : i32
      %dma_wait3A_263 = arith.constant 0 : i32
      %dma_wait3A_264 = tpu.memref_slice %arg6[%dma_wait3A_262, %dma_wait3A_263] : memref<64x80xi32, #tpu.memory_space<vmem>> -> memref<61x80xi32, #tpu.memory_space<vmem>>
      %dma_wait3A_265 = arith.constant 0 : i32
      %dma_wait3A_266 = arith.constant 0 : i32
      %dma_wait3A_267 = tpu.memref_slice %arg3[%add3A_46, %dma_wait3A_265, %dma_wait3A_266] : memref<64x125x80xi32, #tpu.memory_space<hbm>> -> memref<1x125x80xi32, #tpu.memory_space<hbm>>
      %dma_wait3A_268 = tpu.memref_squeeze %dma_wait3A_267 : memref<1x125x80xi32, #tpu.memory_space<hbm>> -> memref<125x80xi32, #tpu.memory_space<hbm>>
      %dma_wait3A_269 = arith.constant 64 : i32
      %dma_wait3A_270 = arith.constant 0 : i32
      %dma_wait3A_271 = tpu.memref_slice %dma_wait3A_268[%dma_wait3A_269, %dma_wait3A_270] : memref<125x80xi32, #tpu.memory_space<hbm>> -> memref<61x80xi32, #tpu.memory_space<hbm>>
      tpu.wait_dma2 semaphore(%run_scoped3A_231 : memref<!tpu.dma_semaphore, #tpu.memory_space<semaphore_mem>>) src(%dma_wait3A_271 : memref<61x80xi32, #tpu.memory_space<hbm>>) dst(%dma_wait3A_264 : memref<61x80xi32, #tpu.memory_space<vmem>>)
      tpu.yield
    }) : () -> ()
    %dma_start3A_47 = arith.constant 0 : i32
    %dma_start3A_48 = arith.constant 0 : i32
    %dma_start3A_49 = tpu.memref_slice %arg6[%dma_start3A_47, %dma_start3A_48] : memref<64x80xi32, #tpu.memory_space<vmem>> -> memref<1x80xi32, #tpu.memory_space<vmem>>
    %dma_start3A_50 = tpu.memref_squeeze %dma_start3A_49 : memref<1x80xi32, #tpu.memory_space<vmem>> -> memref<80xi32, #tpu.memory_space<vmem>>
    %dma_start3A_51 = arith.constant 0 : i32
    %dma_start3A_52 = arith.constant 0 : i32
    %dma_start3A_53 = tpu.memref_slice %arg2[%dma_start3A_51, %dma_start3A_52] : memref<40000x128xf32, #tpu.memory_space<hbm>> -> memref<40000x128xf32, #tpu.memory_space<hbm>>
    tpu.enqueue_indirect_dma source(%dma_start3A_53 : memref<40000x128xf32, #tpu.memory_space<hbm>>) target(%arg8 : memref<80x128xf32, #tpu.memory_space<vmem>>) offsets(%dma_start3A_50 : memref<80xi32, #tpu.memory_space<vmem>>) semaphore(%arg11 : memref<!tpu.dma_semaphore, #tpu.memory_space<semaphore_mem>>)
    %dma_start3A_54 = arith.constant 1 : i32
    %dma_start3A_55 = arith.constant 0 : i32
    %dma_start3A_56 = tpu.memref_slice %arg6[%dma_start3A_54, %dma_start3A_55] : memref<64x80xi32, #tpu.memory_space<vmem>> -> memref<1x80xi32, #tpu.memory_space<vmem>>
    %dma_start3A_57 = tpu.memref_squeeze %dma_start3A_56 : memref<1x80xi32, #tpu.memory_space<vmem>> -> memref<80xi32, #tpu.memory_space<vmem>>
    %dma_start3A_58 = arith.constant 0 : i32
    %dma_start3A_59 = arith.constant 0 : i32
    %dma_start3A_60 = tpu.memref_slice %arg2[%dma_start3A_58, %dma_start3A_59] : memref<40000x128xf32, #tpu.memory_space<hbm>> -> memref<40000x128xf32, #tpu.memory_space<hbm>>
    tpu.enqueue_indirect_dma source(%dma_start3A_60 : memref<40000x128xf32, #tpu.memory_space<hbm>>) target(%arg9 : memref<80x128xf32, #tpu.memory_space<vmem>>) offsets(%dma_start3A_57 : memref<80xi32, #tpu.memory_space<vmem>>) semaphore(%arg12 : memref<!tpu.dma_semaphore, #tpu.memory_space<semaphore_mem>>)
    %scan3A_61 = arith.constant 0 : i32
    %scan3A_62 = arith.constant 29 : i32
    %scan3A_63 = arith.addi %scan3A_61, %scan3A_62 : i32
    %scan3A_64 = arith.constant 1 : i32
    scf.for %scan3A_231 = %scan3A_61 to %scan3A_63 step %scan3A_64  : i32 {
      %mul3A_232 = arith.constant 1 : i32
      %mul3A_233 = arith.muli %scan3A_231, %mul3A_232 : i32
      %add3A_234 = arith.constant 0 : i32
      %add3A_235 = arith.addi %add3A_234, %mul3A_233 : i32
      %mul3A_236 = arith.constant 2 : i32
      %mul3A_237 = arith.muli %add3A_235, %mul3A_236 : i32
      %dma_wait3A_238 = arith.constant 0 : i32
      %dma_wait3A_239 = tpu.memref_slice %arg6[%mul3A_237, %dma_wait3A_238] : memref<64x80xi32, #tpu.memory_space<vmem>> -> memref<1x80xi32, #tpu.memory_space<vmem>>
      %dma_wait3A_240 = tpu.memref_squeeze %dma_wait3A_239 : memref<1x80xi32, #tpu.memory_space<vmem>> -> memref<80xi32, #tpu.memory_space<vmem>>
      %dma_wait3A_241 = arith.constant 0 : i32
      %dma_wait3A_242 = arith.constant 0 : i32
      %dma_wait3A_243 = tpu.memref_slice %arg2[%dma_wait3A_241, %dma_wait3A_242] : memref<40000x128xf32, #tpu.memory_space<hbm>> -> memref<40000x128xf32, #tpu.memory_space<hbm>>
      tpu.wait_indirect_dma semaphore(%arg11 : memref<!tpu.dma_semaphore, #tpu.memory_space<semaphore_mem>>) src(%dma_wait3A_243 : memref<40000x128xf32, #tpu.memory_space<hbm>>) dst(%arg8 : memref<80x128xf32, #tpu.memory_space<vmem>>)
      %add3A_244 = arith.constant 64 : i32
      %add3A_245 = arith.addi %add3A_244, %mul3A_237 : i32
      "tpu.region"() ({
        %run_scoped3A_274 = tpu.sem_alloc : memref<!tpu.dma_semaphore, #tpu.memory_space<semaphore_mem>>
        %dma_start3A_275 = arith.constant 0 : i32
        %dma_start3A_276 = tpu.memref_slice %arg7[%add3A_245, %dma_start3A_275] : memref<125x80xi32, #tpu.memory_space<vmem>> -> memref<1x80xi32, #tpu.memory_space<vmem>>
        %dma_start3A_277 = tpu.memref_squeeze %dma_start3A_276 : memref<1x80xi32, #tpu.memory_space<vmem>> -> memref<80xi32, #tpu.memory_space<vmem>>
        %dma_start3A_278 = arith.constant 0 : i32
        %dma_start3A_279 = arith.constant 0 : i32
        %dma_start3A_280 = tpu.memref_slice %arg10[%dma_start3A_278, %dma_start3A_279] : memref<10000x128xf32, #tpu.memory_space<vmem_shared>> -> memref<10000x128xf32, #tpu.memory_space<vmem_shared>>
        tpu.enqueue_indirect_dma source(%arg8 : memref<80x128xf32, #tpu.memory_space<vmem>>) target(%dma_start3A_280 : memref<10000x128xf32, #tpu.memory_space<vmem_shared>>) offsets(%dma_start3A_277 : memref<80xi32, #tpu.memory_space<vmem>>) semaphore(%run_scoped3A_274 : memref<!tpu.dma_semaphore, #tpu.memory_space<semaphore_mem>>) {add = true}
        %dma_wait3A_281 = arith.constant 0 : i32
        %dma_wait3A_282 = tpu.memref_slice %arg7[%add3A_245, %dma_wait3A_281] : memref<125x80xi32, #tpu.memory_space<vmem>> -> memref<1x80xi32, #tpu.memory_space<vmem>>
        %dma_wait3A_283 = tpu.memref_squeeze %dma_wait3A_282 : memref<1x80xi32, #tpu.memory_space<vmem>> -> memref<80xi32, #tpu.memory_space<vmem>>
        %dma_wait3A_284 = arith.constant 0 : i32
        %dma_wait3A_285 = arith.constant 0 : i32
        %dma_wait3A_286 = tpu.memref_slice %arg10[%dma_wait3A_284, %dma_wait3A_285] : memref<10000x128xf32, #tpu.memory_space<vmem_shared>> -> memref<10000x128xf32, #tpu.memory_space<vmem_shared>>
        tpu.wait_indirect_dma semaphore(%run_scoped3A_274 : memref<!tpu.dma_semaphore, #tpu.memory_space<semaphore_mem>>) src(%arg8 : memref<80x128xf32, #tpu.memory_space<vmem>>) dst(%dma_wait3A_286 : memref<10000x128xf32, #tpu.memory_space<vmem_shared>>)
        tpu.yield
      }) : () -> ()
      %add3A_246 = arith.constant 2 : i32
      %add3A_247 = arith.addi %mul3A_237, %add3A_246 : i32
      %dma_start3A_248 = arith.constant 0 : i32
      %dma_start3A_249 = tpu.memref_slice %arg6[%add3A_247, %dma_start3A_248] : memref<64x80xi32, #tpu.memory_space<vmem>> -> memref<1x80xi32, #tpu.memory_space<vmem>>
      %dma_start3A_250 = tpu.memref_squeeze %dma_start3A_249 : memref<1x80xi32, #tpu.memory_space<vmem>> -> memref<80xi32, #tpu.memory_space<vmem>>
      %dma_start3A_251 = arith.constant 0 : i32
      %dma_start3A_252 = arith.constant 0 : i32
      %dma_start3A_253 = tpu.memref_slice %arg2[%dma_start3A_251, %dma_start3A_252] : memref<40000x128xf32, #tpu.memory_space<hbm>> -> memref<40000x128xf32, #tpu.memory_space<hbm>>
      tpu.enqueue_indirect_dma source(%dma_start3A_253 : memref<40000x128xf32, #tpu.memory_space<hbm>>) target(%arg8 : memref<80x128xf32, #tpu.memory_space<vmem>>) offsets(%dma_start3A_250 : memref<80xi32, #tpu.memory_space<vmem>>) semaphore(%arg11 : memref<!tpu.dma_semaphore, #tpu.memory_space<semaphore_mem>>)
      %add3A_254 = arith.constant 1 : i32
      %add3A_255 = arith.addi %mul3A_237, %add3A_254 : i32
      %dma_wait3A_256 = arith.constant 0 : i32
      %dma_wait3A_257 = tpu.memref_slice %arg6[%add3A_255, %dma_wait3A_256] : memref<64x80xi32, #tpu.memory_space<vmem>> -> memref<1x80xi32, #tpu.memory_space<vmem>>
      %dma_wait3A_258 = tpu.memref_squeeze %dma_wait3A_257 : memref<1x80xi32, #tpu.memory_space<vmem>> -> memref<80xi32, #tpu.memory_space<vmem>>
      %dma_wait3A_259 = arith.constant 0 : i32
      %dma_wait3A_260 = arith.constant 0 : i32
      %dma_wait3A_261 = tpu.memref_slice %arg2[%dma_wait3A_259, %dma_wait3A_260] : memref<40000x128xf32, #tpu.memory_space<hbm>> -> memref<40000x128xf32, #tpu.memory_space<hbm>>
      tpu.wait_indirect_dma semaphore(%arg12 : memref<!tpu.dma_semaphore, #tpu.memory_space<semaphore_mem>>) src(%dma_wait3A_261 : memref<40000x128xf32, #tpu.memory_space<hbm>>) dst(%arg9 : memref<80x128xf32, #tpu.memory_space<vmem>>)
      %add3A_262 = arith.constant 1 : i32
      %add3A_263 = arith.addi %mul3A_237, %add3A_262 : i32
      %add3A_264 = arith.constant 64 : i32
      %add3A_265 = arith.addi %add3A_264, %add3A_263 : i32
      "tpu.region"() ({
        %run_scoped3A_274 = tpu.sem_alloc : memref<!tpu.dma_semaphore, #tpu.memory_space<semaphore_mem>>
        %dma_start3A_275 = arith.constant 0 : i32
        %dma_start3A_276 = tpu.memref_slice %arg7[%add3A_265, %dma_start3A_275] : memref<125x80xi32, #tpu.memory_space<vmem>> -> memref<1x80xi32, #tpu.memory_space<vmem>>
        %dma_start3A_277 = tpu.memref_squeeze %dma_start3A_276 : memref<1x80xi32, #tpu.memory_space<vmem>> -> memref<80xi32, #tpu.memory_space<vmem>>
        %dma_start3A_278 = arith.constant 0 : i32
        %dma_start3A_279 = arith.constant 0 : i32
        %dma_start3A_280 = tpu.memref_slice %arg10[%dma_start3A_278, %dma_start3A_279] : memref<10000x128xf32, #tpu.memory_space<vmem_shared>> -> memref<10000x128xf32, #tpu.memory_space<vmem_shared>>
        tpu.enqueue_indirect_dma source(%arg9 : memref<80x128xf32, #tpu.memory_space<vmem>>) target(%dma_start3A_280 : memref<10000x128xf32, #tpu.memory_space<vmem_shared>>) offsets(%dma_start3A_277 : memref<80xi32, #tpu.memory_space<vmem>>) semaphore(%run_scoped3A_274 : memref<!tpu.dma_semaphore, #tpu.memory_space<semaphore_mem>>) {add = true}
        %dma_wait3A_281 = arith.constant 0 : i32
        %dma_wait3A_282 = tpu.memref_slice %arg7[%add3A_265, %dma_wait3A_281] : memref<125x80xi32, #tpu.memory_space<vmem>> -> memref<1x80xi32, #tpu.memory_space<vmem>>
        %dma_wait3A_283 = tpu.memref_squeeze %dma_wait3A_282 : memref<1x80xi32, #tpu.memory_space<vmem>> -> memref<80xi32, #tpu.memory_space<vmem>>
        %dma_wait3A_284 = arith.constant 0 : i32
        %dma_wait3A_285 = arith.constant 0 : i32
        %dma_wait3A_286 = tpu.memref_slice %arg10[%dma_wait3A_284, %dma_wait3A_285] : memref<10000x128xf32, #tpu.memory_space<vmem_shared>> -> memref<10000x128xf32, #tpu.memory_space<vmem_shared>>
        tpu.wait_indirect_dma semaphore(%run_scoped3A_274 : memref<!tpu.dma_semaphore, #tpu.memory_space<semaphore_mem>>) src(%arg9 : memref<80x128xf32, #tpu.memory_space<vmem>>) dst(%dma_wait3A_286 : memref<10000x128xf32, #tpu.memory_space<vmem_shared>>)
        tpu.yield
      }) : () -> ()
      %add3A_266 = arith.constant 3 : i32
      %add3A_267 = arith.addi %mul3A_237, %add3A_266 : i32
      %dma_start3A_268 = arith.constant 0 : i32
      %dma_start3A_269 = tpu.memref_slice %arg6[%add3A_267, %dma_start3A_268] : memref<64x80xi32, #tpu.memory_space<vmem>> -> memref<1x80xi32, #tpu.memory_space<vmem>>
      %dma_start3A_270 = tpu.memref_squeeze %dma_start3A_269 : memref<1x80xi32, #tpu.memory_space<vmem>> -> memref<80xi32, #tpu.memory_space<vmem>>
      %dma_start3A_271 = arith.constant 0 : i32
      %dma_start3A_272 = arith.constant 0 : i32
      %dma_start3A_273 = tpu.memref_slice %arg2[%dma_start3A_271, %dma_start3A_272] : memref<40000x128xf32, #tpu.memory_space<hbm>> -> memref<40000x128xf32, #tpu.memory_space<hbm>>
      tpu.enqueue_indirect_dma source(%dma_start3A_273 : memref<40000x128xf32, #tpu.memory_space<hbm>>) target(%arg9 : memref<80x128xf32, #tpu.memory_space<vmem>>) offsets(%dma_start3A_270 : memref<80xi32, #tpu.memory_space<vmem>>) semaphore(%arg12 : memref<!tpu.dma_semaphore, #tpu.memory_space<semaphore_mem>>)
    }
    %scan3A_65 = arith.constant 29 : i32
    %dma_wait3A_66 = arith.constant 58 : i32
    %dma_wait3A_67 = arith.constant 0 : i32
    %dma_wait3A_68 = tpu.memref_slice %arg6[%dma_wait3A_66, %dma_wait3A_67] : memref<64x80xi32, #tpu.memory_space<vmem>> -> memref<1x80xi32, #tpu.memory_space<vmem>>
    %dma_wait3A_69 = tpu.memref_squeeze %dma_wait3A_68 : memref<1x80xi32, #tpu.memory_space<vmem>> -> memref<80xi32, #tpu.memory_space<vmem>>
    %dma_wait3A_70 = arith.constant 0 : i32
    %dma_wait3A_71 = arith.constant 0 : i32
    %dma_wait3A_72 = tpu.memref_slice %arg2[%dma_wait3A_70, %dma_wait3A_71] : memref<40000x128xf32, #tpu.memory_space<hbm>> -> memref<40000x128xf32, #tpu.memory_space<hbm>>
    tpu.wait_indirect_dma semaphore(%arg11 : memref<!tpu.dma_semaphore, #tpu.memory_space<semaphore_mem>>) src(%dma_wait3A_72 : memref<40000x128xf32, #tpu.memory_space<hbm>>) dst(%arg8 : memref<80x128xf32, #tpu.memory_space<vmem>>)
    %run_scoped3A_73 = arith.constant 122 : i32
    "tpu.region"() ({
      %run_scoped3A_231 = tpu.sem_alloc : memref<!tpu.dma_semaphore, #tpu.memory_space<semaphore_mem>>
      %dma_start3A_232 = arith.constant 0 : i32
      %dma_start3A_233 = tpu.memref_slice %arg7[%run_scoped3A_73, %dma_start3A_232] : memref<125x80xi32, #tpu.memory_space<vmem>> -> memref<1x80xi32, #tpu.memory_space<vmem>>
      %dma_start3A_234 = tpu.memref_squeeze %dma_start3A_233 : memref<1x80xi32, #tpu.memory_space<vmem>> -> memref<80xi32, #tpu.memory_space<vmem>>
      %dma_start3A_235 = arith.constant 0 : i32
      %dma_start3A_236 = arith.constant 0 : i32
      %dma_start3A_237 = tpu.memref_slice %arg10[%dma_start3A_235, %dma_start3A_236] : memref<10000x128xf32, #tpu.memory_space<vmem_shared>> -> memref<10000x128xf32, #tpu.memory_space<vmem_shared>>
      tpu.enqueue_indirect_dma source(%arg8 : memref<80x128xf32, #tpu.memory_space<vmem>>) target(%dma_start3A_237 : memref<10000x128xf32, #tpu.memory_space<vmem_shared>>) offsets(%dma_start3A_234 : memref<80xi32, #tpu.memory_space<vmem>>) semaphore(%run_scoped3A_231 : memref<!tpu.dma_semaphore, #tpu.memory_space<semaphore_mem>>) {add = true}
      %dma_wait3A_238 = arith.constant 0 : i32
      %dma_wait3A_239 = tpu.memref_slice %arg7[%run_scoped3A_73, %dma_wait3A_238] : memref<125x80xi32, #tpu.memory_space<vmem>> -> memref<1x80xi32, #tpu.memory_space<vmem>>
      %dma_wait3A_240 = tpu.memref_squeeze %dma_wait3A_239 : memref<1x80xi32, #tpu.memory_space<vmem>> -> memref<80xi32, #tpu.memory_space<vmem>>
      %dma_wait3A_241 = arith.constant 0 : i32
      %dma_wait3A_242 = arith.constant 0 : i32
      %dma_wait3A_243 = tpu.memref_slice %arg10[%dma_wait3A_241, %dma_wait3A_242] : memref<10000x128xf32, #tpu.memory_space<vmem_shared>> -> memref<10000x128xf32, #tpu.memory_space<vmem_shared>>
      tpu.wait_indirect_dma semaphore(%run_scoped3A_231 : memref<!tpu.dma_semaphore, #tpu.memory_space<semaphore_mem>>) src(%arg8 : memref<80x128xf32, #tpu.memory_space<vmem>>) dst(%dma_wait3A_243 : memref<10000x128xf32, #tpu.memory_space<vmem_shared>>)
      tpu.yield
    }) : () -> ()
    %dma_start3A_74 = arith.constant 60 : i32
    %dma_start3A_75 = arith.constant 0 : i32
    %dma_start3A_76 = tpu.memref_slice %arg6[%dma_start3A_74, %dma_start3A_75] : memref<64x80xi32, #tpu.memory_space<vmem>> -> memref<1x80xi32, #tpu.memory_space<vmem>>
    %dma_start3A_77 = tpu.memref_squeeze %dma_start3A_76 : memref<1x80xi32, #tpu.memory_space<vmem>> -> memref<80xi32, #tpu.memory_space<vmem>>
    %dma_start3A_78 = arith.constant 0 : i32
    %dma_start3A_79 = arith.constant 0 : i32
    %dma_start3A_80 = tpu.memref_slice %arg2[%dma_start3A_78, %dma_start3A_79] : memref<40000x128xf32, #tpu.memory_space<hbm>> -> memref<40000x128xf32, #tpu.memory_space<hbm>>
    tpu.enqueue_indirect_dma source(%dma_start3A_80 : memref<40000x128xf32, #tpu.memory_space<hbm>>) target(%arg8 : memref<80x128xf32, #tpu.memory_space<vmem>>) offsets(%dma_start3A_77 : memref<80xi32, #tpu.memory_space<vmem>>) semaphore(%arg11 : memref<!tpu.dma_semaphore, #tpu.memory_space<semaphore_mem>>)
    %dma_wait3A_81 = arith.constant 59 : i32
    %dma_wait3A_82 = arith.constant 0 : i32
    %dma_wait3A_83 = tpu.memref_slice %arg6[%dma_wait3A_81, %dma_wait3A_82] : memref<64x80xi32, #tpu.memory_space<vmem>> -> memref<1x80xi32, #tpu.memory_space<vmem>>
    %dma_wait3A_84 = tpu.memref_squeeze %dma_wait3A_83 : memref<1x80xi32, #tpu.memory_space<vmem>> -> memref<80xi32, #tpu.memory_space<vmem>>
    %dma_wait3A_85 = arith.constant 0 : i32
    %dma_wait3A_86 = arith.constant 0 : i32
    %dma_wait3A_87 = tpu.memref_slice %arg2[%dma_wait3A_85, %dma_wait3A_86] : memref<40000x128xf32, #tpu.memory_space<hbm>> -> memref<40000x128xf32, #tpu.memory_space<hbm>>
    tpu.wait_indirect_dma semaphore(%arg12 : memref<!tpu.dma_semaphore, #tpu.memory_space<semaphore_mem>>) src(%dma_wait3A_87 : memref<40000x128xf32, #tpu.memory_space<hbm>>) dst(%arg9 : memref<80x128xf32, #tpu.memory_space<vmem>>)
    %run_scoped3A_88 = arith.constant 123 : i32
    "tpu.region"() ({
      %run_scoped3A_231 = tpu.sem_alloc : memref<!tpu.dma_semaphore, #tpu.memory_space<semaphore_mem>>
      %dma_start3A_232 = arith.constant 0 : i32
      %dma_start3A_233 = tpu.memref_slice %arg7[%run_scoped3A_88, %dma_start3A_232] : memref<125x80xi32, #tpu.memory_space<vmem>> -> memref<1x80xi32, #tpu.memory_space<vmem>>
      %dma_start3A_234 = tpu.memref_squeeze %dma_start3A_233 : memref<1x80xi32, #tpu.memory_space<vmem>> -> memref<80xi32, #tpu.memory_space<vmem>>
      %dma_start3A_235 = arith.constant 0 : i32
      %dma_start3A_236 = arith.constant 0 : i32
      %dma_start3A_237 = tpu.memref_slice %arg10[%dma_start3A_235, %dma_start3A_236] : memref<10000x128xf32, #tpu.memory_space<vmem_shared>> -> memref<10000x128xf32, #tpu.memory_space<vmem_shared>>
      tpu.enqueue_indirect_dma source(%arg9 : memref<80x128xf32, #tpu.memory_space<vmem>>) target(%dma_start3A_237 : memref<10000x128xf32, #tpu.memory_space<vmem_shared>>) offsets(%dma_start3A_234 : memref<80xi32, #tpu.memory_space<vmem>>) semaphore(%run_scoped3A_231 : memref<!tpu.dma_semaphore, #tpu.memory_space<semaphore_mem>>) {add = true}
      %dma_wait3A_238 = arith.constant 0 : i32
      %dma_wait3A_239 = tpu.memref_slice %arg7[%run_scoped3A_88, %dma_wait3A_238] : memref<125x80xi32, #tpu.memory_space<vmem>> -> memref<1x80xi32, #tpu.memory_space<vmem>>
      %dma_wait3A_240 = tpu.memref_squeeze %dma_wait3A_239 : memref<1x80xi32, #tpu.memory_space<vmem>> -> memref<80xi32, #tpu.memory_space<vmem>>
      %dma_wait3A_241 = arith.constant 0 : i32
      %dma_wait3A_242 = arith.constant 0 : i32
      %dma_wait3A_243 = tpu.memref_slice %arg10[%dma_wait3A_241, %dma_wait3A_242] : memref<10000x128xf32, #tpu.memory_space<vmem_shared>> -> memref<10000x128xf32, #tpu.memory_space<vmem_shared>>
      tpu.wait_indirect_dma semaphore(%run_scoped3A_231 : memref<!tpu.dma_semaphore, #tpu.memory_space<semaphore_mem>>) src(%arg9 : memref<80x128xf32, #tpu.memory_space<vmem>>) dst(%dma_wait3A_243 : memref<10000x128xf32, #tpu.memory_space<vmem_shared>>)
      tpu.yield
    }) : () -> ()
    %dma_wait3A_89 = arith.constant 60 : i32
    %dma_wait3A_90 = arith.constant 0 : i32
    %dma_wait3A_91 = tpu.memref_slice %arg6[%dma_wait3A_89, %dma_wait3A_90] : memref<64x80xi32, #tpu.memory_space<vmem>> -> memref<1x80xi32, #tpu.memory_space<vmem>>
    %dma_wait3A_92 = tpu.memref_squeeze %dma_wait3A_91 : memref<1x80xi32, #tpu.memory_space<vmem>> -> memref<80xi32, #tpu.memory_space<vmem>>
    %dma_wait3A_93 = arith.constant 0 : i32
    %dma_wait3A_94 = arith.constant 0 : i32
    %dma_wait3A_95 = tpu.memref_slice %arg2[%dma_wait3A_93, %dma_wait3A_94] : memref<40000x128xf32, #tpu.memory_space<hbm>> -> memref<40000x128xf32, #tpu.memory_space<hbm>>
    tpu.wait_indirect_dma semaphore(%arg11 : memref<!tpu.dma_semaphore, #tpu.memory_space<semaphore_mem>>) src(%dma_wait3A_95 : memref<40000x128xf32, #tpu.memory_space<hbm>>) dst(%arg8 : memref<80x128xf32, #tpu.memory_space<vmem>>)
    %run_scoped3A_96 = arith.constant 124 : i32
    "tpu.region"() ({
      %run_scoped3A_231 = tpu.sem_alloc : memref<!tpu.dma_semaphore, #tpu.memory_space<semaphore_mem>>
      %dma_start3A_232 = arith.constant 0 : i32
      %dma_start3A_233 = tpu.memref_slice %arg7[%run_scoped3A_96, %dma_start3A_232] : memref<125x80xi32, #tpu.memory_space<vmem>> -> memref<1x80xi32, #tpu.memory_space<vmem>>
      %dma_start3A_234 = tpu.memref_squeeze %dma_start3A_233 : memref<1x80xi32, #tpu.memory_space<vmem>> -> memref<80xi32, #tpu.memory_space<vmem>>
      %dma_start3A_235 = arith.constant 0 : i32
      %dma_start3A_236 = arith.constant 0 : i32
      %dma_start3A_237 = tpu.memref_slice %arg10[%dma_start3A_235, %dma_start3A_236] : memref<10000x128xf32, #tpu.memory_space<vmem_shared>> -> memref<10000x128xf32, #tpu.memory_space<vmem_shared>>
      tpu.enqueue_indirect_dma source(%arg8 : memref<80x128xf32, #tpu.memory_space<vmem>>) target(%dma_start3A_237 : memref<10000x128xf32, #tpu.memory_space<vmem_shared>>) offsets(%dma_start3A_234 : memref<80xi32, #tpu.memory_space<vmem>>) semaphore(%run_scoped3A_231 : memref<!tpu.dma_semaphore, #tpu.memory_space<semaphore_mem>>) {add = true}
      %dma_wait3A_238 = arith.constant 0 : i32
      %dma_wait3A_239 = tpu.memref_slice %arg7[%run_scoped3A_96, %dma_wait3A_238] : memref<125x80xi32, #tpu.memory_space<vmem>> -> memref<1x80xi32, #tpu.memory_space<vmem>>
      %dma_wait3A_240 = tpu.memref_squeeze %dma_wait3A_239 : memref<1x80xi32, #tpu.memory_space<vmem>> -> memref<80xi32, #tpu.memory_space<vmem>>
      %dma_wait3A_241 = arith.constant 0 : i32
      %dma_wait3A_242 = arith.constant 0 : i32
      %dma_wait3A_243 = tpu.memref_slice %arg10[%dma_wait3A_241, %dma_wait3A_242] : memref<10000x128xf32, #tpu.memory_space<vmem_shared>> -> memref<10000x128xf32, #tpu.memory_space<vmem_shared>>
      tpu.wait_indirect_dma semaphore(%run_scoped3A_231 : memref<!tpu.dma_semaphore, #tpu.memory_space<semaphore_mem>>) src(%arg8 : memref<80x128xf32, #tpu.memory_space<vmem>>) dst(%dma_wait3A_243 : memref<10000x128xf32, #tpu.memory_space<vmem_shared>>)
      tpu.yield
    }) : () -> ()
    %barrier3A_97 = arith.constant 0 : index
    tpu.barrier barrier_id(%barrier3A_97)
    %mul3A_98 = arith.constant 10000 : i32
    %mul3A_99 = arith.muli %add3A_1, %mul3A_98 : i32
    %lt3A_100 = arith.constant 15 : i32
    %lt3A_101 = arith.cmpi slt, %arg1, %lt3A_100 : i32
    %convert_element_type3A_102 = arith.extui %lt3A_101 : i1 to i32
    %cond3A_103 = arith.constant 0 : i32
    %cond3A_104 = arith.cmpi ne, %convert_element_type3A_102, %cond3A_103 : i32
    scf.if %cond3A_104 {
      %mul3A_231 = arith.constant 632 : i32
      %mul3A_232 = arith.muli %arg1, %mul3A_231 : i32
      %add3A_233 = arith.constant 0 : i32
      %add3A_234 = arith.addi %add3A_233, %mul3A_232 : i32
      %multiple_of3A = tpu.assume_multiple %add3A_234, 8 : i32
      %mul3A_235 = arith.constant 632 : i32
      %mul3A_236 = arith.muli %arg1, %mul3A_235 : i32
      %add3A_237 = arith.addi %mul3A_99, %mul3A_236 : i32
      %multiple_of3A_238 = tpu.assume_multiple %add3A_237, 8 : i32
      "tpu.region"() ({
        %run_scoped3A_239 = tpu.sem_alloc : memref<!tpu.dma_semaphore, #tpu.memory_space<semaphore_mem>>
        %dma_start3A_240 = arith.constant 0 : i32
        %dma_start3A_241 = tpu.memref_slice %arg5[%multiple_of3A_238, %dma_start3A_240] : memref<40000x128xf32, #tpu.memory_space<hbm>> -> memref<632x128xf32, #tpu.memory_space<hbm>>
        %dma_start3A_242 = arith.constant 0 : i32
        %dma_start3A_243 = tpu.memref_slice %arg10[%multiple_of3A, %dma_start3A_242] : memref<10000x128xf32, #tpu.memory_space<vmem_shared>> -> memref<632x128xf32, #tpu.memory_space<vmem_shared>>
        tpu.enqueue_dma source(%dma_start3A_243 : memref<632x128xf32, #tpu.memory_space<vmem_shared>>) target(%dma_start3A_241 : memref<632x128xf32, #tpu.memory_space<hbm>>) target_semaphore(%run_scoped3A_239 : memref<!tpu.dma_semaphore, #tpu.memory_space<semaphore_mem>>)
        %dma_wait3A_244 = arith.constant 0 : i32
        %dma_wait3A_245 = tpu.memref_slice %arg5[%multiple_of3A_238, %dma_wait3A_244] : memref<40000x128xf32, #tpu.memory_space<hbm>> -> memref<632x128xf32, #tpu.memory_space<hbm>>
        %dma_wait3A_246 = arith.constant 0 : i32
        %dma_wait3A_247 = tpu.memref_slice %arg10[%multiple_of3A, %dma_wait3A_246] : memref<10000x128xf32, #tpu.memory_space<vmem_shared>> -> memref<632x128xf32, #tpu.memory_space<vmem_shared>>
        tpu.wait_dma2 semaphore(%run_scoped3A_239 : memref<!tpu.dma_semaphore, #tpu.memory_space<semaphore_mem>>) src(%dma_wait3A_247 : memref<632x128xf32, #tpu.memory_space<vmem_shared>>) dst(%dma_wait3A_245 : memref<632x128xf32, #tpu.memory_space<hbm>>)
        tpu.yield
      }) : () -> ()
    } else {
    }
    %eq3A_105 = arith.constant 15 : i32
    %eq3A_106 = arith.cmpi eq, %arg1, %eq3A_105 : i32
    %convert_element_type3A_107 = arith.extui %eq3A_106 : i1 to i32
    %cond3A_108 = arith.constant 0 : i32
    %cond3A_109 = arith.cmpi ne, %convert_element_type3A_107, %cond3A_108 : i32
    scf.if %cond3A_109 {
      %multiple_of3A = arith.constant 9480 : i32
      %multiple_of3A_231 = tpu.assume_multiple %multiple_of3A, 8 : i32
      %add3A_232 = arith.constant 9480 : i32
      %add3A_233 = arith.addi %mul3A_99, %add3A_232 : i32
      %multiple_of3A_234 = tpu.assume_multiple %add3A_233, 8 : i32
      "tpu.region"() ({
        %run_scoped3A_235 = tpu.sem_alloc : memref<!tpu.dma_semaphore, #tpu.memory_space<semaphore_mem>>
        %dma_start3A_236 = arith.constant 0 : i32
        %dma_start3A_237 = tpu.memref_slice %arg5[%multiple_of3A_234, %dma_start3A_236] : memref<40000x128xf32, #tpu.memory_space<hbm>> -> memref<520x128xf32, #tpu.memory_space<hbm>>
        %dma_start3A_238 = arith.constant 0 : i32
        %dma_start3A_239 = tpu.memref_slice %arg10[%multiple_of3A_231, %dma_start3A_238] : memref<10000x128xf32, #tpu.memory_space<vmem_shared>> -> memref<520x128xf32, #tpu.memory_space<vmem_shared>>
        tpu.enqueue_dma source(%dma_start3A_239 : memref<520x128xf32, #tpu.memory_space<vmem_shared>>) target(%dma_start3A_237 : memref<520x128xf32, #tpu.memory_space<hbm>>) target_semaphore(%run_scoped3A_235 : memref<!tpu.dma_semaphore, #tpu.memory_space<semaphore_mem>>)
        %dma_wait3A_240 = arith.constant 0 : i32
        %dma_wait3A_241 = tpu.memref_slice %arg5[%multiple_of3A_234, %dma_wait3A_240] : memref<40000x128xf32, #tpu.memory_space<hbm>> -> memref<520x128xf32, #tpu.memory_space<hbm>>
        %dma_wait3A_242 = arith.constant 0 : i32
        %dma_wait3A_243 = tpu.memref_slice %arg10[%multiple_of3A_231, %dma_wait3A_242] : memref<10000x128xf32, #tpu.memory_space<vmem_shared>> -> memref<520x128xf32, #tpu.memory_space<vmem_shared>>
        tpu.wait_dma2 semaphore(%run_scoped3A_235 : memref<!tpu.dma_semaphore, #tpu.memory_space<semaphore_mem>>) src(%dma_wait3A_243 : memref<520x128xf32, #tpu.memory_space<vmem_shared>>) dst(%dma_wait3A_241 : memref<520x128xf32, #tpu.memory_space<hbm>>)
        tpu.yield
      }) : () -> ()
    } else {
    }
    %mul3A_110 = arith.constant 2 : i32
    %mul3A_111 = arith.muli %arg0, %mul3A_110 : i32
    %add3A_112 = arith.constant 1 : i32
    %add3A_113 = arith.addi %mul3A_111, %add3A_112 : i32
    %mul3A_114 = arith.constant 10000 : i32
    %mul3A_115 = arith.muli %add3A_113, %mul3A_114 : i32
    %lt3A_116 = arith.constant 15 : i32
    %lt3A_117 = arith.cmpi slt, %arg1, %lt3A_116 : i32
    %convert_element_type3A_118 = arith.extui %lt3A_117 : i1 to i32
    %cond3A_119 = arith.constant 0 : i32
    %cond3A_120 = arith.cmpi ne, %convert_element_type3A_118, %cond3A_119 : i32
    scf.if %cond3A_120 {
      %mul3A_231 = arith.constant 632 : i32
      %mul3A_232 = arith.muli %arg1, %mul3A_231 : i32
      %add3A_233 = arith.addi %mul3A_115, %mul3A_232 : i32
      %multiple_of3A = tpu.assume_multiple %add3A_233, 8 : i32
      %mul3A_234 = arith.constant 632 : i32
      %mul3A_235 = arith.muli %arg1, %mul3A_234 : i32
      %add3A_236 = arith.constant 0 : i32
      %add3A_237 = arith.addi %add3A_236, %mul3A_235 : i32
      %multiple_of3A_238 = tpu.assume_multiple %add3A_237, 8 : i32
      "tpu.region"() ({
        %run_scoped3A_239 = tpu.sem_alloc : memref<!tpu.dma_semaphore, #tpu.memory_space<semaphore_mem>>
        %dma_start3A_240 = arith.constant 0 : i32
        %dma_start3A_241 = tpu.memref_slice %arg10[%multiple_of3A_238, %dma_start3A_240] : memref<10000x128xf32, #tpu.memory_space<vmem_shared>> -> memref<632x128xf32, #tpu.memory_space<vmem_shared>>
        %dma_start3A_242 = arith.constant 0 : i32
        %dma_start3A_243 = tpu.memref_slice %arg2[%multiple_of3A, %dma_start3A_242] : memref<40000x128xf32, #tpu.memory_space<hbm>> -> memref<632x128xf32, #tpu.memory_space<hbm>>
        tpu.enqueue_dma source(%dma_start3A_243 : memref<632x128xf32, #tpu.memory_space<hbm>>) target(%dma_start3A_241 : memref<632x128xf32, #tpu.memory_space<vmem_shared>>) target_semaphore(%run_scoped3A_239 : memref<!tpu.dma_semaphore, #tpu.memory_space<semaphore_mem>>)
        %dma_wait3A_244 = arith.constant 0 : i32
        %dma_wait3A_245 = tpu.memref_slice %arg10[%multiple_of3A_238, %dma_wait3A_244] : memref<10000x128xf32, #tpu.memory_space<vmem_shared>> -> memref<632x128xf32, #tpu.memory_space<vmem_shared>>
        %dma_wait3A_246 = arith.constant 0 : i32
        %dma_wait3A_247 = tpu.memref_slice %arg2[%multiple_of3A, %dma_wait3A_246] : memref<40000x128xf32, #tpu.memory_space<hbm>> -> memref<632x128xf32, #tpu.memory_space<hbm>>
        tpu.wait_dma2 semaphore(%run_scoped3A_239 : memref<!tpu.dma_semaphore, #tpu.memory_space<semaphore_mem>>) src(%dma_wait3A_247 : memref<632x128xf32, #tpu.memory_space<hbm>>) dst(%dma_wait3A_245 : memref<632x128xf32, #tpu.memory_space<vmem_shared>>)
        tpu.yield
      }) : () -> ()
    } else {
    }
    %eq3A_121 = arith.constant 15 : i32
    %eq3A_122 = arith.cmpi eq, %arg1, %eq3A_121 : i32
    %convert_element_type3A_123 = arith.extui %eq3A_122 : i1 to i32
    %cond3A_124 = arith.constant 0 : i32
    %cond3A_125 = arith.cmpi ne, %convert_element_type3A_123, %cond3A_124 : i32
    scf.if %cond3A_125 {
      %add3A_231 = arith.constant 9480 : i32
      %add3A_232 = arith.addi %mul3A_115, %add3A_231 : i32
      %multiple_of3A = tpu.assume_multiple %add3A_232, 8 : i32
      %multiple_of3A_233 = arith.constant 9480 : i32
      %multiple_of3A_234 = tpu.assume_multiple %multiple_of3A_233, 8 : i32
      "tpu.region"() ({
        %run_scoped3A_235 = tpu.sem_alloc : memref<!tpu.dma_semaphore, #tpu.memory_space<semaphore_mem>>
        %dma_start3A_236 = arith.constant 0 : i32
        %dma_start3A_237 = tpu.memref_slice %arg10[%multiple_of3A_234, %dma_start3A_236] : memref<10000x128xf32, #tpu.memory_space<vmem_shared>> -> memref<520x128xf32, #tpu.memory_space<vmem_shared>>
        %dma_start3A_238 = arith.constant 0 : i32
        %dma_start3A_239 = tpu.memref_slice %arg2[%multiple_of3A, %dma_start3A_238] : memref<40000x128xf32, #tpu.memory_space<hbm>> -> memref<520x128xf32, #tpu.memory_space<hbm>>
        tpu.enqueue_dma source(%dma_start3A_239 : memref<520x128xf32, #tpu.memory_space<hbm>>) target(%dma_start3A_237 : memref<520x128xf32, #tpu.memory_space<vmem_shared>>) target_semaphore(%run_scoped3A_235 : memref<!tpu.dma_semaphore, #tpu.memory_space<semaphore_mem>>)
        %dma_wait3A_240 = arith.constant 0 : i32
        %dma_wait3A_241 = tpu.memref_slice %arg10[%multiple_of3A_234, %dma_wait3A_240] : memref<10000x128xf32, #tpu.memory_space<vmem_shared>> -> memref<520x128xf32, #tpu.memory_space<vmem_shared>>
        %dma_wait3A_242 = arith.constant 0 : i32
        %dma_wait3A_243 = tpu.memref_slice %arg2[%multiple_of3A, %dma_wait3A_242] : memref<40000x128xf32, #tpu.memory_space<hbm>> -> memref<520x128xf32, #tpu.memory_space<hbm>>
        tpu.wait_dma2 semaphore(%run_scoped3A_235 : memref<!tpu.dma_semaphore, #tpu.memory_space<semaphore_mem>>) src(%dma_wait3A_243 : memref<520x128xf32, #tpu.memory_space<hbm>>) dst(%dma_wait3A_241 : memref<520x128xf32, #tpu.memory_space<vmem_shared>>)
        tpu.yield
      }) : () -> ()
    } else {
    }
    %barrier3A_126 = arith.constant 0 : index
    tpu.barrier barrier_id(%barrier3A_126)
    %mul3A_127 = arith.constant 16 : i32
    %mul3A_128 = arith.muli %add3A_113, %mul3A_127 : i32
    %add3A_129 = arith.addi %mul3A_128, %arg1 : i32
    "tpu.region"() ({
      %run_scoped3A_231 = tpu.sem_alloc : memref<!tpu.dma_semaphore, #tpu.memory_space<semaphore_mem>>
      %dma_start3A_232 = arith.constant 0 : i32
      %dma_start3A_233 = arith.constant 0 : i32
      %dma_start3A_234 = tpu.memref_slice %arg6[%dma_start3A_232, %dma_start3A_233] : memref<64x80xi32, #tpu.memory_space<vmem>> -> memref<64x80xi32, #tpu.memory_space<vmem>>
      %dma_start3A_235 = arith.constant 0 : i32
      %dma_start3A_236 = arith.constant 0 : i32
      %dma_start3A_237 = tpu.memref_slice %arg3[%add3A_129, %dma_start3A_235, %dma_start3A_236] : memref<64x125x80xi32, #tpu.memory_space<hbm>> -> memref<1x125x80xi32, #tpu.memory_space<hbm>>
      %dma_start3A_238 = tpu.memref_squeeze %dma_start3A_237 : memref<1x125x80xi32, #tpu.memory_space<hbm>> -> memref<125x80xi32, #tpu.memory_space<hbm>>
      %dma_start3A_239 = arith.constant 0 : i32
      %dma_start3A_240 = arith.constant 0 : i32
      %dma_start3A_241 = tpu.memref_slice %dma_start3A_238[%dma_start3A_239, %dma_start3A_240] : memref<125x80xi32, #tpu.memory_space<hbm>> -> memref<64x80xi32, #tpu.memory_space<hbm>>
      %dma_start3A_242 = arith.constant 0 : i32
      %dma_start3A_243 = arith.constant 0 : i32
      %dma_start3A_244 = tpu.memref_slice %arg6[%dma_start3A_242, %dma_start3A_243] : memref<64x80xi32, #tpu.memory_space<vmem>> -> memref<64x80xi32, #tpu.memory_space<vmem>>
      %dma_start3A_245 = arith.constant 0 : i32
      %dma_start3A_246 = arith.constant 0 : i32
      %dma_start3A_247 = tpu.memref_slice %arg3[%add3A_129, %dma_start3A_245, %dma_start3A_246] : memref<64x125x80xi32, #tpu.memory_space<hbm>> -> memref<1x125x80xi32, #tpu.memory_space<hbm>>
      %dma_start3A_248 = tpu.memref_squeeze %dma_start3A_247 : memref<1x125x80xi32, #tpu.memory_space<hbm>> -> memref<125x80xi32, #tpu.memory_space<hbm>>
      %dma_start3A_249 = arith.constant 0 : i32
      %dma_start3A_250 = arith.constant 0 : i32
      %dma_start3A_251 = tpu.memref_slice %dma_start3A_248[%dma_start3A_249, %dma_start3A_250] : memref<125x80xi32, #tpu.memory_space<hbm>> -> memref<64x80xi32, #tpu.memory_space<hbm>>
      tpu.enqueue_dma source(%dma_start3A_251 : memref<64x80xi32, #tpu.memory_space<hbm>>) target(%dma_start3A_244 : memref<64x80xi32, #tpu.memory_space<vmem>>) target_semaphore(%run_scoped3A_231 : memref<!tpu.dma_semaphore, #tpu.memory_space<semaphore_mem>>)
      %dma_wait3A_252 = arith.constant 0 : i32
      %dma_wait3A_253 = arith.constant 0 : i32
      %dma_wait3A_254 = tpu.memref_slice %arg6[%dma_wait3A_252, %dma_wait3A_253] : memref<64x80xi32, #tpu.memory_space<vmem>> -> memref<64x80xi32, #tpu.memory_space<vmem>>
      %dma_wait3A_255 = arith.constant 0 : i32
      %dma_wait3A_256 = arith.constant 0 : i32
      %dma_wait3A_257 = tpu.memref_slice %arg3[%add3A_129, %dma_wait3A_255, %dma_wait3A_256] : memref<64x125x80xi32, #tpu.memory_space<hbm>> -> memref<1x125x80xi32, #tpu.memory_space<hbm>>
      %dma_wait3A_258 = tpu.memref_squeeze %dma_wait3A_257 : memref<1x125x80xi32, #tpu.memory_space<hbm>> -> memref<125x80xi32, #tpu.memory_space<hbm>>
      %dma_wait3A_259 = arith.constant 0 : i32
      %dma_wait3A_260 = arith.constant 0 : i32
      %dma_wait3A_261 = tpu.memref_slice %dma_wait3A_258[%dma_wait3A_259, %dma_wait3A_260] : memref<125x80xi32, #tpu.memory_space<hbm>> -> memref<64x80xi32, #tpu.memory_space<hbm>>
      %dma_wait3A_262 = arith.constant 0 : i32
      %dma_wait3A_263 = arith.constant 0 : i32
      %dma_wait3A_264 = tpu.memref_slice %arg6[%dma_wait3A_262, %dma_wait3A_263] : memref<64x80xi32, #tpu.memory_space<vmem>> -> memref<64x80xi32, #tpu.memory_space<vmem>>
      %dma_wait3A_265 = arith.constant 0 : i32
      %dma_wait3A_266 = arith.constant 0 : i32
      %dma_wait3A_267 = tpu.memref_slice %arg3[%add3A_129, %dma_wait3A_265, %dma_wait3A_266] : memref<64x125x80xi32, #tpu.memory_space<hbm>> -> memref<1x125x80xi32, #tpu.memory_space<hbm>>
      %dma_wait3A_268 = tpu.memref_squeeze %dma_wait3A_267 : memref<1x125x80xi32, #tpu.memory_space<hbm>> -> memref<125x80xi32, #tpu.memory_space<hbm>>
      %dma_wait3A_269 = arith.constant 0 : i32
      %dma_wait3A_270 = arith.constant 0 : i32
      %dma_wait3A_271 = tpu.memref_slice %dma_wait3A_268[%dma_wait3A_269, %dma_wait3A_270] : memref<125x80xi32, #tpu.memory_space<hbm>> -> memref<64x80xi32, #tpu.memory_space<hbm>>
      tpu.wait_dma2 semaphore(%run_scoped3A_231 : memref<!tpu.dma_semaphore, #tpu.memory_space<semaphore_mem>>) src(%dma_wait3A_271 : memref<64x80xi32, #tpu.memory_space<hbm>>) dst(%dma_wait3A_264 : memref<64x80xi32, #tpu.memory_space<vmem>>)
      tpu.yield
    }) : () -> ()
    %dma_start3A_130 = arith.constant 0 : i32
    %dma_start3A_131 = arith.constant 0 : i32
    %dma_start3A_132 = tpu.memref_slice %arg6[%dma_start3A_130, %dma_start3A_131] : memref<64x80xi32, #tpu.memory_space<vmem>> -> memref<1x80xi32, #tpu.memory_space<vmem>>
    %dma_start3A_133 = tpu.memref_squeeze %dma_start3A_132 : memref<1x80xi32, #tpu.memory_space<vmem>> -> memref<80xi32, #tpu.memory_space<vmem>>
    %dma_start3A_134 = arith.constant 0 : i32
    %dma_start3A_135 = arith.constant 0 : i32
    %dma_start3A_136 = tpu.memref_slice %arg2[%dma_start3A_134, %dma_start3A_135] : memref<40000x128xf32, #tpu.memory_space<hbm>> -> memref<40000x128xf32, #tpu.memory_space<hbm>>
    tpu.enqueue_indirect_dma source(%dma_start3A_136 : memref<40000x128xf32, #tpu.memory_space<hbm>>) target(%arg8 : memref<80x128xf32, #tpu.memory_space<vmem>>) offsets(%dma_start3A_133 : memref<80xi32, #tpu.memory_space<vmem>>) semaphore(%arg11 : memref<!tpu.dma_semaphore, #tpu.memory_space<semaphore_mem>>)
    %dma_start3A_137 = arith.constant 1 : i32
    %dma_start3A_138 = arith.constant 0 : i32
    %dma_start3A_139 = tpu.memref_slice %arg6[%dma_start3A_137, %dma_start3A_138] : memref<64x80xi32, #tpu.memory_space<vmem>> -> memref<1x80xi32, #tpu.memory_space<vmem>>
    %dma_start3A_140 = tpu.memref_squeeze %dma_start3A_139 : memref<1x80xi32, #tpu.memory_space<vmem>> -> memref<80xi32, #tpu.memory_space<vmem>>
    %dma_start3A_141 = arith.constant 0 : i32
    %dma_start3A_142 = arith.constant 0 : i32
    %dma_start3A_143 = tpu.memref_slice %arg2[%dma_start3A_141, %dma_start3A_142] : memref<40000x128xf32, #tpu.memory_space<hbm>> -> memref<40000x128xf32, #tpu.memory_space<hbm>>
    tpu.enqueue_indirect_dma source(%dma_start3A_143 : memref<40000x128xf32, #tpu.memory_space<hbm>>) target(%arg9 : memref<80x128xf32, #tpu.memory_space<vmem>>) offsets(%dma_start3A_140 : memref<80xi32, #tpu.memory_space<vmem>>) semaphore(%arg12 : memref<!tpu.dma_semaphore, #tpu.memory_space<semaphore_mem>>)
    %scan3A_144 = arith.constant 0 : i32
    %scan3A_145 = arith.constant 31 : i32
    %scan3A_146 = arith.addi %scan3A_144, %scan3A_145 : i32
    %scan3A_147 = arith.constant 1 : i32
    scf.for %scan3A_231 = %scan3A_144 to %scan3A_146 step %scan3A_147  : i32 {
      %mul3A_232 = arith.constant 1 : i32
      %mul3A_233 = arith.muli %scan3A_231, %mul3A_232 : i32
      %add3A_234 = arith.constant 0 : i32
      %add3A_235 = arith.addi %add3A_234, %mul3A_233 : i32
      %mul3A_236 = arith.constant 2 : i32
      %mul3A_237 = arith.muli %add3A_235, %mul3A_236 : i32
      %dma_wait3A_238 = arith.constant 0 : i32
      %dma_wait3A_239 = tpu.memref_slice %arg6[%mul3A_237, %dma_wait3A_238] : memref<64x80xi32, #tpu.memory_space<vmem>> -> memref<1x80xi32, #tpu.memory_space<vmem>>
      %dma_wait3A_240 = tpu.memref_squeeze %dma_wait3A_239 : memref<1x80xi32, #tpu.memory_space<vmem>> -> memref<80xi32, #tpu.memory_space<vmem>>
      %dma_wait3A_241 = arith.constant 0 : i32
      %dma_wait3A_242 = arith.constant 0 : i32
      %dma_wait3A_243 = tpu.memref_slice %arg2[%dma_wait3A_241, %dma_wait3A_242] : memref<40000x128xf32, #tpu.memory_space<hbm>> -> memref<40000x128xf32, #tpu.memory_space<hbm>>
      tpu.wait_indirect_dma semaphore(%arg11 : memref<!tpu.dma_semaphore, #tpu.memory_space<semaphore_mem>>) src(%dma_wait3A_243 : memref<40000x128xf32, #tpu.memory_space<hbm>>) dst(%arg8 : memref<80x128xf32, #tpu.memory_space<vmem>>)
      %add3A_244 = arith.constant 0 : i32
      %add3A_245 = arith.addi %add3A_244, %mul3A_237 : i32
      "tpu.region"() ({
        %run_scoped3A_274 = tpu.sem_alloc : memref<!tpu.dma_semaphore, #tpu.memory_space<semaphore_mem>>
        %dma_start3A_275 = arith.constant 0 : i32
        %dma_start3A_276 = tpu.memref_slice %arg7[%add3A_245, %dma_start3A_275] : memref<125x80xi32, #tpu.memory_space<vmem>> -> memref<1x80xi32, #tpu.memory_space<vmem>>
        %dma_start3A_277 = tpu.memref_squeeze %dma_start3A_276 : memref<1x80xi32, #tpu.memory_space<vmem>> -> memref<80xi32, #tpu.memory_space<vmem>>
        %dma_start3A_278 = arith.constant 0 : i32
        %dma_start3A_279 = arith.constant 0 : i32
        %dma_start3A_280 = tpu.memref_slice %arg10[%dma_start3A_278, %dma_start3A_279] : memref<10000x128xf32, #tpu.memory_space<vmem_shared>> -> memref<10000x128xf32, #tpu.memory_space<vmem_shared>>
        tpu.enqueue_indirect_dma source(%arg8 : memref<80x128xf32, #tpu.memory_space<vmem>>) target(%dma_start3A_280 : memref<10000x128xf32, #tpu.memory_space<vmem_shared>>) offsets(%dma_start3A_277 : memref<80xi32, #tpu.memory_space<vmem>>) semaphore(%run_scoped3A_274 : memref<!tpu.dma_semaphore, #tpu.memory_space<semaphore_mem>>) {add = true}
        %dma_wait3A_281 = arith.constant 0 : i32
        %dma_wait3A_282 = tpu.memref_slice %arg7[%add3A_245, %dma_wait3A_281] : memref<125x80xi32, #tpu.memory_space<vmem>> -> memref<1x80xi32, #tpu.memory_space<vmem>>
        %dma_wait3A_283 = tpu.memref_squeeze %dma_wait3A_282 : memref<1x80xi32, #tpu.memory_space<vmem>> -> memref<80xi32, #tpu.memory_space<vmem>>
        %dma_wait3A_284 = arith.constant 0 : i32
        %dma_wait3A_285 = arith.constant 0 : i32
        %dma_wait3A_286 = tpu.memref_slice %arg10[%dma_wait3A_284, %dma_wait3A_285] : memref<10000x128xf32, #tpu.memory_space<vmem_shared>> -> memref<10000x128xf32, #tpu.memory_space<vmem_shared>>
        tpu.wait_indirect_dma semaphore(%run_scoped3A_274 : memref<!tpu.dma_semaphore, #tpu.memory_space<semaphore_mem>>) src(%arg8 : memref<80x128xf32, #tpu.memory_space<vmem>>) dst(%dma_wait3A_286 : memref<10000x128xf32, #tpu.memory_space<vmem_shared>>)
        tpu.yield
      }) : () -> ()
      %add3A_246 = arith.constant 2 : i32
      %add3A_247 = arith.addi %mul3A_237, %add3A_246 : i32
      %dma_start3A_248 = arith.constant 0 : i32
      %dma_start3A_249 = tpu.memref_slice %arg6[%add3A_247, %dma_start3A_248] : memref<64x80xi32, #tpu.memory_space<vmem>> -> memref<1x80xi32, #tpu.memory_space<vmem>>
      %dma_start3A_250 = tpu.memref_squeeze %dma_start3A_249 : memref<1x80xi32, #tpu.memory_space<vmem>> -> memref<80xi32, #tpu.memory_space<vmem>>
      %dma_start3A_251 = arith.constant 0 : i32
      %dma_start3A_252 = arith.constant 0 : i32
      %dma_start3A_253 = tpu.memref_slice %arg2[%dma_start3A_251, %dma_start3A_252] : memref<40000x128xf32, #tpu.memory_space<hbm>> -> memref<40000x128xf32, #tpu.memory_space<hbm>>
      tpu.enqueue_indirect_dma source(%dma_start3A_253 : memref<40000x128xf32, #tpu.memory_space<hbm>>) target(%arg8 : memref<80x128xf32, #tpu.memory_space<vmem>>) offsets(%dma_start3A_250 : memref<80xi32, #tpu.memory_space<vmem>>) semaphore(%arg11 : memref<!tpu.dma_semaphore, #tpu.memory_space<semaphore_mem>>)
      %add3A_254 = arith.constant 1 : i32
      %add3A_255 = arith.addi %mul3A_237, %add3A_254 : i32
      %dma_wait3A_256 = arith.constant 0 : i32
      %dma_wait3A_257 = tpu.memref_slice %arg6[%add3A_255, %dma_wait3A_256] : memref<64x80xi32, #tpu.memory_space<vmem>> -> memref<1x80xi32, #tpu.memory_space<vmem>>
      %dma_wait3A_258 = tpu.memref_squeeze %dma_wait3A_257 : memref<1x80xi32, #tpu.memory_space<vmem>> -> memref<80xi32, #tpu.memory_space<vmem>>
      %dma_wait3A_259 = arith.constant 0 : i32
      %dma_wait3A_260 = arith.constant 0 : i32
      %dma_wait3A_261 = tpu.memref_slice %arg2[%dma_wait3A_259, %dma_wait3A_260] : memref<40000x128xf32, #tpu.memory_space<hbm>> -> memref<40000x128xf32, #tpu.memory_space<hbm>>
      tpu.wait_indirect_dma semaphore(%arg12 : memref<!tpu.dma_semaphore, #tpu.memory_space<semaphore_mem>>) src(%dma_wait3A_261 : memref<40000x128xf32, #tpu.memory_space<hbm>>) dst(%arg9 : memref<80x128xf32, #tpu.memory_space<vmem>>)
      %add3A_262 = arith.constant 1 : i32
      %add3A_263 = arith.addi %mul3A_237, %add3A_262 : i32
      %add3A_264 = arith.constant 0 : i32
      %add3A_265 = arith.addi %add3A_264, %add3A_263 : i32
      "tpu.region"() ({
        %run_scoped3A_274 = tpu.sem_alloc : memref<!tpu.dma_semaphore, #tpu.memory_space<semaphore_mem>>
        %dma_start3A_275 = arith.constant 0 : i32
        %dma_start3A_276 = tpu.memref_slice %arg7[%add3A_265, %dma_start3A_275] : memref<125x80xi32, #tpu.memory_space<vmem>> -> memref<1x80xi32, #tpu.memory_space<vmem>>
        %dma_start3A_277 = tpu.memref_squeeze %dma_start3A_276 : memref<1x80xi32, #tpu.memory_space<vmem>> -> memref<80xi32, #tpu.memory_space<vmem>>
        %dma_start3A_278 = arith.constant 0 : i32
        %dma_start3A_279 = arith.constant 0 : i32
        %dma_start3A_280 = tpu.memref_slice %arg10[%dma_start3A_278, %dma_start3A_279] : memref<10000x128xf32, #tpu.memory_space<vmem_shared>> -> memref<10000x128xf32, #tpu.memory_space<vmem_shared>>
        tpu.enqueue_indirect_dma source(%arg9 : memref<80x128xf32, #tpu.memory_space<vmem>>) target(%dma_start3A_280 : memref<10000x128xf32, #tpu.memory_space<vmem_shared>>) offsets(%dma_start3A_277 : memref<80xi32, #tpu.memory_space<vmem>>) semaphore(%run_scoped3A_274 : memref<!tpu.dma_semaphore, #tpu.memory_space<semaphore_mem>>) {add = true}
        %dma_wait3A_281 = arith.constant 0 : i32
        %dma_wait3A_282 = tpu.memref_slice %arg7[%add3A_265, %dma_wait3A_281] : memref<125x80xi32, #tpu.memory_space<vmem>> -> memref<1x80xi32, #tpu.memory_space<vmem>>
        %dma_wait3A_283 = tpu.memref_squeeze %dma_wait3A_282 : memref<1x80xi32, #tpu.memory_space<vmem>> -> memref<80xi32, #tpu.memory_space<vmem>>
        %dma_wait3A_284 = arith.constant 0 : i32
        %dma_wait3A_285 = arith.constant 0 : i32
        %dma_wait3A_286 = tpu.memref_slice %arg10[%dma_wait3A_284, %dma_wait3A_285] : memref<10000x128xf32, #tpu.memory_space<vmem_shared>> -> memref<10000x128xf32, #tpu.memory_space<vmem_shared>>
        tpu.wait_indirect_dma semaphore(%run_scoped3A_274 : memref<!tpu.dma_semaphore, #tpu.memory_space<semaphore_mem>>) src(%arg9 : memref<80x128xf32, #tpu.memory_space<vmem>>) dst(%dma_wait3A_286 : memref<10000x128xf32, #tpu.memory_space<vmem_shared>>)
        tpu.yield
      }) : () -> ()
      %add3A_266 = arith.constant 3 : i32
      %add3A_267 = arith.addi %mul3A_237, %add3A_266 : i32
      %dma_start3A_268 = arith.constant 0 : i32
      %dma_start3A_269 = tpu.memref_slice %arg6[%add3A_267, %dma_start3A_268] : memref<64x80xi32, #tpu.memory_space<vmem>> -> memref<1x80xi32, #tpu.memory_space<vmem>>
      %dma_start3A_270 = tpu.memref_squeeze %dma_start3A_269 : memref<1x80xi32, #tpu.memory_space<vmem>> -> memref<80xi32, #tpu.memory_space<vmem>>
      %dma_start3A_271 = arith.constant 0 : i32
      %dma_start3A_272 = arith.constant 0 : i32
      %dma_start3A_273 = tpu.memref_slice %arg2[%dma_start3A_271, %dma_start3A_272] : memref<40000x128xf32, #tpu.memory_space<hbm>> -> memref<40000x128xf32, #tpu.memory_space<hbm>>
      tpu.enqueue_indirect_dma source(%dma_start3A_273 : memref<40000x128xf32, #tpu.memory_space<hbm>>) target(%arg9 : memref<80x128xf32, #tpu.memory_space<vmem>>) offsets(%dma_start3A_270 : memref<80xi32, #tpu.memory_space<vmem>>) semaphore(%arg12 : memref<!tpu.dma_semaphore, #tpu.memory_space<semaphore_mem>>)
    }
    %scan3A_148 = arith.constant 31 : i32
    %dma_wait3A_149 = arith.constant 62 : i32
    %dma_wait3A_150 = arith.constant 0 : i32
    %dma_wait3A_151 = tpu.memref_slice %arg6[%dma_wait3A_149, %dma_wait3A_150] : memref<64x80xi32, #tpu.memory_space<vmem>> -> memref<1x80xi32, #tpu.memory_space<vmem>>
    %dma_wait3A_152 = tpu.memref_squeeze %dma_wait3A_151 : memref<1x80xi32, #tpu.memory_space<vmem>> -> memref<80xi32, #tpu.memory_space<vmem>>
    %dma_wait3A_153 = arith.constant 0 : i32
    %dma_wait3A_154 = arith.constant 0 : i32
    %dma_wait3A_155 = tpu.memref_slice %arg2[%dma_wait3A_153, %dma_wait3A_154] : memref<40000x128xf32, #tpu.memory_space<hbm>> -> memref<40000x128xf32, #tpu.memory_space<hbm>>
    tpu.wait_indirect_dma semaphore(%arg11 : memref<!tpu.dma_semaphore, #tpu.memory_space<semaphore_mem>>) src(%dma_wait3A_155 : memref<40000x128xf32, #tpu.memory_space<hbm>>) dst(%arg8 : memref<80x128xf32, #tpu.memory_space<vmem>>)
    %run_scoped3A_156 = arith.constant 62 : i32
    "tpu.region"() ({
      %run_scoped3A_231 = tpu.sem_alloc : memref<!tpu.dma_semaphore, #tpu.memory_space<semaphore_mem>>
      %dma_start3A_232 = arith.constant 0 : i32
      %dma_start3A_233 = tpu.memref_slice %arg7[%run_scoped3A_156, %dma_start3A_232] : memref<125x80xi32, #tpu.memory_space<vmem>> -> memref<1x80xi32, #tpu.memory_space<vmem>>
      %dma_start3A_234 = tpu.memref_squeeze %dma_start3A_233 : memref<1x80xi32, #tpu.memory_space<vmem>> -> memref<80xi32, #tpu.memory_space<vmem>>
      %dma_start3A_235 = arith.constant 0 : i32
      %dma_start3A_236 = arith.constant 0 : i32
      %dma_start3A_237 = tpu.memref_slice %arg10[%dma_start3A_235, %dma_start3A_236] : memref<10000x128xf32, #tpu.memory_space<vmem_shared>> -> memref<10000x128xf32, #tpu.memory_space<vmem_shared>>
      tpu.enqueue_indirect_dma source(%arg8 : memref<80x128xf32, #tpu.memory_space<vmem>>) target(%dma_start3A_237 : memref<10000x128xf32, #tpu.memory_space<vmem_shared>>) offsets(%dma_start3A_234 : memref<80xi32, #tpu.memory_space<vmem>>) semaphore(%run_scoped3A_231 : memref<!tpu.dma_semaphore, #tpu.memory_space<semaphore_mem>>) {add = true}
      %dma_wait3A_238 = arith.constant 0 : i32
      %dma_wait3A_239 = tpu.memref_slice %arg7[%run_scoped3A_156, %dma_wait3A_238] : memref<125x80xi32, #tpu.memory_space<vmem>> -> memref<1x80xi32, #tpu.memory_space<vmem>>
      %dma_wait3A_240 = tpu.memref_squeeze %dma_wait3A_239 : memref<1x80xi32, #tpu.memory_space<vmem>> -> memref<80xi32, #tpu.memory_space<vmem>>
      %dma_wait3A_241 = arith.constant 0 : i32
      %dma_wait3A_242 = arith.constant 0 : i32
      %dma_wait3A_243 = tpu.memref_slice %arg10[%dma_wait3A_241, %dma_wait3A_242] : memref<10000x128xf32, #tpu.memory_space<vmem_shared>> -> memref<10000x128xf32, #tpu.memory_space<vmem_shared>>
      tpu.wait_indirect_dma semaphore(%run_scoped3A_231 : memref<!tpu.dma_semaphore, #tpu.memory_space<semaphore_mem>>) src(%arg8 : memref<80x128xf32, #tpu.memory_space<vmem>>) dst(%dma_wait3A_243 : memref<10000x128xf32, #tpu.memory_space<vmem_shared>>)
      tpu.yield
    }) : () -> ()
    %dma_wait3A_157 = arith.constant 63 : i32
    %dma_wait3A_158 = arith.constant 0 : i32
    %dma_wait3A_159 = tpu.memref_slice %arg6[%dma_wait3A_157, %dma_wait3A_158] : memref<64x80xi32, #tpu.memory_space<vmem>> -> memref<1x80xi32, #tpu.memory_space<vmem>>
    %dma_wait3A_160 = tpu.memref_squeeze %dma_wait3A_159 : memref<1x80xi32, #tpu.memory_space<vmem>> -> memref<80xi32, #tpu.memory_space<vmem>>
    %dma_wait3A_161 = arith.constant 0 : i32
    %dma_wait3A_162 = arith.constant 0 : i32
    %dma_wait3A_163 = tpu.memref_slice %arg2[%dma_wait3A_161, %dma_wait3A_162] : memref<40000x128xf32, #tpu.memory_space<hbm>> -> memref<40000x128xf32, #tpu.memory_space<hbm>>
    tpu.wait_indirect_dma semaphore(%arg12 : memref<!tpu.dma_semaphore, #tpu.memory_space<semaphore_mem>>) src(%dma_wait3A_163 : memref<40000x128xf32, #tpu.memory_space<hbm>>) dst(%arg9 : memref<80x128xf32, #tpu.memory_space<vmem>>)
    %run_scoped3A_164 = arith.constant 63 : i32
    "tpu.region"() ({
      %run_scoped3A_231 = tpu.sem_alloc : memref<!tpu.dma_semaphore, #tpu.memory_space<semaphore_mem>>
      %dma_start3A_232 = arith.constant 0 : i32
      %dma_start3A_233 = tpu.memref_slice %arg7[%run_scoped3A_164, %dma_start3A_232] : memref<125x80xi32, #tpu.memory_space<vmem>> -> memref<1x80xi32, #tpu.memory_space<vmem>>
      %dma_start3A_234 = tpu.memref_squeeze %dma_start3A_233 : memref<1x80xi32, #tpu.memory_space<vmem>> -> memref<80xi32, #tpu.memory_space<vmem>>
      %dma_start3A_235 = arith.constant 0 : i32
      %dma_start3A_236 = arith.constant 0 : i32
      %dma_start3A_237 = tpu.memref_slice %arg10[%dma_start3A_235, %dma_start3A_236] : memref<10000x128xf32, #tpu.memory_space<vmem_shared>> -> memref<10000x128xf32, #tpu.memory_space<vmem_shared>>
      tpu.enqueue_indirect_dma source(%arg9 : memref<80x128xf32, #tpu.memory_space<vmem>>) target(%dma_start3A_237 : memref<10000x128xf32, #tpu.memory_space<vmem_shared>>) offsets(%dma_start3A_234 : memref<80xi32, #tpu.memory_space<vmem>>) semaphore(%run_scoped3A_231 : memref<!tpu.dma_semaphore, #tpu.memory_space<semaphore_mem>>) {add = true}
      %dma_wait3A_238 = arith.constant 0 : i32
      %dma_wait3A_239 = tpu.memref_slice %arg7[%run_scoped3A_164, %dma_wait3A_238] : memref<125x80xi32, #tpu.memory_space<vmem>> -> memref<1x80xi32, #tpu.memory_space<vmem>>
      %dma_wait3A_240 = tpu.memref_squeeze %dma_wait3A_239 : memref<1x80xi32, #tpu.memory_space<vmem>> -> memref<80xi32, #tpu.memory_space<vmem>>
      %dma_wait3A_241 = arith.constant 0 : i32
      %dma_wait3A_242 = arith.constant 0 : i32
      %dma_wait3A_243 = tpu.memref_slice %arg10[%dma_wait3A_241, %dma_wait3A_242] : memref<10000x128xf32, #tpu.memory_space<vmem_shared>> -> memref<10000x128xf32, #tpu.memory_space<vmem_shared>>
      tpu.wait_indirect_dma semaphore(%run_scoped3A_231 : memref<!tpu.dma_semaphore, #tpu.memory_space<semaphore_mem>>) src(%arg9 : memref<80x128xf32, #tpu.memory_space<vmem>>) dst(%dma_wait3A_243 : memref<10000x128xf32, #tpu.memory_space<vmem_shared>>)
      tpu.yield
    }) : () -> ()
    %mul3A_165 = arith.constant 16 : i32
    %mul3A_166 = arith.muli %add3A_113, %mul3A_165 : i32
    %add3A_167 = arith.addi %mul3A_166, %arg1 : i32
    "tpu.region"() ({
      %run_scoped3A_231 = tpu.sem_alloc : memref<!tpu.dma_semaphore, #tpu.memory_space<semaphore_mem>>
      %dma_start3A_232 = arith.constant 0 : i32
      %dma_start3A_233 = arith.constant 0 : i32
      %dma_start3A_234 = tpu.memref_slice %arg6[%dma_start3A_232, %dma_start3A_233] : memref<64x80xi32, #tpu.memory_space<vmem>> -> memref<61x80xi32, #tpu.memory_space<vmem>>
      %dma_start3A_235 = arith.constant 0 : i32
      %dma_start3A_236 = arith.constant 0 : i32
      %dma_start3A_237 = tpu.memref_slice %arg3[%add3A_167, %dma_start3A_235, %dma_start3A_236] : memref<64x125x80xi32, #tpu.memory_space<hbm>> -> memref<1x125x80xi32, #tpu.memory_space<hbm>>
      %dma_start3A_238 = tpu.memref_squeeze %dma_start3A_237 : memref<1x125x80xi32, #tpu.memory_space<hbm>> -> memref<125x80xi32, #tpu.memory_space<hbm>>
      %dma_start3A_239 = arith.constant 64 : i32
      %dma_start3A_240 = arith.constant 0 : i32
      %dma_start3A_241 = tpu.memref_slice %dma_start3A_238[%dma_start3A_239, %dma_start3A_240] : memref<125x80xi32, #tpu.memory_space<hbm>> -> memref<61x80xi32, #tpu.memory_space<hbm>>
      %dma_start3A_242 = arith.constant 0 : i32
      %dma_start3A_243 = arith.constant 0 : i32
      %dma_start3A_244 = tpu.memref_slice %arg6[%dma_start3A_242, %dma_start3A_243] : memref<64x80xi32, #tpu.memory_space<vmem>> -> memref<61x80xi32, #tpu.memory_space<vmem>>
      %dma_start3A_245 = arith.constant 0 : i32
      %dma_start3A_246 = arith.constant 0 : i32
      %dma_start3A_247 = tpu.memref_slice %arg3[%add3A_167, %dma_start3A_245, %dma_start3A_246] : memref<64x125x80xi32, #tpu.memory_space<hbm>> -> memref<1x125x80xi32, #tpu.memory_space<hbm>>
      %dma_start3A_248 = tpu.memref_squeeze %dma_start3A_247 : memref<1x125x80xi32, #tpu.memory_space<hbm>> -> memref<125x80xi32, #tpu.memory_space<hbm>>
      %dma_start3A_249 = arith.constant 64 : i32
      %dma_start3A_250 = arith.constant 0 : i32
      %dma_start3A_251 = tpu.memref_slice %dma_start3A_248[%dma_start3A_249, %dma_start3A_250] : memref<125x80xi32, #tpu.memory_space<hbm>> -> memref<61x80xi32, #tpu.memory_space<hbm>>
      tpu.enqueue_dma source(%dma_start3A_251 : memref<61x80xi32, #tpu.memory_space<hbm>>) target(%dma_start3A_244 : memref<61x80xi32, #tpu.memory_space<vmem>>) target_semaphore(%run_scoped3A_231 : memref<!tpu.dma_semaphore, #tpu.memory_space<semaphore_mem>>)
      %dma_wait3A_252 = arith.constant 0 : i32
      %dma_wait3A_253 = arith.constant 0 : i32
      %dma_wait3A_254 = tpu.memref_slice %arg6[%dma_wait3A_252, %dma_wait3A_253] : memref<64x80xi32, #tpu.memory_space<vmem>> -> memref<61x80xi32, #tpu.memory_space<vmem>>
      %dma_wait3A_255 = arith.constant 0 : i32
      %dma_wait3A_256 = arith.constant 0 : i32
      %dma_wait3A_257 = tpu.memref_slice %arg3[%add3A_167, %dma_wait3A_255, %dma_wait3A_256] : memref<64x125x80xi32, #tpu.memory_space<hbm>> -> memref<1x125x80xi32, #tpu.memory_space<hbm>>
      %dma_wait3A_258 = tpu.memref_squeeze %dma_wait3A_257 : memref<1x125x80xi32, #tpu.memory_space<hbm>> -> memref<125x80xi32, #tpu.memory_space<hbm>>
      %dma_wait3A_259 = arith.constant 64 : i32
      %dma_wait3A_260 = arith.constant 0 : i32
      %dma_wait3A_261 = tpu.memref_slice %dma_wait3A_258[%dma_wait3A_259, %dma_wait3A_260] : memref<125x80xi32, #tpu.memory_space<hbm>> -> memref<61x80xi32, #tpu.memory_space<hbm>>
      %dma_wait3A_262 = arith.constant 0 : i32
      %dma_wait3A_263 = arith.constant 0 : i32
      %dma_wait3A_264 = tpu.memref_slice %arg6[%dma_wait3A_262, %dma_wait3A_263] : memref<64x80xi32, #tpu.memory_space<vmem>> -> memref<61x80xi32, #tpu.memory_space<vmem>>
      %dma_wait3A_265 = arith.constant 0 : i32
      %dma_wait3A_266 = arith.constant 0 : i32
      %dma_wait3A_267 = tpu.memref_slice %arg3[%add3A_167, %dma_wait3A_265, %dma_wait3A_266] : memref<64x125x80xi32, #tpu.memory_space<hbm>> -> memref<1x125x80xi32, #tpu.memory_space<hbm>>
      %dma_wait3A_268 = tpu.memref_squeeze %dma_wait3A_267 : memref<1x125x80xi32, #tpu.memory_space<hbm>> -> memref<125x80xi32, #tpu.memory_space<hbm>>
      %dma_wait3A_269 = arith.constant 64 : i32
      %dma_wait3A_270 = arith.constant 0 : i32
      %dma_wait3A_271 = tpu.memref_slice %dma_wait3A_268[%dma_wait3A_269, %dma_wait3A_270] : memref<125x80xi32, #tpu.memory_space<hbm>> -> memref<61x80xi32, #tpu.memory_space<hbm>>
      tpu.wait_dma2 semaphore(%run_scoped3A_231 : memref<!tpu.dma_semaphore, #tpu.memory_space<semaphore_mem>>) src(%dma_wait3A_271 : memref<61x80xi32, #tpu.memory_space<hbm>>) dst(%dma_wait3A_264 : memref<61x80xi32, #tpu.memory_space<vmem>>)
      tpu.yield
    }) : () -> ()
    %dma_start3A_168 = arith.constant 0 : i32
    %dma_start3A_169 = arith.constant 0 : i32
    %dma_start3A_170 = tpu.memref_slice %arg6[%dma_start3A_168, %dma_start3A_169] : memref<64x80xi32, #tpu.memory_space<vmem>> -> memref<1x80xi32, #tpu.memory_space<vmem>>
    %dma_start3A_171 = tpu.memref_squeeze %dma_start3A_170 : memref<1x80xi32, #tpu.memory_space<vmem>> -> memref<80xi32, #tpu.memory_space<vmem>>
    %dma_start3A_172 = arith.constant 0 : i32
    %dma_start3A_173 = arith.constant 0 : i32
    %dma_start3A_174 = tpu.memref_slice %arg2[%dma_start3A_172, %dma_start3A_173] : memref<40000x128xf32, #tpu.memory_space<hbm>> -> memref<40000x128xf32, #tpu.memory_space<hbm>>
    tpu.enqueue_indirect_dma source(%dma_start3A_174 : memref<40000x128xf32, #tpu.memory_space<hbm>>) target(%arg8 : memref<80x128xf32, #tpu.memory_space<vmem>>) offsets(%dma_start3A_171 : memref<80xi32, #tpu.memory_space<vmem>>) semaphore(%arg11 : memref<!tpu.dma_semaphore, #tpu.memory_space<semaphore_mem>>)
    %dma_start3A_175 = arith.constant 1 : i32
    %dma_start3A_176 = arith.constant 0 : i32
    %dma_start3A_177 = tpu.memref_slice %arg6[%dma_start3A_175, %dma_start3A_176] : memref<64x80xi32, #tpu.memory_space<vmem>> -> memref<1x80xi32, #tpu.memory_space<vmem>>
    %dma_start3A_178 = tpu.memref_squeeze %dma_start3A_177 : memref<1x80xi32, #tpu.memory_space<vmem>> -> memref<80xi32, #tpu.memory_space<vmem>>
    %dma_start3A_179 = arith.constant 0 : i32
    %dma_start3A_180 = arith.constant 0 : i32
    %dma_start3A_181 = tpu.memref_slice %arg2[%dma_start3A_179, %dma_start3A_180] : memref<40000x128xf32, #tpu.memory_space<hbm>> -> memref<40000x128xf32, #tpu.memory_space<hbm>>
    tpu.enqueue_indirect_dma source(%dma_start3A_181 : memref<40000x128xf32, #tpu.memory_space<hbm>>) target(%arg9 : memref<80x128xf32, #tpu.memory_space<vmem>>) offsets(%dma_start3A_178 : memref<80xi32, #tpu.memory_space<vmem>>) semaphore(%arg12 : memref<!tpu.dma_semaphore, #tpu.memory_space<semaphore_mem>>)
    %scan3A_182 = arith.constant 0 : i32
    %scan3A_183 = arith.constant 29 : i32
    %scan3A_184 = arith.addi %scan3A_182, %scan3A_183 : i32
    %scan3A_185 = arith.constant 1 : i32
    scf.for %scan3A_231 = %scan3A_182 to %scan3A_184 step %scan3A_185  : i32 {
      %mul3A_232 = arith.constant 1 : i32
      %mul3A_233 = arith.muli %scan3A_231, %mul3A_232 : i32
      %add3A_234 = arith.constant 0 : i32
      %add3A_235 = arith.addi %add3A_234, %mul3A_233 : i32
      %mul3A_236 = arith.constant 2 : i32
      %mul3A_237 = arith.muli %add3A_235, %mul3A_236 : i32
      %dma_wait3A_238 = arith.constant 0 : i32
      %dma_wait3A_239 = tpu.memref_slice %arg6[%mul3A_237, %dma_wait3A_238] : memref<64x80xi32, #tpu.memory_space<vmem>> -> memref<1x80xi32, #tpu.memory_space<vmem>>
      %dma_wait3A_240 = tpu.memref_squeeze %dma_wait3A_239 : memref<1x80xi32, #tpu.memory_space<vmem>> -> memref<80xi32, #tpu.memory_space<vmem>>
      %dma_wait3A_241 = arith.constant 0 : i32
      %dma_wait3A_242 = arith.constant 0 : i32
      %dma_wait3A_243 = tpu.memref_slice %arg2[%dma_wait3A_241, %dma_wait3A_242] : memref<40000x128xf32, #tpu.memory_space<hbm>> -> memref<40000x128xf32, #tpu.memory_space<hbm>>
      tpu.wait_indirect_dma semaphore(%arg11 : memref<!tpu.dma_semaphore, #tpu.memory_space<semaphore_mem>>) src(%dma_wait3A_243 : memref<40000x128xf32, #tpu.memory_space<hbm>>) dst(%arg8 : memref<80x128xf32, #tpu.memory_space<vmem>>)
      %add3A_244 = arith.constant 64 : i32
      %add3A_245 = arith.addi %add3A_244, %mul3A_237 : i32
      "tpu.region"() ({
        %run_scoped3A_274 = tpu.sem_alloc : memref<!tpu.dma_semaphore, #tpu.memory_space<semaphore_mem>>
        %dma_start3A_275 = arith.constant 0 : i32
        %dma_start3A_276 = tpu.memref_slice %arg7[%add3A_245, %dma_start3A_275] : memref<125x80xi32, #tpu.memory_space<vmem>> -> memref<1x80xi32, #tpu.memory_space<vmem>>
        %dma_start3A_277 = tpu.memref_squeeze %dma_start3A_276 : memref<1x80xi32, #tpu.memory_space<vmem>> -> memref<80xi32, #tpu.memory_space<vmem>>
        %dma_start3A_278 = arith.constant 0 : i32
        %dma_start3A_279 = arith.constant 0 : i32
        %dma_start3A_280 = tpu.memref_slice %arg10[%dma_start3A_278, %dma_start3A_279] : memref<10000x128xf32, #tpu.memory_space<vmem_shared>> -> memref<10000x128xf32, #tpu.memory_space<vmem_shared>>
        tpu.enqueue_indirect_dma source(%arg8 : memref<80x128xf32, #tpu.memory_space<vmem>>) target(%dma_start3A_280 : memref<10000x128xf32, #tpu.memory_space<vmem_shared>>) offsets(%dma_start3A_277 : memref<80xi32, #tpu.memory_space<vmem>>) semaphore(%run_scoped3A_274 : memref<!tpu.dma_semaphore, #tpu.memory_space<semaphore_mem>>) {add = true}
        %dma_wait3A_281 = arith.constant 0 : i32
        %dma_wait3A_282 = tpu.memref_slice %arg7[%add3A_245, %dma_wait3A_281] : memref<125x80xi32, #tpu.memory_space<vmem>> -> memref<1x80xi32, #tpu.memory_space<vmem>>
        %dma_wait3A_283 = tpu.memref_squeeze %dma_wait3A_282 : memref<1x80xi32, #tpu.memory_space<vmem>> -> memref<80xi32, #tpu.memory_space<vmem>>
        %dma_wait3A_284 = arith.constant 0 : i32
        %dma_wait3A_285 = arith.constant 0 : i32
        %dma_wait3A_286 = tpu.memref_slice %arg10[%dma_wait3A_284, %dma_wait3A_285] : memref<10000x128xf32, #tpu.memory_space<vmem_shared>> -> memref<10000x128xf32, #tpu.memory_space<vmem_shared>>
        tpu.wait_indirect_dma semaphore(%run_scoped3A_274 : memref<!tpu.dma_semaphore, #tpu.memory_space<semaphore_mem>>) src(%arg8 : memref<80x128xf32, #tpu.memory_space<vmem>>) dst(%dma_wait3A_286 : memref<10000x128xf32, #tpu.memory_space<vmem_shared>>)
        tpu.yield
      }) : () -> ()
      %add3A_246 = arith.constant 2 : i32
      %add3A_247 = arith.addi %mul3A_237, %add3A_246 : i32
      %dma_start3A_248 = arith.constant 0 : i32
      %dma_start3A_249 = tpu.memref_slice %arg6[%add3A_247, %dma_start3A_248] : memref<64x80xi32, #tpu.memory_space<vmem>> -> memref<1x80xi32, #tpu.memory_space<vmem>>
      %dma_start3A_250 = tpu.memref_squeeze %dma_start3A_249 : memref<1x80xi32, #tpu.memory_space<vmem>> -> memref<80xi32, #tpu.memory_space<vmem>>
      %dma_start3A_251 = arith.constant 0 : i32
      %dma_start3A_252 = arith.constant 0 : i32
      %dma_start3A_253 = tpu.memref_slice %arg2[%dma_start3A_251, %dma_start3A_252] : memref<40000x128xf32, #tpu.memory_space<hbm>> -> memref<40000x128xf32, #tpu.memory_space<hbm>>
      tpu.enqueue_indirect_dma source(%dma_start3A_253 : memref<40000x128xf32, #tpu.memory_space<hbm>>) target(%arg8 : memref<80x128xf32, #tpu.memory_space<vmem>>) offsets(%dma_start3A_250 : memref<80xi32, #tpu.memory_space<vmem>>) semaphore(%arg11 : memref<!tpu.dma_semaphore, #tpu.memory_space<semaphore_mem>>)
      %add3A_254 = arith.constant 1 : i32
      %add3A_255 = arith.addi %mul3A_237, %add3A_254 : i32
      %dma_wait3A_256 = arith.constant 0 : i32
      %dma_wait3A_257 = tpu.memref_slice %arg6[%add3A_255, %dma_wait3A_256] : memref<64x80xi32, #tpu.memory_space<vmem>> -> memref<1x80xi32, #tpu.memory_space<vmem>>
      %dma_wait3A_258 = tpu.memref_squeeze %dma_wait3A_257 : memref<1x80xi32, #tpu.memory_space<vmem>> -> memref<80xi32, #tpu.memory_space<vmem>>
      %dma_wait3A_259 = arith.constant 0 : i32
      %dma_wait3A_260 = arith.constant 0 : i32
      %dma_wait3A_261 = tpu.memref_slice %arg2[%dma_wait3A_259, %dma_wait3A_260] : memref<40000x128xf32, #tpu.memory_space<hbm>> -> memref<40000x128xf32, #tpu.memory_space<hbm>>
      tpu.wait_indirect_dma semaphore(%arg12 : memref<!tpu.dma_semaphore, #tpu.memory_space<semaphore_mem>>) src(%dma_wait3A_261 : memref<40000x128xf32, #tpu.memory_space<hbm>>) dst(%arg9 : memref<80x128xf32, #tpu.memory_space<vmem>>)
      %add3A_262 = arith.constant 1 : i32
      %add3A_263 = arith.addi %mul3A_237, %add3A_262 : i32
      %add3A_264 = arith.constant 64 : i32
      %add3A_265 = arith.addi %add3A_264, %add3A_263 : i32
      "tpu.region"() ({
        %run_scoped3A_274 = tpu.sem_alloc : memref<!tpu.dma_semaphore, #tpu.memory_space<semaphore_mem>>
        %dma_start3A_275 = arith.constant 0 : i32
        %dma_start3A_276 = tpu.memref_slice %arg7[%add3A_265, %dma_start3A_275] : memref<125x80xi32, #tpu.memory_space<vmem>> -> memref<1x80xi32, #tpu.memory_space<vmem>>
        %dma_start3A_277 = tpu.memref_squeeze %dma_start3A_276 : memref<1x80xi32, #tpu.memory_space<vmem>> -> memref<80xi32, #tpu.memory_space<vmem>>
        %dma_start3A_278 = arith.constant 0 : i32
        %dma_start3A_279 = arith.constant 0 : i32
        %dma_start3A_280 = tpu.memref_slice %arg10[%dma_start3A_278, %dma_start3A_279] : memref<10000x128xf32, #tpu.memory_space<vmem_shared>> -> memref<10000x128xf32, #tpu.memory_space<vmem_shared>>
        tpu.enqueue_indirect_dma source(%arg9 : memref<80x128xf32, #tpu.memory_space<vmem>>) target(%dma_start3A_280 : memref<10000x128xf32, #tpu.memory_space<vmem_shared>>) offsets(%dma_start3A_277 : memref<80xi32, #tpu.memory_space<vmem>>) semaphore(%run_scoped3A_274 : memref<!tpu.dma_semaphore, #tpu.memory_space<semaphore_mem>>) {add = true}
        %dma_wait3A_281 = arith.constant 0 : i32
        %dma_wait3A_282 = tpu.memref_slice %arg7[%add3A_265, %dma_wait3A_281] : memref<125x80xi32, #tpu.memory_space<vmem>> -> memref<1x80xi32, #tpu.memory_space<vmem>>
        %dma_wait3A_283 = tpu.memref_squeeze %dma_wait3A_282 : memref<1x80xi32, #tpu.memory_space<vmem>> -> memref<80xi32, #tpu.memory_space<vmem>>
        %dma_wait3A_284 = arith.constant 0 : i32
        %dma_wait3A_285 = arith.constant 0 : i32
        %dma_wait3A_286 = tpu.memref_slice %arg10[%dma_wait3A_284, %dma_wait3A_285] : memref<10000x128xf32, #tpu.memory_space<vmem_shared>> -> memref<10000x128xf32, #tpu.memory_space<vmem_shared>>
        tpu.wait_indirect_dma semaphore(%run_scoped3A_274 : memref<!tpu.dma_semaphore, #tpu.memory_space<semaphore_mem>>) src(%arg9 : memref<80x128xf32, #tpu.memory_space<vmem>>) dst(%dma_wait3A_286 : memref<10000x128xf32, #tpu.memory_space<vmem_shared>>)
        tpu.yield
      }) : () -> ()
      %add3A_266 = arith.constant 3 : i32
      %add3A_267 = arith.addi %mul3A_237, %add3A_266 : i32
      %dma_start3A_268 = arith.constant 0 : i32
      %dma_start3A_269 = tpu.memref_slice %arg6[%add3A_267, %dma_start3A_268] : memref<64x80xi32, #tpu.memory_space<vmem>> -> memref<1x80xi32, #tpu.memory_space<vmem>>
      %dma_start3A_270 = tpu.memref_squeeze %dma_start3A_269 : memref<1x80xi32, #tpu.memory_space<vmem>> -> memref<80xi32, #tpu.memory_space<vmem>>
      %dma_start3A_271 = arith.constant 0 : i32
      %dma_start3A_272 = arith.constant 0 : i32
      %dma_start3A_273 = tpu.memref_slice %arg2[%dma_start3A_271, %dma_start3A_272] : memref<40000x128xf32, #tpu.memory_space<hbm>> -> memref<40000x128xf32, #tpu.memory_space<hbm>>
      tpu.enqueue_indirect_dma source(%dma_start3A_273 : memref<40000x128xf32, #tpu.memory_space<hbm>>) target(%arg9 : memref<80x128xf32, #tpu.memory_space<vmem>>) offsets(%dma_start3A_270 : memref<80xi32, #tpu.memory_space<vmem>>) semaphore(%arg12 : memref<!tpu.dma_semaphore, #tpu.memory_space<semaphore_mem>>)
    }
    %scan3A_186 = arith.constant 29 : i32
    %dma_wait3A_187 = arith.constant 58 : i32
    %dma_wait3A_188 = arith.constant 0 : i32
    %dma_wait3A_189 = tpu.memref_slice %arg6[%dma_wait3A_187, %dma_wait3A_188] : memref<64x80xi32, #tpu.memory_space<vmem>> -> memref<1x80xi32, #tpu.memory_space<vmem>>
    %dma_wait3A_190 = tpu.memref_squeeze %dma_wait3A_189 : memref<1x80xi32, #tpu.memory_space<vmem>> -> memref<80xi32, #tpu.memory_space<vmem>>
    %dma_wait3A_191 = arith.constant 0 : i32
    %dma_wait3A_192 = arith.constant 0 : i32
    %dma_wait3A_193 = tpu.memref_slice %arg2[%dma_wait3A_191, %dma_wait3A_192] : memref<40000x128xf32, #tpu.memory_space<hbm>> -> memref<40000x128xf32, #tpu.memory_space<hbm>>
    tpu.wait_indirect_dma semaphore(%arg11 : memref<!tpu.dma_semaphore, #tpu.memory_space<semaphore_mem>>) src(%dma_wait3A_193 : memref<40000x128xf32, #tpu.memory_space<hbm>>) dst(%arg8 : memref<80x128xf32, #tpu.memory_space<vmem>>)
    %run_scoped3A_194 = arith.constant 122 : i32
    "tpu.region"() ({
      %run_scoped3A_231 = tpu.sem_alloc : memref<!tpu.dma_semaphore, #tpu.memory_space<semaphore_mem>>
      %dma_start3A_232 = arith.constant 0 : i32
      %dma_start3A_233 = tpu.memref_slice %arg7[%run_scoped3A_194, %dma_start3A_232] : memref<125x80xi32, #tpu.memory_space<vmem>> -> memref<1x80xi32, #tpu.memory_space<vmem>>
      %dma_start3A_234 = tpu.memref_squeeze %dma_start3A_233 : memref<1x80xi32, #tpu.memory_space<vmem>> -> memref<80xi32, #tpu.memory_space<vmem>>
      %dma_start3A_235 = arith.constant 0 : i32
      %dma_start3A_236 = arith.constant 0 : i32
      %dma_start3A_237 = tpu.memref_slice %arg10[%dma_start3A_235, %dma_start3A_236] : memref<10000x128xf32, #tpu.memory_space<vmem_shared>> -> memref<10000x128xf32, #tpu.memory_space<vmem_shared>>
      tpu.enqueue_indirect_dma source(%arg8 : memref<80x128xf32, #tpu.memory_space<vmem>>) target(%dma_start3A_237 : memref<10000x128xf32, #tpu.memory_space<vmem_shared>>) offsets(%dma_start3A_234 : memref<80xi32, #tpu.memory_space<vmem>>) semaphore(%run_scoped3A_231 : memref<!tpu.dma_semaphore, #tpu.memory_space<semaphore_mem>>) {add = true}
      %dma_wait3A_238 = arith.constant 0 : i32
      %dma_wait3A_239 = tpu.memref_slice %arg7[%run_scoped3A_194, %dma_wait3A_238] : memref<125x80xi32, #tpu.memory_space<vmem>> -> memref<1x80xi32, #tpu.memory_space<vmem>>
      %dma_wait3A_240 = tpu.memref_squeeze %dma_wait3A_239 : memref<1x80xi32, #tpu.memory_space<vmem>> -> memref<80xi32, #tpu.memory_space<vmem>>
      %dma_wait3A_241 = arith.constant 0 : i32
      %dma_wait3A_242 = arith.constant 0 : i32
      %dma_wait3A_243 = tpu.memref_slice %arg10[%dma_wait3A_241, %dma_wait3A_242] : memref<10000x128xf32, #tpu.memory_space<vmem_shared>> -> memref<10000x128xf32, #tpu.memory_space<vmem_shared>>
      tpu.wait_indirect_dma semaphore(%run_scoped3A_231 : memref<!tpu.dma_semaphore, #tpu.memory_space<semaphore_mem>>) src(%arg8 : memref<80x128xf32, #tpu.memory_space<vmem>>) dst(%dma_wait3A_243 : memref<10000x128xf32, #tpu.memory_space<vmem_shared>>)
      tpu.yield
    }) : () -> ()
    %dma_start3A_195 = arith.constant 60 : i32
    %dma_start3A_196 = arith.constant 0 : i32
    %dma_start3A_197 = tpu.memref_slice %arg6[%dma_start3A_195, %dma_start3A_196] : memref<64x80xi32, #tpu.memory_space<vmem>> -> memref<1x80xi32, #tpu.memory_space<vmem>>
    %dma_start3A_198 = tpu.memref_squeeze %dma_start3A_197 : memref<1x80xi32, #tpu.memory_space<vmem>> -> memref<80xi32, #tpu.memory_space<vmem>>
    %dma_start3A_199 = arith.constant 0 : i32
    %dma_start3A_200 = arith.constant 0 : i32
    %dma_start3A_201 = tpu.memref_slice %arg2[%dma_start3A_199, %dma_start3A_200] : memref<40000x128xf32, #tpu.memory_space<hbm>> -> memref<40000x128xf32, #tpu.memory_space<hbm>>
    tpu.enqueue_indirect_dma source(%dma_start3A_201 : memref<40000x128xf32, #tpu.memory_space<hbm>>) target(%arg8 : memref<80x128xf32, #tpu.memory_space<vmem>>) offsets(%dma_start3A_198 : memref<80xi32, #tpu.memory_space<vmem>>) semaphore(%arg11 : memref<!tpu.dma_semaphore, #tpu.memory_space<semaphore_mem>>)
    %dma_wait3A_202 = arith.constant 59 : i32
    %dma_wait3A_203 = arith.constant 0 : i32
    %dma_wait3A_204 = tpu.memref_slice %arg6[%dma_wait3A_202, %dma_wait3A_203] : memref<64x80xi32, #tpu.memory_space<vmem>> -> memref<1x80xi32, #tpu.memory_space<vmem>>
    %dma_wait3A_205 = tpu.memref_squeeze %dma_wait3A_204 : memref<1x80xi32, #tpu.memory_space<vmem>> -> memref<80xi32, #tpu.memory_space<vmem>>
    %dma_wait3A_206 = arith.constant 0 : i32
    %dma_wait3A_207 = arith.constant 0 : i32
    %dma_wait3A_208 = tpu.memref_slice %arg2[%dma_wait3A_206, %dma_wait3A_207] : memref<40000x128xf32, #tpu.memory_space<hbm>> -> memref<40000x128xf32, #tpu.memory_space<hbm>>
    tpu.wait_indirect_dma semaphore(%arg12 : memref<!tpu.dma_semaphore, #tpu.memory_space<semaphore_mem>>) src(%dma_wait3A_208 : memref<40000x128xf32, #tpu.memory_space<hbm>>) dst(%arg9 : memref<80x128xf32, #tpu.memory_space<vmem>>)
    %run_scoped3A_209 = arith.constant 123 : i32
    "tpu.region"() ({
      %run_scoped3A_231 = tpu.sem_alloc : memref<!tpu.dma_semaphore, #tpu.memory_space<semaphore_mem>>
      %dma_start3A_232 = arith.constant 0 : i32
      %dma_start3A_233 = tpu.memref_slice %arg7[%run_scoped3A_209, %dma_start3A_232] : memref<125x80xi32, #tpu.memory_space<vmem>> -> memref<1x80xi32, #tpu.memory_space<vmem>>
      %dma_start3A_234 = tpu.memref_squeeze %dma_start3A_233 : memref<1x80xi32, #tpu.memory_space<vmem>> -> memref<80xi32, #tpu.memory_space<vmem>>
      %dma_start3A_235 = arith.constant 0 : i32
      %dma_start3A_236 = arith.constant 0 : i32
      %dma_start3A_237 = tpu.memref_slice %arg10[%dma_start3A_235, %dma_start3A_236] : memref<10000x128xf32, #tpu.memory_space<vmem_shared>> -> memref<10000x128xf32, #tpu.memory_space<vmem_shared>>
      tpu.enqueue_indirect_dma source(%arg9 : memref<80x128xf32, #tpu.memory_space<vmem>>) target(%dma_start3A_237 : memref<10000x128xf32, #tpu.memory_space<vmem_shared>>) offsets(%dma_start3A_234 : memref<80xi32, #tpu.memory_space<vmem>>) semaphore(%run_scoped3A_231 : memref<!tpu.dma_semaphore, #tpu.memory_space<semaphore_mem>>) {add = true}
      %dma_wait3A_238 = arith.constant 0 : i32
      %dma_wait3A_239 = tpu.memref_slice %arg7[%run_scoped3A_209, %dma_wait3A_238] : memref<125x80xi32, #tpu.memory_space<vmem>> -> memref<1x80xi32, #tpu.memory_space<vmem>>
      %dma_wait3A_240 = tpu.memref_squeeze %dma_wait3A_239 : memref<1x80xi32, #tpu.memory_space<vmem>> -> memref<80xi32, #tpu.memory_space<vmem>>
      %dma_wait3A_241 = arith.constant 0 : i32
      %dma_wait3A_242 = arith.constant 0 : i32
      %dma_wait3A_243 = tpu.memref_slice %arg10[%dma_wait3A_241, %dma_wait3A_242] : memref<10000x128xf32, #tpu.memory_space<vmem_shared>> -> memref<10000x128xf32, #tpu.memory_space<vmem_shared>>
      tpu.wait_indirect_dma semaphore(%run_scoped3A_231 : memref<!tpu.dma_semaphore, #tpu.memory_space<semaphore_mem>>) src(%arg9 : memref<80x128xf32, #tpu.memory_space<vmem>>) dst(%dma_wait3A_243 : memref<10000x128xf32, #tpu.memory_space<vmem_shared>>)
      tpu.yield
    }) : () -> ()
    %dma_wait3A_210 = arith.constant 60 : i32
    %dma_wait3A_211 = arith.constant 0 : i32
    %dma_wait3A_212 = tpu.memref_slice %arg6[%dma_wait3A_210, %dma_wait3A_211] : memref<64x80xi32, #tpu.memory_space<vmem>> -> memref<1x80xi32, #tpu.memory_space<vmem>>
    %dma_wait3A_213 = tpu.memref_squeeze %dma_wait3A_212 : memref<1x80xi32, #tpu.memory_space<vmem>> -> memref<80xi32, #tpu.memory_space<vmem>>
    %dma_wait3A_214 = arith.constant 0 : i32
    %dma_wait3A_215 = arith.constant 0 : i32
    %dma_wait3A_216 = tpu.memref_slice %arg2[%dma_wait3A_214, %dma_wait3A_215] : memref<40000x128xf32, #tpu.memory_space<hbm>> -> memref<40000x128xf32, #tpu.memory_space<hbm>>
    tpu.wait_indirect_dma semaphore(%arg11 : memref<!tpu.dma_semaphore, #tpu.memory_space<semaphore_mem>>) src(%dma_wait3A_216 : memref<40000x128xf32, #tpu.memory_space<hbm>>) dst(%arg8 : memref<80x128xf32, #tpu.memory_space<vmem>>)
    %run_scoped3A_217 = arith.constant 124 : i32
    "tpu.region"() ({
      %run_scoped3A_231 = tpu.sem_alloc : memref<!tpu.dma_semaphore, #tpu.memory_space<semaphore_mem>>
      %dma_start3A_232 = arith.constant 0 : i32
      %dma_start3A_233 = tpu.memref_slice %arg7[%run_scoped3A_217, %dma_start3A_232] : memref<125x80xi32, #tpu.memory_space<vmem>> -> memref<1x80xi32, #tpu.memory_space<vmem>>
      %dma_start3A_234 = tpu.memref_squeeze %dma_start3A_233 : memref<1x80xi32, #tpu.memory_space<vmem>> -> memref<80xi32, #tpu.memory_space<vmem>>
      %dma_start3A_235 = arith.constant 0 : i32
      %dma_start3A_236 = arith.constant 0 : i32
      %dma_start3A_237 = tpu.memref_slice %arg10[%dma_start3A_235, %dma_start3A_236] : memref<10000x128xf32, #tpu.memory_space<vmem_shared>> -> memref<10000x128xf32, #tpu.memory_space<vmem_shared>>
      tpu.enqueue_indirect_dma source(%arg8 : memref<80x128xf32, #tpu.memory_space<vmem>>) target(%dma_start3A_237 : memref<10000x128xf32, #tpu.memory_space<vmem_shared>>) offsets(%dma_start3A_234 : memref<80xi32, #tpu.memory_space<vmem>>) semaphore(%run_scoped3A_231 : memref<!tpu.dma_semaphore, #tpu.memory_space<semaphore_mem>>) {add = true}
      %dma_wait3A_238 = arith.constant 0 : i32
      %dma_wait3A_239 = tpu.memref_slice %arg7[%run_scoped3A_217, %dma_wait3A_238] : memref<125x80xi32, #tpu.memory_space<vmem>> -> memref<1x80xi32, #tpu.memory_space<vmem>>
      %dma_wait3A_240 = tpu.memref_squeeze %dma_wait3A_239 : memref<1x80xi32, #tpu.memory_space<vmem>> -> memref<80xi32, #tpu.memory_space<vmem>>
      %dma_wait3A_241 = arith.constant 0 : i32
      %dma_wait3A_242 = arith.constant 0 : i32
      %dma_wait3A_243 = tpu.memref_slice %arg10[%dma_wait3A_241, %dma_wait3A_242] : memref<10000x128xf32, #tpu.memory_space<vmem_shared>> -> memref<10000x128xf32, #tpu.memory_space<vmem_shared>>
      tpu.wait_indirect_dma semaphore(%run_scoped3A_231 : memref<!tpu.dma_semaphore, #tpu.memory_space<semaphore_mem>>) src(%arg8 : memref<80x128xf32, #tpu.memory_space<vmem>>) dst(%dma_wait3A_243 : memref<10000x128xf32, #tpu.memory_space<vmem_shared>>)
      tpu.yield
    }) : () -> ()
    %barrier3A_218 = arith.constant 0 : index
    tpu.barrier barrier_id(%barrier3A_218)
    %mul3A_219 = arith.constant 10000 : i32
    %mul3A_220 = arith.muli %add3A_113, %mul3A_219 : i32
    %lt3A_221 = arith.constant 15 : i32
    %lt3A_222 = arith.cmpi slt, %arg1, %lt3A_221 : i32
    %convert_element_type3A_223 = arith.extui %lt3A_222 : i1 to i32
    %cond3A_224 = arith.constant 0 : i32
    %cond3A_225 = arith.cmpi ne, %convert_element_type3A_223, %cond3A_224 : i32
    scf.if %cond3A_225 {
      %mul3A_231 = arith.constant 632 : i32
      %mul3A_232 = arith.muli %arg1, %mul3A_231 : i32
      %add3A_233 = arith.constant 0 : i32
      %add3A_234 = arith.addi %add3A_233, %mul3A_232 : i32
      %multiple_of3A = tpu.assume_multiple %add3A_234, 8 : i32
      %mul3A_235 = arith.constant 632 : i32
      %mul3A_236 = arith.muli %arg1, %mul3A_235 : i32
      %add3A_237 = arith.addi %mul3A_220, %mul3A_236 : i32
      %multiple_of3A_238 = tpu.assume_multiple %add3A_237, 8 : i32
      "tpu.region"() ({
        %run_scoped3A_239 = tpu.sem_alloc : memref<!tpu.dma_semaphore, #tpu.memory_space<semaphore_mem>>
        %dma_start3A_240 = arith.constant 0 : i32
        %dma_start3A_241 = tpu.memref_slice %arg5[%multiple_of3A_238, %dma_start3A_240] : memref<40000x128xf32, #tpu.memory_space<hbm>> -> memref<632x128xf32, #tpu.memory_space<hbm>>
        %dma_start3A_242 = arith.constant 0 : i32
        %dma_start3A_243 = tpu.memref_slice %arg10[%multiple_of3A, %dma_start3A_242] : memref<10000x128xf32, #tpu.memory_space<vmem_shared>> -> memref<632x128xf32, #tpu.memory_space<vmem_shared>>
        tpu.enqueue_dma source(%dma_start3A_243 : memref<632x128xf32, #tpu.memory_space<vmem_shared>>) target(%dma_start3A_241 : memref<632x128xf32, #tpu.memory_space<hbm>>) target_semaphore(%run_scoped3A_239 : memref<!tpu.dma_semaphore, #tpu.memory_space<semaphore_mem>>)
        %dma_wait3A_244 = arith.constant 0 : i32
        %dma_wait3A_245 = tpu.memref_slice %arg5[%multiple_of3A_238, %dma_wait3A_244] : memref<40000x128xf32, #tpu.memory_space<hbm>> -> memref<632x128xf32, #tpu.memory_space<hbm>>
        %dma_wait3A_246 = arith.constant 0 : i32
        %dma_wait3A_247 = tpu.memref_slice %arg10[%multiple_of3A, %dma_wait3A_246] : memref<10000x128xf32, #tpu.memory_space<vmem_shared>> -> memref<632x128xf32, #tpu.memory_space<vmem_shared>>
        tpu.wait_dma2 semaphore(%run_scoped3A_239 : memref<!tpu.dma_semaphore, #tpu.memory_space<semaphore_mem>>) src(%dma_wait3A_247 : memref<632x128xf32, #tpu.memory_space<vmem_shared>>) dst(%dma_wait3A_245 : memref<632x128xf32, #tpu.memory_space<hbm>>)
        tpu.yield
      }) : () -> ()
    } else {
    }
    %eq3A_226 = arith.constant 15 : i32
    %eq3A_227 = arith.cmpi eq, %arg1, %eq3A_226 : i32
    %convert_element_type3A_228 = arith.extui %eq3A_227 : i1 to i32
    %cond3A_229 = arith.constant 0 : i32
    %cond3A_230 = arith.cmpi ne, %convert_element_type3A_228, %cond3A_229 : i32
    scf.if %cond3A_230 {
      %multiple_of3A = arith.constant 9480 : i32
      %multiple_of3A_231 = tpu.assume_multiple %multiple_of3A, 8 : i32
      %add3A_232 = arith.constant 9480 : i32
      %add3A_233 = arith.addi %mul3A_220, %add3A_232 : i32
      %multiple_of3A_234 = tpu.assume_multiple %add3A_233, 8 : i32
      "tpu.region"() ({
        %run_scoped3A_235 = tpu.sem_alloc : memref<!tpu.dma_semaphore, #tpu.memory_space<semaphore_mem>>
        %dma_start3A_236 = arith.constant 0 : i32
        %dma_start3A_237 = tpu.memref_slice %arg5[%multiple_of3A_234, %dma_start3A_236] : memref<40000x128xf32, #tpu.memory_space<hbm>> -> memref<520x128xf32, #tpu.memory_space<hbm>>
        %dma_start3A_238 = arith.constant 0 : i32
        %dma_start3A_239 = tpu.memref_slice %arg10[%multiple_of3A_231, %dma_start3A_238] : memref<10000x128xf32, #tpu.memory_space<vmem_shared>> -> memref<520x128xf32, #tpu.memory_space<vmem_shared>>
        tpu.enqueue_dma source(%dma_start3A_239 : memref<520x128xf32, #tpu.memory_space<vmem_shared>>) target(%dma_start3A_237 : memref<520x128xf32, #tpu.memory_space<hbm>>) target_semaphore(%run_scoped3A_235 : memref<!tpu.dma_semaphore, #tpu.memory_space<semaphore_mem>>)
        %dma_wait3A_240 = arith.constant 0 : i32
        %dma_wait3A_241 = tpu.memref_slice %arg5[%multiple_of3A_234, %dma_wait3A_240] : memref<40000x128xf32, #tpu.memory_space<hbm>> -> memref<520x128xf32, #tpu.memory_space<hbm>>
        %dma_wait3A_242 = arith.constant 0 : i32
        %dma_wait3A_243 = tpu.memref_slice %arg10[%multiple_of3A_231, %dma_wait3A_242] : memref<10000x128xf32, #tpu.memory_space<vmem_shared>> -> memref<520x128xf32, #tpu.memory_space<vmem_shared>>
        tpu.wait_dma2 semaphore(%run_scoped3A_235 : memref<!tpu.dma_semaphore, #tpu.memory_space<semaphore_mem>>) src(%dma_wait3A_243 : memref<520x128xf32, #tpu.memory_space<vmem_shared>>) dst(%dma_wait3A_241 : memref<520x128xf32, #tpu.memory_space<hbm>>)
        tpu.yield
      }) : () -> ()
    } else {
    }
    return
  }
}

#map = affine_map<(d0, d1) -> (0, 0)>
#map1 = affine_map<(d0, d1) -> (0, 0, 0)>
module attributes {stable_mosaic.version = 14 : i64} {
  func.func @seg_kernel(%arg0: i32, %arg1: i32, %arg2: memref<20000x128xf32, #tpu.memory_space<hbm>>, %arg3: memref<32x125x80xi32, #tpu.memory_space<hbm>>, %arg4: memref<16x125x80xi32, #tpu.memory_space<hbm>>, %arg5: memref<20000x128xf32, #tpu.memory_space<hbm>>, %arg6: memref<64x80xi32, #tpu.memory_space<vmem>>, %arg7: memref<125x80xi32, #tpu.memory_space<vmem>>, %arg8: memref<80x128xf32, #tpu.memory_space<vmem>>, %arg9: memref<80x128xf32, #tpu.memory_space<vmem>>, %arg10: memref<10000x128xf32, #tpu.memory_space<vmem_shared>>, %arg11: memref<!tpu.dma_semaphore, #tpu.memory_space<semaphore_mem>>, %arg12: memref<!tpu.dma_semaphore, #tpu.memory_space<semaphore_mem>>) attributes {dimension_semantics = [#tpu.dimension_semantics<core_parallel>, #tpu.dimension_semantics<subcore_parallel>], iteration_bounds = array<i64: 2, 16>, scalar_prefetch = 0 : i64, scratch_operands = 7 : i64, tpu.core_type = #tpu.core_type<sc_vector_subcore>, window_params = [{transform_indices = #map}, {transform_indices = #map1}, {transform_indices = #map1}, {transform_indices = #map}]} {
    "tpu.region"() ({
      %run_scoped3A_110 = tpu.sem_alloc : memref<!tpu.dma_semaphore, #tpu.memory_space<semaphore_mem>>
      %dma_start3A_111 = arith.constant 0 : i32
      %dma_start3A_112 = arith.constant 0 : i32
      %dma_start3A_113 = tpu.memref_slice %arg4[%arg1, %dma_start3A_111, %dma_start3A_112] : memref<16x125x80xi32, #tpu.memory_space<hbm>> -> memref<1x125x80xi32, #tpu.memory_space<hbm>>
      %dma_start3A_114 = tpu.memref_squeeze %dma_start3A_113 : memref<1x125x80xi32, #tpu.memory_space<hbm>> -> memref<125x80xi32, #tpu.memory_space<hbm>>
      %dma_start3A_115 = arith.constant 0 : i32
      %dma_start3A_116 = arith.constant 0 : i32
      %dma_start3A_117 = tpu.memref_slice %arg4[%arg1, %dma_start3A_115, %dma_start3A_116] : memref<16x125x80xi32, #tpu.memory_space<hbm>> -> memref<1x125x80xi32, #tpu.memory_space<hbm>>
      %dma_start3A_118 = tpu.memref_squeeze %dma_start3A_117 : memref<1x125x80xi32, #tpu.memory_space<hbm>> -> memref<125x80xi32, #tpu.memory_space<hbm>>
      tpu.enqueue_dma source(%dma_start3A_118 : memref<125x80xi32, #tpu.memory_space<hbm>>) target(%arg7 : memref<125x80xi32, #tpu.memory_space<vmem>>) target_semaphore(%run_scoped3A_110 : memref<!tpu.dma_semaphore, #tpu.memory_space<semaphore_mem>>)
      %dma_wait3A_119 = arith.constant 0 : i32
      %dma_wait3A_120 = arith.constant 0 : i32
      %dma_wait3A_121 = tpu.memref_slice %arg4[%arg1, %dma_wait3A_119, %dma_wait3A_120] : memref<16x125x80xi32, #tpu.memory_space<hbm>> -> memref<1x125x80xi32, #tpu.memory_space<hbm>>
      %dma_wait3A_122 = tpu.memref_squeeze %dma_wait3A_121 : memref<1x125x80xi32, #tpu.memory_space<hbm>> -> memref<125x80xi32, #tpu.memory_space<hbm>>
      %dma_wait3A_123 = arith.constant 0 : i32
      %dma_wait3A_124 = arith.constant 0 : i32
      %dma_wait3A_125 = tpu.memref_slice %arg4[%arg1, %dma_wait3A_123, %dma_wait3A_124] : memref<16x125x80xi32, #tpu.memory_space<hbm>> -> memref<1x125x80xi32, #tpu.memory_space<hbm>>
      %dma_wait3A_126 = tpu.memref_squeeze %dma_wait3A_125 : memref<1x125x80xi32, #tpu.memory_space<hbm>> -> memref<125x80xi32, #tpu.memory_space<hbm>>
      tpu.wait_dma2 semaphore(%run_scoped3A_110 : memref<!tpu.dma_semaphore, #tpu.memory_space<semaphore_mem>>) src(%dma_wait3A_126 : memref<125x80xi32, #tpu.memory_space<hbm>>) dst(%arg7 : memref<125x80xi32, #tpu.memory_space<vmem>>)
      tpu.yield
    }) : () -> ()
    %mul3A = arith.constant 1 : i32
    %mul3A_0 = arith.muli %arg0, %mul3A : i32
    %add3A = arith.constant 0 : i32
    %add3A_1 = arith.addi %mul3A_0, %add3A : i32
    %mul3A_2 = arith.constant 10000 : i32
    %mul3A_3 = arith.muli %add3A_1, %mul3A_2 : i32
    %lt3A = arith.constant 15 : i32
    %lt3A_4 = arith.cmpi slt, %arg1, %lt3A : i32
    %convert_element_type3A = arith.extui %lt3A_4 : i1 to i32
    %cond3A = arith.constant 0 : i32
    %cond3A_5 = arith.cmpi ne, %convert_element_type3A, %cond3A : i32
    scf.if %cond3A_5 {
      %mul3A_110 = arith.constant 632 : i32
      %mul3A_111 = arith.muli %arg1, %mul3A_110 : i32
      %add3A_112 = arith.addi %mul3A_3, %mul3A_111 : i32
      %multiple_of3A = tpu.assume_multiple %add3A_112, 8 : i32
      %mul3A_113 = arith.constant 632 : i32
      %mul3A_114 = arith.muli %arg1, %mul3A_113 : i32
      %add3A_115 = arith.constant 0 : i32
      %add3A_116 = arith.addi %add3A_115, %mul3A_114 : i32
      %multiple_of3A_117 = tpu.assume_multiple %add3A_116, 8 : i32
      "tpu.region"() ({
        %run_scoped3A_118 = tpu.sem_alloc : memref<!tpu.dma_semaphore, #tpu.memory_space<semaphore_mem>>
        %dma_start3A_119 = arith.constant 0 : i32
        %dma_start3A_120 = tpu.memref_slice %arg10[%multiple_of3A_117, %dma_start3A_119] : memref<10000x128xf32, #tpu.memory_space<vmem_shared>> -> memref<632x128xf32, #tpu.memory_space<vmem_shared>>
        %dma_start3A_121 = arith.constant 0 : i32
        %dma_start3A_122 = tpu.memref_slice %arg2[%multiple_of3A, %dma_start3A_121] : memref<20000x128xf32, #tpu.memory_space<hbm>> -> memref<632x128xf32, #tpu.memory_space<hbm>>
        tpu.enqueue_dma source(%dma_start3A_122 : memref<632x128xf32, #tpu.memory_space<hbm>>) target(%dma_start3A_120 : memref<632x128xf32, #tpu.memory_space<vmem_shared>>) target_semaphore(%run_scoped3A_118 : memref<!tpu.dma_semaphore, #tpu.memory_space<semaphore_mem>>)
        %dma_wait3A_123 = arith.constant 0 : i32
        %dma_wait3A_124 = tpu.memref_slice %arg10[%multiple_of3A_117, %dma_wait3A_123] : memref<10000x128xf32, #tpu.memory_space<vmem_shared>> -> memref<632x128xf32, #tpu.memory_space<vmem_shared>>
        %dma_wait3A_125 = arith.constant 0 : i32
        %dma_wait3A_126 = tpu.memref_slice %arg2[%multiple_of3A, %dma_wait3A_125] : memref<20000x128xf32, #tpu.memory_space<hbm>> -> memref<632x128xf32, #tpu.memory_space<hbm>>
        tpu.wait_dma2 semaphore(%run_scoped3A_118 : memref<!tpu.dma_semaphore, #tpu.memory_space<semaphore_mem>>) src(%dma_wait3A_126 : memref<632x128xf32, #tpu.memory_space<hbm>>) dst(%dma_wait3A_124 : memref<632x128xf32, #tpu.memory_space<vmem_shared>>)
        tpu.yield
      }) : () -> ()
    } else {
    }
    %eq3A = arith.constant 15 : i32
    %eq3A_6 = arith.cmpi eq, %arg1, %eq3A : i32
    %convert_element_type3A_7 = arith.extui %eq3A_6 : i1 to i32
    %cond3A_8 = arith.constant 0 : i32
    %cond3A_9 = arith.cmpi ne, %convert_element_type3A_7, %cond3A_8 : i32
    scf.if %cond3A_9 {
      %add3A_110 = arith.constant 9480 : i32
      %add3A_111 = arith.addi %mul3A_3, %add3A_110 : i32
      %multiple_of3A = tpu.assume_multiple %add3A_111, 8 : i32
      %multiple_of3A_112 = arith.constant 9480 : i32
      %multiple_of3A_113 = tpu.assume_multiple %multiple_of3A_112, 8 : i32
      "tpu.region"() ({
        %run_scoped3A_114 = tpu.sem_alloc : memref<!tpu.dma_semaphore, #tpu.memory_space<semaphore_mem>>
        %dma_start3A_115 = arith.constant 0 : i32
        %dma_start3A_116 = tpu.memref_slice %arg10[%multiple_of3A_113, %dma_start3A_115] : memref<10000x128xf32, #tpu.memory_space<vmem_shared>> -> memref<520x128xf32, #tpu.memory_space<vmem_shared>>
        %dma_start3A_117 = arith.constant 0 : i32
        %dma_start3A_118 = tpu.memref_slice %arg2[%multiple_of3A, %dma_start3A_117] : memref<20000x128xf32, #tpu.memory_space<hbm>> -> memref<520x128xf32, #tpu.memory_space<hbm>>
        tpu.enqueue_dma source(%dma_start3A_118 : memref<520x128xf32, #tpu.memory_space<hbm>>) target(%dma_start3A_116 : memref<520x128xf32, #tpu.memory_space<vmem_shared>>) target_semaphore(%run_scoped3A_114 : memref<!tpu.dma_semaphore, #tpu.memory_space<semaphore_mem>>)
        %dma_wait3A_119 = arith.constant 0 : i32
        %dma_wait3A_120 = tpu.memref_slice %arg10[%multiple_of3A_113, %dma_wait3A_119] : memref<10000x128xf32, #tpu.memory_space<vmem_shared>> -> memref<520x128xf32, #tpu.memory_space<vmem_shared>>
        %dma_wait3A_121 = arith.constant 0 : i32
        %dma_wait3A_122 = tpu.memref_slice %arg2[%multiple_of3A, %dma_wait3A_121] : memref<20000x128xf32, #tpu.memory_space<hbm>> -> memref<520x128xf32, #tpu.memory_space<hbm>>
        tpu.wait_dma2 semaphore(%run_scoped3A_114 : memref<!tpu.dma_semaphore, #tpu.memory_space<semaphore_mem>>) src(%dma_wait3A_122 : memref<520x128xf32, #tpu.memory_space<hbm>>) dst(%dma_wait3A_120 : memref<520x128xf32, #tpu.memory_space<vmem_shared>>)
        tpu.yield
      }) : () -> ()
    } else {
    }
    %barrier3A = arith.constant 0 : index
    tpu.barrier barrier_id(%barrier3A)
    %mul3A_10 = arith.constant 16 : i32
    %mul3A_11 = arith.muli %add3A_1, %mul3A_10 : i32
    %add3A_12 = arith.addi %mul3A_11, %arg1 : i32
    "tpu.region"() ({
      %run_scoped3A_110 = tpu.sem_alloc : memref<!tpu.dma_semaphore, #tpu.memory_space<semaphore_mem>>
      %dma_start3A_111 = arith.constant 0 : i32
      %dma_start3A_112 = arith.constant 0 : i32
      %dma_start3A_113 = tpu.memref_slice %arg6[%dma_start3A_111, %dma_start3A_112] : memref<64x80xi32, #tpu.memory_space<vmem>> -> memref<64x80xi32, #tpu.memory_space<vmem>>
      %dma_start3A_114 = arith.constant 0 : i32
      %dma_start3A_115 = arith.constant 0 : i32
      %dma_start3A_116 = tpu.memref_slice %arg3[%add3A_12, %dma_start3A_114, %dma_start3A_115] : memref<32x125x80xi32, #tpu.memory_space<hbm>> -> memref<1x125x80xi32, #tpu.memory_space<hbm>>
      %dma_start3A_117 = tpu.memref_squeeze %dma_start3A_116 : memref<1x125x80xi32, #tpu.memory_space<hbm>> -> memref<125x80xi32, #tpu.memory_space<hbm>>
      %dma_start3A_118 = arith.constant 0 : i32
      %dma_start3A_119 = arith.constant 0 : i32
      %dma_start3A_120 = tpu.memref_slice %dma_start3A_117[%dma_start3A_118, %dma_start3A_119] : memref<125x80xi32, #tpu.memory_space<hbm>> -> memref<64x80xi32, #tpu.memory_space<hbm>>
      %dma_start3A_121 = arith.constant 0 : i32
      %dma_start3A_122 = arith.constant 0 : i32
      %dma_start3A_123 = tpu.memref_slice %arg6[%dma_start3A_121, %dma_start3A_122] : memref<64x80xi32, #tpu.memory_space<vmem>> -> memref<64x80xi32, #tpu.memory_space<vmem>>
      %dma_start3A_124 = arith.constant 0 : i32
      %dma_start3A_125 = arith.constant 0 : i32
      %dma_start3A_126 = tpu.memref_slice %arg3[%add3A_12, %dma_start3A_124, %dma_start3A_125] : memref<32x125x80xi32, #tpu.memory_space<hbm>> -> memref<1x125x80xi32, #tpu.memory_space<hbm>>
      %dma_start3A_127 = tpu.memref_squeeze %dma_start3A_126 : memref<1x125x80xi32, #tpu.memory_space<hbm>> -> memref<125x80xi32, #tpu.memory_space<hbm>>
      %dma_start3A_128 = arith.constant 0 : i32
      %dma_start3A_129 = arith.constant 0 : i32
      %dma_start3A_130 = tpu.memref_slice %dma_start3A_127[%dma_start3A_128, %dma_start3A_129] : memref<125x80xi32, #tpu.memory_space<hbm>> -> memref<64x80xi32, #tpu.memory_space<hbm>>
      tpu.enqueue_dma source(%dma_start3A_130 : memref<64x80xi32, #tpu.memory_space<hbm>>) target(%dma_start3A_123 : memref<64x80xi32, #tpu.memory_space<vmem>>) target_semaphore(%run_scoped3A_110 : memref<!tpu.dma_semaphore, #tpu.memory_space<semaphore_mem>>)
      %dma_wait3A_131 = arith.constant 0 : i32
      %dma_wait3A_132 = arith.constant 0 : i32
      %dma_wait3A_133 = tpu.memref_slice %arg6[%dma_wait3A_131, %dma_wait3A_132] : memref<64x80xi32, #tpu.memory_space<vmem>> -> memref<64x80xi32, #tpu.memory_space<vmem>>
      %dma_wait3A_134 = arith.constant 0 : i32
      %dma_wait3A_135 = arith.constant 0 : i32
      %dma_wait3A_136 = tpu.memref_slice %arg3[%add3A_12, %dma_wait3A_134, %dma_wait3A_135] : memref<32x125x80xi32, #tpu.memory_space<hbm>> -> memref<1x125x80xi32, #tpu.memory_space<hbm>>
      %dma_wait3A_137 = tpu.memref_squeeze %dma_wait3A_136 : memref<1x125x80xi32, #tpu.memory_space<hbm>> -> memref<125x80xi32, #tpu.memory_space<hbm>>
      %dma_wait3A_138 = arith.constant 0 : i32
      %dma_wait3A_139 = arith.constant 0 : i32
      %dma_wait3A_140 = tpu.memref_slice %dma_wait3A_137[%dma_wait3A_138, %dma_wait3A_139] : memref<125x80xi32, #tpu.memory_space<hbm>> -> memref<64x80xi32, #tpu.memory_space<hbm>>
      %dma_wait3A_141 = arith.constant 0 : i32
      %dma_wait3A_142 = arith.constant 0 : i32
      %dma_wait3A_143 = tpu.memref_slice %arg6[%dma_wait3A_141, %dma_wait3A_142] : memref<64x80xi32, #tpu.memory_space<vmem>> -> memref<64x80xi32, #tpu.memory_space<vmem>>
      %dma_wait3A_144 = arith.constant 0 : i32
      %dma_wait3A_145 = arith.constant 0 : i32
      %dma_wait3A_146 = tpu.memref_slice %arg3[%add3A_12, %dma_wait3A_144, %dma_wait3A_145] : memref<32x125x80xi32, #tpu.memory_space<hbm>> -> memref<1x125x80xi32, #tpu.memory_space<hbm>>
      %dma_wait3A_147 = tpu.memref_squeeze %dma_wait3A_146 : memref<1x125x80xi32, #tpu.memory_space<hbm>> -> memref<125x80xi32, #tpu.memory_space<hbm>>
      %dma_wait3A_148 = arith.constant 0 : i32
      %dma_wait3A_149 = arith.constant 0 : i32
      %dma_wait3A_150 = tpu.memref_slice %dma_wait3A_147[%dma_wait3A_148, %dma_wait3A_149] : memref<125x80xi32, #tpu.memory_space<hbm>> -> memref<64x80xi32, #tpu.memory_space<hbm>>
      tpu.wait_dma2 semaphore(%run_scoped3A_110 : memref<!tpu.dma_semaphore, #tpu.memory_space<semaphore_mem>>) src(%dma_wait3A_150 : memref<64x80xi32, #tpu.memory_space<hbm>>) dst(%dma_wait3A_143 : memref<64x80xi32, #tpu.memory_space<vmem>>)
      tpu.yield
    }) : () -> ()
    %dma_start3A = arith.constant 0 : i32
    %dma_start3A_13 = arith.constant 0 : i32
    %dma_start3A_14 = tpu.memref_slice %arg6[%dma_start3A, %dma_start3A_13] : memref<64x80xi32, #tpu.memory_space<vmem>> -> memref<1x80xi32, #tpu.memory_space<vmem>>
    %dma_start3A_15 = tpu.memref_squeeze %dma_start3A_14 : memref<1x80xi32, #tpu.memory_space<vmem>> -> memref<80xi32, #tpu.memory_space<vmem>>
    %dma_start3A_16 = arith.constant 0 : i32
    %dma_start3A_17 = arith.constant 0 : i32
    %dma_start3A_18 = tpu.memref_slice %arg2[%dma_start3A_16, %dma_start3A_17] : memref<20000x128xf32, #tpu.memory_space<hbm>> -> memref<20000x128xf32, #tpu.memory_space<hbm>>
    tpu.enqueue_indirect_dma source(%dma_start3A_18 : memref<20000x128xf32, #tpu.memory_space<hbm>>) target(%arg8 : memref<80x128xf32, #tpu.memory_space<vmem>>) offsets(%dma_start3A_15 : memref<80xi32, #tpu.memory_space<vmem>>) semaphore(%arg11 : memref<!tpu.dma_semaphore, #tpu.memory_space<semaphore_mem>>)
    %dma_start3A_19 = arith.constant 1 : i32
    %dma_start3A_20 = arith.constant 0 : i32
    %dma_start3A_21 = tpu.memref_slice %arg6[%dma_start3A_19, %dma_start3A_20] : memref<64x80xi32, #tpu.memory_space<vmem>> -> memref<1x80xi32, #tpu.memory_space<vmem>>
    %dma_start3A_22 = tpu.memref_squeeze %dma_start3A_21 : memref<1x80xi32, #tpu.memory_space<vmem>> -> memref<80xi32, #tpu.memory_space<vmem>>
    %dma_start3A_23 = arith.constant 0 : i32
    %dma_start3A_24 = arith.constant 0 : i32
    %dma_start3A_25 = tpu.memref_slice %arg2[%dma_start3A_23, %dma_start3A_24] : memref<20000x128xf32, #tpu.memory_space<hbm>> -> memref<20000x128xf32, #tpu.memory_space<hbm>>
    tpu.enqueue_indirect_dma source(%dma_start3A_25 : memref<20000x128xf32, #tpu.memory_space<hbm>>) target(%arg9 : memref<80x128xf32, #tpu.memory_space<vmem>>) offsets(%dma_start3A_22 : memref<80xi32, #tpu.memory_space<vmem>>) semaphore(%arg12 : memref<!tpu.dma_semaphore, #tpu.memory_space<semaphore_mem>>)
    %scan3A = arith.constant 0 : i32
    %scan3A_26 = arith.constant 31 : i32
    %scan3A_27 = arith.addi %scan3A, %scan3A_26 : i32
    %scan3A_28 = arith.constant 1 : i32
    scf.for %scan3A_110 = %scan3A to %scan3A_27 step %scan3A_28  : i32 {
      %mul3A_111 = arith.constant 1 : i32
      %mul3A_112 = arith.muli %scan3A_110, %mul3A_111 : i32
      %add3A_113 = arith.constant 0 : i32
      %add3A_114 = arith.addi %add3A_113, %mul3A_112 : i32
      %mul3A_115 = arith.constant 2 : i32
      %mul3A_116 = arith.muli %add3A_114, %mul3A_115 : i32
      %dma_wait3A_117 = arith.constant 0 : i32
      %dma_wait3A_118 = tpu.memref_slice %arg6[%mul3A_116, %dma_wait3A_117] : memref<64x80xi32, #tpu.memory_space<vmem>> -> memref<1x80xi32, #tpu.memory_space<vmem>>
      %dma_wait3A_119 = tpu.memref_squeeze %dma_wait3A_118 : memref<1x80xi32, #tpu.memory_space<vmem>> -> memref<80xi32, #tpu.memory_space<vmem>>
      %dma_wait3A_120 = arith.constant 0 : i32
      %dma_wait3A_121 = arith.constant 0 : i32
      %dma_wait3A_122 = tpu.memref_slice %arg2[%dma_wait3A_120, %dma_wait3A_121] : memref<20000x128xf32, #tpu.memory_space<hbm>> -> memref<20000x128xf32, #tpu.memory_space<hbm>>
      tpu.wait_indirect_dma semaphore(%arg11 : memref<!tpu.dma_semaphore, #tpu.memory_space<semaphore_mem>>) src(%dma_wait3A_122 : memref<20000x128xf32, #tpu.memory_space<hbm>>) dst(%arg8 : memref<80x128xf32, #tpu.memory_space<vmem>>)
      %add3A_123 = arith.constant 0 : i32
      %add3A_124 = arith.addi %add3A_123, %mul3A_116 : i32
      "tpu.region"() ({
        %run_scoped3A_153 = tpu.sem_alloc : memref<!tpu.dma_semaphore, #tpu.memory_space<semaphore_mem>>
        %dma_start3A_154 = arith.constant 0 : i32
        %dma_start3A_155 = tpu.memref_slice %arg7[%add3A_124, %dma_start3A_154] : memref<125x80xi32, #tpu.memory_space<vmem>> -> memref<1x80xi32, #tpu.memory_space<vmem>>
        %dma_start3A_156 = tpu.memref_squeeze %dma_start3A_155 : memref<1x80xi32, #tpu.memory_space<vmem>> -> memref<80xi32, #tpu.memory_space<vmem>>
        %dma_start3A_157 = arith.constant 0 : i32
        %dma_start3A_158 = arith.constant 0 : i32
        %dma_start3A_159 = tpu.memref_slice %arg10[%dma_start3A_157, %dma_start3A_158] : memref<10000x128xf32, #tpu.memory_space<vmem_shared>> -> memref<10000x128xf32, #tpu.memory_space<vmem_shared>>
        tpu.enqueue_indirect_dma source(%arg8 : memref<80x128xf32, #tpu.memory_space<vmem>>) target(%dma_start3A_159 : memref<10000x128xf32, #tpu.memory_space<vmem_shared>>) offsets(%dma_start3A_156 : memref<80xi32, #tpu.memory_space<vmem>>) semaphore(%run_scoped3A_153 : memref<!tpu.dma_semaphore, #tpu.memory_space<semaphore_mem>>) {add = true}
        %dma_wait3A_160 = arith.constant 0 : i32
        %dma_wait3A_161 = tpu.memref_slice %arg7[%add3A_124, %dma_wait3A_160] : memref<125x80xi32, #tpu.memory_space<vmem>> -> memref<1x80xi32, #tpu.memory_space<vmem>>
        %dma_wait3A_162 = tpu.memref_squeeze %dma_wait3A_161 : memref<1x80xi32, #tpu.memory_space<vmem>> -> memref<80xi32, #tpu.memory_space<vmem>>
        %dma_wait3A_163 = arith.constant 0 : i32
        %dma_wait3A_164 = arith.constant 0 : i32
        %dma_wait3A_165 = tpu.memref_slice %arg10[%dma_wait3A_163, %dma_wait3A_164] : memref<10000x128xf32, #tpu.memory_space<vmem_shared>> -> memref<10000x128xf32, #tpu.memory_space<vmem_shared>>
        tpu.wait_indirect_dma semaphore(%run_scoped3A_153 : memref<!tpu.dma_semaphore, #tpu.memory_space<semaphore_mem>>) src(%arg8 : memref<80x128xf32, #tpu.memory_space<vmem>>) dst(%dma_wait3A_165 : memref<10000x128xf32, #tpu.memory_space<vmem_shared>>)
        tpu.yield
      }) : () -> ()
      %add3A_125 = arith.constant 2 : i32
      %add3A_126 = arith.addi %mul3A_116, %add3A_125 : i32
      %dma_start3A_127 = arith.constant 0 : i32
      %dma_start3A_128 = tpu.memref_slice %arg6[%add3A_126, %dma_start3A_127] : memref<64x80xi32, #tpu.memory_space<vmem>> -> memref<1x80xi32, #tpu.memory_space<vmem>>
      %dma_start3A_129 = tpu.memref_squeeze %dma_start3A_128 : memref<1x80xi32, #tpu.memory_space<vmem>> -> memref<80xi32, #tpu.memory_space<vmem>>
      %dma_start3A_130 = arith.constant 0 : i32
      %dma_start3A_131 = arith.constant 0 : i32
      %dma_start3A_132 = tpu.memref_slice %arg2[%dma_start3A_130, %dma_start3A_131] : memref<20000x128xf32, #tpu.memory_space<hbm>> -> memref<20000x128xf32, #tpu.memory_space<hbm>>
      tpu.enqueue_indirect_dma source(%dma_start3A_132 : memref<20000x128xf32, #tpu.memory_space<hbm>>) target(%arg8 : memref<80x128xf32, #tpu.memory_space<vmem>>) offsets(%dma_start3A_129 : memref<80xi32, #tpu.memory_space<vmem>>) semaphore(%arg11 : memref<!tpu.dma_semaphore, #tpu.memory_space<semaphore_mem>>)
      %add3A_133 = arith.constant 1 : i32
      %add3A_134 = arith.addi %mul3A_116, %add3A_133 : i32
      %dma_wait3A_135 = arith.constant 0 : i32
      %dma_wait3A_136 = tpu.memref_slice %arg6[%add3A_134, %dma_wait3A_135] : memref<64x80xi32, #tpu.memory_space<vmem>> -> memref<1x80xi32, #tpu.memory_space<vmem>>
      %dma_wait3A_137 = tpu.memref_squeeze %dma_wait3A_136 : memref<1x80xi32, #tpu.memory_space<vmem>> -> memref<80xi32, #tpu.memory_space<vmem>>
      %dma_wait3A_138 = arith.constant 0 : i32
      %dma_wait3A_139 = arith.constant 0 : i32
      %dma_wait3A_140 = tpu.memref_slice %arg2[%dma_wait3A_138, %dma_wait3A_139] : memref<20000x128xf32, #tpu.memory_space<hbm>> -> memref<20000x128xf32, #tpu.memory_space<hbm>>
      tpu.wait_indirect_dma semaphore(%arg12 : memref<!tpu.dma_semaphore, #tpu.memory_space<semaphore_mem>>) src(%dma_wait3A_140 : memref<20000x128xf32, #tpu.memory_space<hbm>>) dst(%arg9 : memref<80x128xf32, #tpu.memory_space<vmem>>)
      %add3A_141 = arith.constant 1 : i32
      %add3A_142 = arith.addi %mul3A_116, %add3A_141 : i32
      %add3A_143 = arith.constant 0 : i32
      %add3A_144 = arith.addi %add3A_143, %add3A_142 : i32
      "tpu.region"() ({
        %run_scoped3A_153 = tpu.sem_alloc : memref<!tpu.dma_semaphore, #tpu.memory_space<semaphore_mem>>
        %dma_start3A_154 = arith.constant 0 : i32
        %dma_start3A_155 = tpu.memref_slice %arg7[%add3A_144, %dma_start3A_154] : memref<125x80xi32, #tpu.memory_space<vmem>> -> memref<1x80xi32, #tpu.memory_space<vmem>>
        %dma_start3A_156 = tpu.memref_squeeze %dma_start3A_155 : memref<1x80xi32, #tpu.memory_space<vmem>> -> memref<80xi32, #tpu.memory_space<vmem>>
        %dma_start3A_157 = arith.constant 0 : i32
        %dma_start3A_158 = arith.constant 0 : i32
        %dma_start3A_159 = tpu.memref_slice %arg10[%dma_start3A_157, %dma_start3A_158] : memref<10000x128xf32, #tpu.memory_space<vmem_shared>> -> memref<10000x128xf32, #tpu.memory_space<vmem_shared>>
        tpu.enqueue_indirect_dma source(%arg9 : memref<80x128xf32, #tpu.memory_space<vmem>>) target(%dma_start3A_159 : memref<10000x128xf32, #tpu.memory_space<vmem_shared>>) offsets(%dma_start3A_156 : memref<80xi32, #tpu.memory_space<vmem>>) semaphore(%run_scoped3A_153 : memref<!tpu.dma_semaphore, #tpu.memory_space<semaphore_mem>>) {add = true}
        %dma_wait3A_160 = arith.constant 0 : i32
        %dma_wait3A_161 = tpu.memref_slice %arg7[%add3A_144, %dma_wait3A_160] : memref<125x80xi32, #tpu.memory_space<vmem>> -> memref<1x80xi32, #tpu.memory_space<vmem>>
        %dma_wait3A_162 = tpu.memref_squeeze %dma_wait3A_161 : memref<1x80xi32, #tpu.memory_space<vmem>> -> memref<80xi32, #tpu.memory_space<vmem>>
        %dma_wait3A_163 = arith.constant 0 : i32
        %dma_wait3A_164 = arith.constant 0 : i32
        %dma_wait3A_165 = tpu.memref_slice %arg10[%dma_wait3A_163, %dma_wait3A_164] : memref<10000x128xf32, #tpu.memory_space<vmem_shared>> -> memref<10000x128xf32, #tpu.memory_space<vmem_shared>>
        tpu.wait_indirect_dma semaphore(%run_scoped3A_153 : memref<!tpu.dma_semaphore, #tpu.memory_space<semaphore_mem>>) src(%arg9 : memref<80x128xf32, #tpu.memory_space<vmem>>) dst(%dma_wait3A_165 : memref<10000x128xf32, #tpu.memory_space<vmem_shared>>)
        tpu.yield
      }) : () -> ()
      %add3A_145 = arith.constant 3 : i32
      %add3A_146 = arith.addi %mul3A_116, %add3A_145 : i32
      %dma_start3A_147 = arith.constant 0 : i32
      %dma_start3A_148 = tpu.memref_slice %arg6[%add3A_146, %dma_start3A_147] : memref<64x80xi32, #tpu.memory_space<vmem>> -> memref<1x80xi32, #tpu.memory_space<vmem>>
      %dma_start3A_149 = tpu.memref_squeeze %dma_start3A_148 : memref<1x80xi32, #tpu.memory_space<vmem>> -> memref<80xi32, #tpu.memory_space<vmem>>
      %dma_start3A_150 = arith.constant 0 : i32
      %dma_start3A_151 = arith.constant 0 : i32
      %dma_start3A_152 = tpu.memref_slice %arg2[%dma_start3A_150, %dma_start3A_151] : memref<20000x128xf32, #tpu.memory_space<hbm>> -> memref<20000x128xf32, #tpu.memory_space<hbm>>
      tpu.enqueue_indirect_dma source(%dma_start3A_152 : memref<20000x128xf32, #tpu.memory_space<hbm>>) target(%arg9 : memref<80x128xf32, #tpu.memory_space<vmem>>) offsets(%dma_start3A_149 : memref<80xi32, #tpu.memory_space<vmem>>) semaphore(%arg12 : memref<!tpu.dma_semaphore, #tpu.memory_space<semaphore_mem>>)
    }
    %scan3A_29 = arith.constant 31 : i32
    %dma_wait3A = arith.constant 62 : i32
    %dma_wait3A_30 = arith.constant 0 : i32
    %dma_wait3A_31 = tpu.memref_slice %arg6[%dma_wait3A, %dma_wait3A_30] : memref<64x80xi32, #tpu.memory_space<vmem>> -> memref<1x80xi32, #tpu.memory_space<vmem>>
    %dma_wait3A_32 = tpu.memref_squeeze %dma_wait3A_31 : memref<1x80xi32, #tpu.memory_space<vmem>> -> memref<80xi32, #tpu.memory_space<vmem>>
    %dma_wait3A_33 = arith.constant 0 : i32
    %dma_wait3A_34 = arith.constant 0 : i32
    %dma_wait3A_35 = tpu.memref_slice %arg2[%dma_wait3A_33, %dma_wait3A_34] : memref<20000x128xf32, #tpu.memory_space<hbm>> -> memref<20000x128xf32, #tpu.memory_space<hbm>>
    tpu.wait_indirect_dma semaphore(%arg11 : memref<!tpu.dma_semaphore, #tpu.memory_space<semaphore_mem>>) src(%dma_wait3A_35 : memref<20000x128xf32, #tpu.memory_space<hbm>>) dst(%arg8 : memref<80x128xf32, #tpu.memory_space<vmem>>)
    %run_scoped3A = arith.constant 62 : i32
    "tpu.region"() ({
      %run_scoped3A_110 = tpu.sem_alloc : memref<!tpu.dma_semaphore, #tpu.memory_space<semaphore_mem>>
      %dma_start3A_111 = arith.constant 0 : i32
      %dma_start3A_112 = tpu.memref_slice %arg7[%run_scoped3A, %dma_start3A_111] : memref<125x80xi32, #tpu.memory_space<vmem>> -> memref<1x80xi32, #tpu.memory_space<vmem>>
      %dma_start3A_113 = tpu.memref_squeeze %dma_start3A_112 : memref<1x80xi32, #tpu.memory_space<vmem>> -> memref<80xi32, #tpu.memory_space<vmem>>
      %dma_start3A_114 = arith.constant 0 : i32
      %dma_start3A_115 = arith.constant 0 : i32
      %dma_start3A_116 = tpu.memref_slice %arg10[%dma_start3A_114, %dma_start3A_115] : memref<10000x128xf32, #tpu.memory_space<vmem_shared>> -> memref<10000x128xf32, #tpu.memory_space<vmem_shared>>
      tpu.enqueue_indirect_dma source(%arg8 : memref<80x128xf32, #tpu.memory_space<vmem>>) target(%dma_start3A_116 : memref<10000x128xf32, #tpu.memory_space<vmem_shared>>) offsets(%dma_start3A_113 : memref<80xi32, #tpu.memory_space<vmem>>) semaphore(%run_scoped3A_110 : memref<!tpu.dma_semaphore, #tpu.memory_space<semaphore_mem>>) {add = true}
      %dma_wait3A_117 = arith.constant 0 : i32
      %dma_wait3A_118 = tpu.memref_slice %arg7[%run_scoped3A, %dma_wait3A_117] : memref<125x80xi32, #tpu.memory_space<vmem>> -> memref<1x80xi32, #tpu.memory_space<vmem>>
      %dma_wait3A_119 = tpu.memref_squeeze %dma_wait3A_118 : memref<1x80xi32, #tpu.memory_space<vmem>> -> memref<80xi32, #tpu.memory_space<vmem>>
      %dma_wait3A_120 = arith.constant 0 : i32
      %dma_wait3A_121 = arith.constant 0 : i32
      %dma_wait3A_122 = tpu.memref_slice %arg10[%dma_wait3A_120, %dma_wait3A_121] : memref<10000x128xf32, #tpu.memory_space<vmem_shared>> -> memref<10000x128xf32, #tpu.memory_space<vmem_shared>>
      tpu.wait_indirect_dma semaphore(%run_scoped3A_110 : memref<!tpu.dma_semaphore, #tpu.memory_space<semaphore_mem>>) src(%arg8 : memref<80x128xf32, #tpu.memory_space<vmem>>) dst(%dma_wait3A_122 : memref<10000x128xf32, #tpu.memory_space<vmem_shared>>)
      tpu.yield
    }) : () -> ()
    %dma_wait3A_36 = arith.constant 63 : i32
    %dma_wait3A_37 = arith.constant 0 : i32
    %dma_wait3A_38 = tpu.memref_slice %arg6[%dma_wait3A_36, %dma_wait3A_37] : memref<64x80xi32, #tpu.memory_space<vmem>> -> memref<1x80xi32, #tpu.memory_space<vmem>>
    %dma_wait3A_39 = tpu.memref_squeeze %dma_wait3A_38 : memref<1x80xi32, #tpu.memory_space<vmem>> -> memref<80xi32, #tpu.memory_space<vmem>>
    %dma_wait3A_40 = arith.constant 0 : i32
    %dma_wait3A_41 = arith.constant 0 : i32
    %dma_wait3A_42 = tpu.memref_slice %arg2[%dma_wait3A_40, %dma_wait3A_41] : memref<20000x128xf32, #tpu.memory_space<hbm>> -> memref<20000x128xf32, #tpu.memory_space<hbm>>
    tpu.wait_indirect_dma semaphore(%arg12 : memref<!tpu.dma_semaphore, #tpu.memory_space<semaphore_mem>>) src(%dma_wait3A_42 : memref<20000x128xf32, #tpu.memory_space<hbm>>) dst(%arg9 : memref<80x128xf32, #tpu.memory_space<vmem>>)
    %run_scoped3A_43 = arith.constant 63 : i32
    "tpu.region"() ({
      %run_scoped3A_110 = tpu.sem_alloc : memref<!tpu.dma_semaphore, #tpu.memory_space<semaphore_mem>>
      %dma_start3A_111 = arith.constant 0 : i32
      %dma_start3A_112 = tpu.memref_slice %arg7[%run_scoped3A_43, %dma_start3A_111] : memref<125x80xi32, #tpu.memory_space<vmem>> -> memref<1x80xi32, #tpu.memory_space<vmem>>
      %dma_start3A_113 = tpu.memref_squeeze %dma_start3A_112 : memref<1x80xi32, #tpu.memory_space<vmem>> -> memref<80xi32, #tpu.memory_space<vmem>>
      %dma_start3A_114 = arith.constant 0 : i32
      %dma_start3A_115 = arith.constant 0 : i32
      %dma_start3A_116 = tpu.memref_slice %arg10[%dma_start3A_114, %dma_start3A_115] : memref<10000x128xf32, #tpu.memory_space<vmem_shared>> -> memref<10000x128xf32, #tpu.memory_space<vmem_shared>>
      tpu.enqueue_indirect_dma source(%arg9 : memref<80x128xf32, #tpu.memory_space<vmem>>) target(%dma_start3A_116 : memref<10000x128xf32, #tpu.memory_space<vmem_shared>>) offsets(%dma_start3A_113 : memref<80xi32, #tpu.memory_space<vmem>>) semaphore(%run_scoped3A_110 : memref<!tpu.dma_semaphore, #tpu.memory_space<semaphore_mem>>) {add = true}
      %dma_wait3A_117 = arith.constant 0 : i32
      %dma_wait3A_118 = tpu.memref_slice %arg7[%run_scoped3A_43, %dma_wait3A_117] : memref<125x80xi32, #tpu.memory_space<vmem>> -> memref<1x80xi32, #tpu.memory_space<vmem>>
      %dma_wait3A_119 = tpu.memref_squeeze %dma_wait3A_118 : memref<1x80xi32, #tpu.memory_space<vmem>> -> memref<80xi32, #tpu.memory_space<vmem>>
      %dma_wait3A_120 = arith.constant 0 : i32
      %dma_wait3A_121 = arith.constant 0 : i32
      %dma_wait3A_122 = tpu.memref_slice %arg10[%dma_wait3A_120, %dma_wait3A_121] : memref<10000x128xf32, #tpu.memory_space<vmem_shared>> -> memref<10000x128xf32, #tpu.memory_space<vmem_shared>>
      tpu.wait_indirect_dma semaphore(%run_scoped3A_110 : memref<!tpu.dma_semaphore, #tpu.memory_space<semaphore_mem>>) src(%arg9 : memref<80x128xf32, #tpu.memory_space<vmem>>) dst(%dma_wait3A_122 : memref<10000x128xf32, #tpu.memory_space<vmem_shared>>)
      tpu.yield
    }) : () -> ()
    %mul3A_44 = arith.constant 16 : i32
    %mul3A_45 = arith.muli %add3A_1, %mul3A_44 : i32
    %add3A_46 = arith.addi %mul3A_45, %arg1 : i32
    "tpu.region"() ({
      %run_scoped3A_110 = tpu.sem_alloc : memref<!tpu.dma_semaphore, #tpu.memory_space<semaphore_mem>>
      %dma_start3A_111 = arith.constant 0 : i32
      %dma_start3A_112 = arith.constant 0 : i32
      %dma_start3A_113 = tpu.memref_slice %arg6[%dma_start3A_111, %dma_start3A_112] : memref<64x80xi32, #tpu.memory_space<vmem>> -> memref<61x80xi32, #tpu.memory_space<vmem>>
      %dma_start3A_114 = arith.constant 0 : i32
      %dma_start3A_115 = arith.constant 0 : i32
      %dma_start3A_116 = tpu.memref_slice %arg3[%add3A_46, %dma_start3A_114, %dma_start3A_115] : memref<32x125x80xi32, #tpu.memory_space<hbm>> -> memref<1x125x80xi32, #tpu.memory_space<hbm>>
      %dma_start3A_117 = tpu.memref_squeeze %dma_start3A_116 : memref<1x125x80xi32, #tpu.memory_space<hbm>> -> memref<125x80xi32, #tpu.memory_space<hbm>>
      %dma_start3A_118 = arith.constant 64 : i32
      %dma_start3A_119 = arith.constant 0 : i32
      %dma_start3A_120 = tpu.memref_slice %dma_start3A_117[%dma_start3A_118, %dma_start3A_119] : memref<125x80xi32, #tpu.memory_space<hbm>> -> memref<61x80xi32, #tpu.memory_space<hbm>>
      %dma_start3A_121 = arith.constant 0 : i32
      %dma_start3A_122 = arith.constant 0 : i32
      %dma_start3A_123 = tpu.memref_slice %arg6[%dma_start3A_121, %dma_start3A_122] : memref<64x80xi32, #tpu.memory_space<vmem>> -> memref<61x80xi32, #tpu.memory_space<vmem>>
      %dma_start3A_124 = arith.constant 0 : i32
      %dma_start3A_125 = arith.constant 0 : i32
      %dma_start3A_126 = tpu.memref_slice %arg3[%add3A_46, %dma_start3A_124, %dma_start3A_125] : memref<32x125x80xi32, #tpu.memory_space<hbm>> -> memref<1x125x80xi32, #tpu.memory_space<hbm>>
      %dma_start3A_127 = tpu.memref_squeeze %dma_start3A_126 : memref<1x125x80xi32, #tpu.memory_space<hbm>> -> memref<125x80xi32, #tpu.memory_space<hbm>>
      %dma_start3A_128 = arith.constant 64 : i32
      %dma_start3A_129 = arith.constant 0 : i32
      %dma_start3A_130 = tpu.memref_slice %dma_start3A_127[%dma_start3A_128, %dma_start3A_129] : memref<125x80xi32, #tpu.memory_space<hbm>> -> memref<61x80xi32, #tpu.memory_space<hbm>>
      tpu.enqueue_dma source(%dma_start3A_130 : memref<61x80xi32, #tpu.memory_space<hbm>>) target(%dma_start3A_123 : memref<61x80xi32, #tpu.memory_space<vmem>>) target_semaphore(%run_scoped3A_110 : memref<!tpu.dma_semaphore, #tpu.memory_space<semaphore_mem>>)
      %dma_wait3A_131 = arith.constant 0 : i32
      %dma_wait3A_132 = arith.constant 0 : i32
      %dma_wait3A_133 = tpu.memref_slice %arg6[%dma_wait3A_131, %dma_wait3A_132] : memref<64x80xi32, #tpu.memory_space<vmem>> -> memref<61x80xi32, #tpu.memory_space<vmem>>
      %dma_wait3A_134 = arith.constant 0 : i32
      %dma_wait3A_135 = arith.constant 0 : i32
      %dma_wait3A_136 = tpu.memref_slice %arg3[%add3A_46, %dma_wait3A_134, %dma_wait3A_135] : memref<32x125x80xi32, #tpu.memory_space<hbm>> -> memref<1x125x80xi32, #tpu.memory_space<hbm>>
      %dma_wait3A_137 = tpu.memref_squeeze %dma_wait3A_136 : memref<1x125x80xi32, #tpu.memory_space<hbm>> -> memref<125x80xi32, #tpu.memory_space<hbm>>
      %dma_wait3A_138 = arith.constant 64 : i32
      %dma_wait3A_139 = arith.constant 0 : i32
      %dma_wait3A_140 = tpu.memref_slice %dma_wait3A_137[%dma_wait3A_138, %dma_wait3A_139] : memref<125x80xi32, #tpu.memory_space<hbm>> -> memref<61x80xi32, #tpu.memory_space<hbm>>
      %dma_wait3A_141 = arith.constant 0 : i32
      %dma_wait3A_142 = arith.constant 0 : i32
      %dma_wait3A_143 = tpu.memref_slice %arg6[%dma_wait3A_141, %dma_wait3A_142] : memref<64x80xi32, #tpu.memory_space<vmem>> -> memref<61x80xi32, #tpu.memory_space<vmem>>
      %dma_wait3A_144 = arith.constant 0 : i32
      %dma_wait3A_145 = arith.constant 0 : i32
      %dma_wait3A_146 = tpu.memref_slice %arg3[%add3A_46, %dma_wait3A_144, %dma_wait3A_145] : memref<32x125x80xi32, #tpu.memory_space<hbm>> -> memref<1x125x80xi32, #tpu.memory_space<hbm>>
      %dma_wait3A_147 = tpu.memref_squeeze %dma_wait3A_146 : memref<1x125x80xi32, #tpu.memory_space<hbm>> -> memref<125x80xi32, #tpu.memory_space<hbm>>
      %dma_wait3A_148 = arith.constant 64 : i32
      %dma_wait3A_149 = arith.constant 0 : i32
      %dma_wait3A_150 = tpu.memref_slice %dma_wait3A_147[%dma_wait3A_148, %dma_wait3A_149] : memref<125x80xi32, #tpu.memory_space<hbm>> -> memref<61x80xi32, #tpu.memory_space<hbm>>
      tpu.wait_dma2 semaphore(%run_scoped3A_110 : memref<!tpu.dma_semaphore, #tpu.memory_space<semaphore_mem>>) src(%dma_wait3A_150 : memref<61x80xi32, #tpu.memory_space<hbm>>) dst(%dma_wait3A_143 : memref<61x80xi32, #tpu.memory_space<vmem>>)
      tpu.yield
    }) : () -> ()
    %dma_start3A_47 = arith.constant 0 : i32
    %dma_start3A_48 = arith.constant 0 : i32
    %dma_start3A_49 = tpu.memref_slice %arg6[%dma_start3A_47, %dma_start3A_48] : memref<64x80xi32, #tpu.memory_space<vmem>> -> memref<1x80xi32, #tpu.memory_space<vmem>>
    %dma_start3A_50 = tpu.memref_squeeze %dma_start3A_49 : memref<1x80xi32, #tpu.memory_space<vmem>> -> memref<80xi32, #tpu.memory_space<vmem>>
    %dma_start3A_51 = arith.constant 0 : i32
    %dma_start3A_52 = arith.constant 0 : i32
    %dma_start3A_53 = tpu.memref_slice %arg2[%dma_start3A_51, %dma_start3A_52] : memref<20000x128xf32, #tpu.memory_space<hbm>> -> memref<20000x128xf32, #tpu.memory_space<hbm>>
    tpu.enqueue_indirect_dma source(%dma_start3A_53 : memref<20000x128xf32, #tpu.memory_space<hbm>>) target(%arg8 : memref<80x128xf32, #tpu.memory_space<vmem>>) offsets(%dma_start3A_50 : memref<80xi32, #tpu.memory_space<vmem>>) semaphore(%arg11 : memref<!tpu.dma_semaphore, #tpu.memory_space<semaphore_mem>>)
    %dma_start3A_54 = arith.constant 1 : i32
    %dma_start3A_55 = arith.constant 0 : i32
    %dma_start3A_56 = tpu.memref_slice %arg6[%dma_start3A_54, %dma_start3A_55] : memref<64x80xi32, #tpu.memory_space<vmem>> -> memref<1x80xi32, #tpu.memory_space<vmem>>
    %dma_start3A_57 = tpu.memref_squeeze %dma_start3A_56 : memref<1x80xi32, #tpu.memory_space<vmem>> -> memref<80xi32, #tpu.memory_space<vmem>>
    %dma_start3A_58 = arith.constant 0 : i32
    %dma_start3A_59 = arith.constant 0 : i32
    %dma_start3A_60 = tpu.memref_slice %arg2[%dma_start3A_58, %dma_start3A_59] : memref<20000x128xf32, #tpu.memory_space<hbm>> -> memref<20000x128xf32, #tpu.memory_space<hbm>>
    tpu.enqueue_indirect_dma source(%dma_start3A_60 : memref<20000x128xf32, #tpu.memory_space<hbm>>) target(%arg9 : memref<80x128xf32, #tpu.memory_space<vmem>>) offsets(%dma_start3A_57 : memref<80xi32, #tpu.memory_space<vmem>>) semaphore(%arg12 : memref<!tpu.dma_semaphore, #tpu.memory_space<semaphore_mem>>)
    %scan3A_61 = arith.constant 0 : i32
    %scan3A_62 = arith.constant 29 : i32
    %scan3A_63 = arith.addi %scan3A_61, %scan3A_62 : i32
    %scan3A_64 = arith.constant 1 : i32
    scf.for %scan3A_110 = %scan3A_61 to %scan3A_63 step %scan3A_64  : i32 {
      %mul3A_111 = arith.constant 1 : i32
      %mul3A_112 = arith.muli %scan3A_110, %mul3A_111 : i32
      %add3A_113 = arith.constant 0 : i32
      %add3A_114 = arith.addi %add3A_113, %mul3A_112 : i32
      %mul3A_115 = arith.constant 2 : i32
      %mul3A_116 = arith.muli %add3A_114, %mul3A_115 : i32
      %dma_wait3A_117 = arith.constant 0 : i32
      %dma_wait3A_118 = tpu.memref_slice %arg6[%mul3A_116, %dma_wait3A_117] : memref<64x80xi32, #tpu.memory_space<vmem>> -> memref<1x80xi32, #tpu.memory_space<vmem>>
      %dma_wait3A_119 = tpu.memref_squeeze %dma_wait3A_118 : memref<1x80xi32, #tpu.memory_space<vmem>> -> memref<80xi32, #tpu.memory_space<vmem>>
      %dma_wait3A_120 = arith.constant 0 : i32
      %dma_wait3A_121 = arith.constant 0 : i32
      %dma_wait3A_122 = tpu.memref_slice %arg2[%dma_wait3A_120, %dma_wait3A_121] : memref<20000x128xf32, #tpu.memory_space<hbm>> -> memref<20000x128xf32, #tpu.memory_space<hbm>>
      tpu.wait_indirect_dma semaphore(%arg11 : memref<!tpu.dma_semaphore, #tpu.memory_space<semaphore_mem>>) src(%dma_wait3A_122 : memref<20000x128xf32, #tpu.memory_space<hbm>>) dst(%arg8 : memref<80x128xf32, #tpu.memory_space<vmem>>)
      %add3A_123 = arith.constant 64 : i32
      %add3A_124 = arith.addi %add3A_123, %mul3A_116 : i32
      "tpu.region"() ({
        %run_scoped3A_153 = tpu.sem_alloc : memref<!tpu.dma_semaphore, #tpu.memory_space<semaphore_mem>>
        %dma_start3A_154 = arith.constant 0 : i32
        %dma_start3A_155 = tpu.memref_slice %arg7[%add3A_124, %dma_start3A_154] : memref<125x80xi32, #tpu.memory_space<vmem>> -> memref<1x80xi32, #tpu.memory_space<vmem>>
        %dma_start3A_156 = tpu.memref_squeeze %dma_start3A_155 : memref<1x80xi32, #tpu.memory_space<vmem>> -> memref<80xi32, #tpu.memory_space<vmem>>
        %dma_start3A_157 = arith.constant 0 : i32
        %dma_start3A_158 = arith.constant 0 : i32
        %dma_start3A_159 = tpu.memref_slice %arg10[%dma_start3A_157, %dma_start3A_158] : memref<10000x128xf32, #tpu.memory_space<vmem_shared>> -> memref<10000x128xf32, #tpu.memory_space<vmem_shared>>
        tpu.enqueue_indirect_dma source(%arg8 : memref<80x128xf32, #tpu.memory_space<vmem>>) target(%dma_start3A_159 : memref<10000x128xf32, #tpu.memory_space<vmem_shared>>) offsets(%dma_start3A_156 : memref<80xi32, #tpu.memory_space<vmem>>) semaphore(%run_scoped3A_153 : memref<!tpu.dma_semaphore, #tpu.memory_space<semaphore_mem>>) {add = true}
        %dma_wait3A_160 = arith.constant 0 : i32
        %dma_wait3A_161 = tpu.memref_slice %arg7[%add3A_124, %dma_wait3A_160] : memref<125x80xi32, #tpu.memory_space<vmem>> -> memref<1x80xi32, #tpu.memory_space<vmem>>
        %dma_wait3A_162 = tpu.memref_squeeze %dma_wait3A_161 : memref<1x80xi32, #tpu.memory_space<vmem>> -> memref<80xi32, #tpu.memory_space<vmem>>
        %dma_wait3A_163 = arith.constant 0 : i32
        %dma_wait3A_164 = arith.constant 0 : i32
        %dma_wait3A_165 = tpu.memref_slice %arg10[%dma_wait3A_163, %dma_wait3A_164] : memref<10000x128xf32, #tpu.memory_space<vmem_shared>> -> memref<10000x128xf32, #tpu.memory_space<vmem_shared>>
        tpu.wait_indirect_dma semaphore(%run_scoped3A_153 : memref<!tpu.dma_semaphore, #tpu.memory_space<semaphore_mem>>) src(%arg8 : memref<80x128xf32, #tpu.memory_space<vmem>>) dst(%dma_wait3A_165 : memref<10000x128xf32, #tpu.memory_space<vmem_shared>>)
        tpu.yield
      }) : () -> ()
      %add3A_125 = arith.constant 2 : i32
      %add3A_126 = arith.addi %mul3A_116, %add3A_125 : i32
      %dma_start3A_127 = arith.constant 0 : i32
      %dma_start3A_128 = tpu.memref_slice %arg6[%add3A_126, %dma_start3A_127] : memref<64x80xi32, #tpu.memory_space<vmem>> -> memref<1x80xi32, #tpu.memory_space<vmem>>
      %dma_start3A_129 = tpu.memref_squeeze %dma_start3A_128 : memref<1x80xi32, #tpu.memory_space<vmem>> -> memref<80xi32, #tpu.memory_space<vmem>>
      %dma_start3A_130 = arith.constant 0 : i32
      %dma_start3A_131 = arith.constant 0 : i32
      %dma_start3A_132 = tpu.memref_slice %arg2[%dma_start3A_130, %dma_start3A_131] : memref<20000x128xf32, #tpu.memory_space<hbm>> -> memref<20000x128xf32, #tpu.memory_space<hbm>>
      tpu.enqueue_indirect_dma source(%dma_start3A_132 : memref<20000x128xf32, #tpu.memory_space<hbm>>) target(%arg8 : memref<80x128xf32, #tpu.memory_space<vmem>>) offsets(%dma_start3A_129 : memref<80xi32, #tpu.memory_space<vmem>>) semaphore(%arg11 : memref<!tpu.dma_semaphore, #tpu.memory_space<semaphore_mem>>)
      %add3A_133 = arith.constant 1 : i32
      %add3A_134 = arith.addi %mul3A_116, %add3A_133 : i32
      %dma_wait3A_135 = arith.constant 0 : i32
      %dma_wait3A_136 = tpu.memref_slice %arg6[%add3A_134, %dma_wait3A_135] : memref<64x80xi32, #tpu.memory_space<vmem>> -> memref<1x80xi32, #tpu.memory_space<vmem>>
      %dma_wait3A_137 = tpu.memref_squeeze %dma_wait3A_136 : memref<1x80xi32, #tpu.memory_space<vmem>> -> memref<80xi32, #tpu.memory_space<vmem>>
      %dma_wait3A_138 = arith.constant 0 : i32
      %dma_wait3A_139 = arith.constant 0 : i32
      %dma_wait3A_140 = tpu.memref_slice %arg2[%dma_wait3A_138, %dma_wait3A_139] : memref<20000x128xf32, #tpu.memory_space<hbm>> -> memref<20000x128xf32, #tpu.memory_space<hbm>>
      tpu.wait_indirect_dma semaphore(%arg12 : memref<!tpu.dma_semaphore, #tpu.memory_space<semaphore_mem>>) src(%dma_wait3A_140 : memref<20000x128xf32, #tpu.memory_space<hbm>>) dst(%arg9 : memref<80x128xf32, #tpu.memory_space<vmem>>)
      %add3A_141 = arith.constant 1 : i32
      %add3A_142 = arith.addi %mul3A_116, %add3A_141 : i32
      %add3A_143 = arith.constant 64 : i32
      %add3A_144 = arith.addi %add3A_143, %add3A_142 : i32
      "tpu.region"() ({
        %run_scoped3A_153 = tpu.sem_alloc : memref<!tpu.dma_semaphore, #tpu.memory_space<semaphore_mem>>
        %dma_start3A_154 = arith.constant 0 : i32
        %dma_start3A_155 = tpu.memref_slice %arg7[%add3A_144, %dma_start3A_154] : memref<125x80xi32, #tpu.memory_space<vmem>> -> memref<1x80xi32, #tpu.memory_space<vmem>>
        %dma_start3A_156 = tpu.memref_squeeze %dma_start3A_155 : memref<1x80xi32, #tpu.memory_space<vmem>> -> memref<80xi32, #tpu.memory_space<vmem>>
        %dma_start3A_157 = arith.constant 0 : i32
        %dma_start3A_158 = arith.constant 0 : i32
        %dma_start3A_159 = tpu.memref_slice %arg10[%dma_start3A_157, %dma_start3A_158] : memref<10000x128xf32, #tpu.memory_space<vmem_shared>> -> memref<10000x128xf32, #tpu.memory_space<vmem_shared>>
        tpu.enqueue_indirect_dma source(%arg9 : memref<80x128xf32, #tpu.memory_space<vmem>>) target(%dma_start3A_159 : memref<10000x128xf32, #tpu.memory_space<vmem_shared>>) offsets(%dma_start3A_156 : memref<80xi32, #tpu.memory_space<vmem>>) semaphore(%run_scoped3A_153 : memref<!tpu.dma_semaphore, #tpu.memory_space<semaphore_mem>>) {add = true}
        %dma_wait3A_160 = arith.constant 0 : i32
        %dma_wait3A_161 = tpu.memref_slice %arg7[%add3A_144, %dma_wait3A_160] : memref<125x80xi32, #tpu.memory_space<vmem>> -> memref<1x80xi32, #tpu.memory_space<vmem>>
        %dma_wait3A_162 = tpu.memref_squeeze %dma_wait3A_161 : memref<1x80xi32, #tpu.memory_space<vmem>> -> memref<80xi32, #tpu.memory_space<vmem>>
        %dma_wait3A_163 = arith.constant 0 : i32
        %dma_wait3A_164 = arith.constant 0 : i32
        %dma_wait3A_165 = tpu.memref_slice %arg10[%dma_wait3A_163, %dma_wait3A_164] : memref<10000x128xf32, #tpu.memory_space<vmem_shared>> -> memref<10000x128xf32, #tpu.memory_space<vmem_shared>>
        tpu.wait_indirect_dma semaphore(%run_scoped3A_153 : memref<!tpu.dma_semaphore, #tpu.memory_space<semaphore_mem>>) src(%arg9 : memref<80x128xf32, #tpu.memory_space<vmem>>) dst(%dma_wait3A_165 : memref<10000x128xf32, #tpu.memory_space<vmem_shared>>)
        tpu.yield
      }) : () -> ()
      %add3A_145 = arith.constant 3 : i32
      %add3A_146 = arith.addi %mul3A_116, %add3A_145 : i32
      %dma_start3A_147 = arith.constant 0 : i32
      %dma_start3A_148 = tpu.memref_slice %arg6[%add3A_146, %dma_start3A_147] : memref<64x80xi32, #tpu.memory_space<vmem>> -> memref<1x80xi32, #tpu.memory_space<vmem>>
      %dma_start3A_149 = tpu.memref_squeeze %dma_start3A_148 : memref<1x80xi32, #tpu.memory_space<vmem>> -> memref<80xi32, #tpu.memory_space<vmem>>
      %dma_start3A_150 = arith.constant 0 : i32
      %dma_start3A_151 = arith.constant 0 : i32
      %dma_start3A_152 = tpu.memref_slice %arg2[%dma_start3A_150, %dma_start3A_151] : memref<20000x128xf32, #tpu.memory_space<hbm>> -> memref<20000x128xf32, #tpu.memory_space<hbm>>
      tpu.enqueue_indirect_dma source(%dma_start3A_152 : memref<20000x128xf32, #tpu.memory_space<hbm>>) target(%arg9 : memref<80x128xf32, #tpu.memory_space<vmem>>) offsets(%dma_start3A_149 : memref<80xi32, #tpu.memory_space<vmem>>) semaphore(%arg12 : memref<!tpu.dma_semaphore, #tpu.memory_space<semaphore_mem>>)
    }
    %scan3A_65 = arith.constant 29 : i32
    %dma_wait3A_66 = arith.constant 58 : i32
    %dma_wait3A_67 = arith.constant 0 : i32
    %dma_wait3A_68 = tpu.memref_slice %arg6[%dma_wait3A_66, %dma_wait3A_67] : memref<64x80xi32, #tpu.memory_space<vmem>> -> memref<1x80xi32, #tpu.memory_space<vmem>>
    %dma_wait3A_69 = tpu.memref_squeeze %dma_wait3A_68 : memref<1x80xi32, #tpu.memory_space<vmem>> -> memref<80xi32, #tpu.memory_space<vmem>>
    %dma_wait3A_70 = arith.constant 0 : i32
    %dma_wait3A_71 = arith.constant 0 : i32
    %dma_wait3A_72 = tpu.memref_slice %arg2[%dma_wait3A_70, %dma_wait3A_71] : memref<20000x128xf32, #tpu.memory_space<hbm>> -> memref<20000x128xf32, #tpu.memory_space<hbm>>
    tpu.wait_indirect_dma semaphore(%arg11 : memref<!tpu.dma_semaphore, #tpu.memory_space<semaphore_mem>>) src(%dma_wait3A_72 : memref<20000x128xf32, #tpu.memory_space<hbm>>) dst(%arg8 : memref<80x128xf32, #tpu.memory_space<vmem>>)
    %run_scoped3A_73 = arith.constant 122 : i32
    "tpu.region"() ({
      %run_scoped3A_110 = tpu.sem_alloc : memref<!tpu.dma_semaphore, #tpu.memory_space<semaphore_mem>>
      %dma_start3A_111 = arith.constant 0 : i32
      %dma_start3A_112 = tpu.memref_slice %arg7[%run_scoped3A_73, %dma_start3A_111] : memref<125x80xi32, #tpu.memory_space<vmem>> -> memref<1x80xi32, #tpu.memory_space<vmem>>
      %dma_start3A_113 = tpu.memref_squeeze %dma_start3A_112 : memref<1x80xi32, #tpu.memory_space<vmem>> -> memref<80xi32, #tpu.memory_space<vmem>>
      %dma_start3A_114 = arith.constant 0 : i32
      %dma_start3A_115 = arith.constant 0 : i32
      %dma_start3A_116 = tpu.memref_slice %arg10[%dma_start3A_114, %dma_start3A_115] : memref<10000x128xf32, #tpu.memory_space<vmem_shared>> -> memref<10000x128xf32, #tpu.memory_space<vmem_shared>>
      tpu.enqueue_indirect_dma source(%arg8 : memref<80x128xf32, #tpu.memory_space<vmem>>) target(%dma_start3A_116 : memref<10000x128xf32, #tpu.memory_space<vmem_shared>>) offsets(%dma_start3A_113 : memref<80xi32, #tpu.memory_space<vmem>>) semaphore(%run_scoped3A_110 : memref<!tpu.dma_semaphore, #tpu.memory_space<semaphore_mem>>) {add = true}
      %dma_wait3A_117 = arith.constant 0 : i32
      %dma_wait3A_118 = tpu.memref_slice %arg7[%run_scoped3A_73, %dma_wait3A_117] : memref<125x80xi32, #tpu.memory_space<vmem>> -> memref<1x80xi32, #tpu.memory_space<vmem>>
      %dma_wait3A_119 = tpu.memref_squeeze %dma_wait3A_118 : memref<1x80xi32, #tpu.memory_space<vmem>> -> memref<80xi32, #tpu.memory_space<vmem>>
      %dma_wait3A_120 = arith.constant 0 : i32
      %dma_wait3A_121 = arith.constant 0 : i32
      %dma_wait3A_122 = tpu.memref_slice %arg10[%dma_wait3A_120, %dma_wait3A_121] : memref<10000x128xf32, #tpu.memory_space<vmem_shared>> -> memref<10000x128xf32, #tpu.memory_space<vmem_shared>>
      tpu.wait_indirect_dma semaphore(%run_scoped3A_110 : memref<!tpu.dma_semaphore, #tpu.memory_space<semaphore_mem>>) src(%arg8 : memref<80x128xf32, #tpu.memory_space<vmem>>) dst(%dma_wait3A_122 : memref<10000x128xf32, #tpu.memory_space<vmem_shared>>)
      tpu.yield
    }) : () -> ()
    %dma_start3A_74 = arith.constant 60 : i32
    %dma_start3A_75 = arith.constant 0 : i32
    %dma_start3A_76 = tpu.memref_slice %arg6[%dma_start3A_74, %dma_start3A_75] : memref<64x80xi32, #tpu.memory_space<vmem>> -> memref<1x80xi32, #tpu.memory_space<vmem>>
    %dma_start3A_77 = tpu.memref_squeeze %dma_start3A_76 : memref<1x80xi32, #tpu.memory_space<vmem>> -> memref<80xi32, #tpu.memory_space<vmem>>
    %dma_start3A_78 = arith.constant 0 : i32
    %dma_start3A_79 = arith.constant 0 : i32
    %dma_start3A_80 = tpu.memref_slice %arg2[%dma_start3A_78, %dma_start3A_79] : memref<20000x128xf32, #tpu.memory_space<hbm>> -> memref<20000x128xf32, #tpu.memory_space<hbm>>
    tpu.enqueue_indirect_dma source(%dma_start3A_80 : memref<20000x128xf32, #tpu.memory_space<hbm>>) target(%arg8 : memref<80x128xf32, #tpu.memory_space<vmem>>) offsets(%dma_start3A_77 : memref<80xi32, #tpu.memory_space<vmem>>) semaphore(%arg11 : memref<!tpu.dma_semaphore, #tpu.memory_space<semaphore_mem>>)
    %dma_wait3A_81 = arith.constant 59 : i32
    %dma_wait3A_82 = arith.constant 0 : i32
    %dma_wait3A_83 = tpu.memref_slice %arg6[%dma_wait3A_81, %dma_wait3A_82] : memref<64x80xi32, #tpu.memory_space<vmem>> -> memref<1x80xi32, #tpu.memory_space<vmem>>
    %dma_wait3A_84 = tpu.memref_squeeze %dma_wait3A_83 : memref<1x80xi32, #tpu.memory_space<vmem>> -> memref<80xi32, #tpu.memory_space<vmem>>
    %dma_wait3A_85 = arith.constant 0 : i32
    %dma_wait3A_86 = arith.constant 0 : i32
    %dma_wait3A_87 = tpu.memref_slice %arg2[%dma_wait3A_85, %dma_wait3A_86] : memref<20000x128xf32, #tpu.memory_space<hbm>> -> memref<20000x128xf32, #tpu.memory_space<hbm>>
    tpu.wait_indirect_dma semaphore(%arg12 : memref<!tpu.dma_semaphore, #tpu.memory_space<semaphore_mem>>) src(%dma_wait3A_87 : memref<20000x128xf32, #tpu.memory_space<hbm>>) dst(%arg9 : memref<80x128xf32, #tpu.memory_space<vmem>>)
    %run_scoped3A_88 = arith.constant 123 : i32
    "tpu.region"() ({
      %run_scoped3A_110 = tpu.sem_alloc : memref<!tpu.dma_semaphore, #tpu.memory_space<semaphore_mem>>
      %dma_start3A_111 = arith.constant 0 : i32
      %dma_start3A_112 = tpu.memref_slice %arg7[%run_scoped3A_88, %dma_start3A_111] : memref<125x80xi32, #tpu.memory_space<vmem>> -> memref<1x80xi32, #tpu.memory_space<vmem>>
      %dma_start3A_113 = tpu.memref_squeeze %dma_start3A_112 : memref<1x80xi32, #tpu.memory_space<vmem>> -> memref<80xi32, #tpu.memory_space<vmem>>
      %dma_start3A_114 = arith.constant 0 : i32
      %dma_start3A_115 = arith.constant 0 : i32
      %dma_start3A_116 = tpu.memref_slice %arg10[%dma_start3A_114, %dma_start3A_115] : memref<10000x128xf32, #tpu.memory_space<vmem_shared>> -> memref<10000x128xf32, #tpu.memory_space<vmem_shared>>
      tpu.enqueue_indirect_dma source(%arg9 : memref<80x128xf32, #tpu.memory_space<vmem>>) target(%dma_start3A_116 : memref<10000x128xf32, #tpu.memory_space<vmem_shared>>) offsets(%dma_start3A_113 : memref<80xi32, #tpu.memory_space<vmem>>) semaphore(%run_scoped3A_110 : memref<!tpu.dma_semaphore, #tpu.memory_space<semaphore_mem>>) {add = true}
      %dma_wait3A_117 = arith.constant 0 : i32
      %dma_wait3A_118 = tpu.memref_slice %arg7[%run_scoped3A_88, %dma_wait3A_117] : memref<125x80xi32, #tpu.memory_space<vmem>> -> memref<1x80xi32, #tpu.memory_space<vmem>>
      %dma_wait3A_119 = tpu.memref_squeeze %dma_wait3A_118 : memref<1x80xi32, #tpu.memory_space<vmem>> -> memref<80xi32, #tpu.memory_space<vmem>>
      %dma_wait3A_120 = arith.constant 0 : i32
      %dma_wait3A_121 = arith.constant 0 : i32
      %dma_wait3A_122 = tpu.memref_slice %arg10[%dma_wait3A_120, %dma_wait3A_121] : memref<10000x128xf32, #tpu.memory_space<vmem_shared>> -> memref<10000x128xf32, #tpu.memory_space<vmem_shared>>
      tpu.wait_indirect_dma semaphore(%run_scoped3A_110 : memref<!tpu.dma_semaphore, #tpu.memory_space<semaphore_mem>>) src(%arg9 : memref<80x128xf32, #tpu.memory_space<vmem>>) dst(%dma_wait3A_122 : memref<10000x128xf32, #tpu.memory_space<vmem_shared>>)
      tpu.yield
    }) : () -> ()
    %dma_wait3A_89 = arith.constant 60 : i32
    %dma_wait3A_90 = arith.constant 0 : i32
    %dma_wait3A_91 = tpu.memref_slice %arg6[%dma_wait3A_89, %dma_wait3A_90] : memref<64x80xi32, #tpu.memory_space<vmem>> -> memref<1x80xi32, #tpu.memory_space<vmem>>
    %dma_wait3A_92 = tpu.memref_squeeze %dma_wait3A_91 : memref<1x80xi32, #tpu.memory_space<vmem>> -> memref<80xi32, #tpu.memory_space<vmem>>
    %dma_wait3A_93 = arith.constant 0 : i32
    %dma_wait3A_94 = arith.constant 0 : i32
    %dma_wait3A_95 = tpu.memref_slice %arg2[%dma_wait3A_93, %dma_wait3A_94] : memref<20000x128xf32, #tpu.memory_space<hbm>> -> memref<20000x128xf32, #tpu.memory_space<hbm>>
    tpu.wait_indirect_dma semaphore(%arg11 : memref<!tpu.dma_semaphore, #tpu.memory_space<semaphore_mem>>) src(%dma_wait3A_95 : memref<20000x128xf32, #tpu.memory_space<hbm>>) dst(%arg8 : memref<80x128xf32, #tpu.memory_space<vmem>>)
    %run_scoped3A_96 = arith.constant 124 : i32
    "tpu.region"() ({
      %run_scoped3A_110 = tpu.sem_alloc : memref<!tpu.dma_semaphore, #tpu.memory_space<semaphore_mem>>
      %dma_start3A_111 = arith.constant 0 : i32
      %dma_start3A_112 = tpu.memref_slice %arg7[%run_scoped3A_96, %dma_start3A_111] : memref<125x80xi32, #tpu.memory_space<vmem>> -> memref<1x80xi32, #tpu.memory_space<vmem>>
      %dma_start3A_113 = tpu.memref_squeeze %dma_start3A_112 : memref<1x80xi32, #tpu.memory_space<vmem>> -> memref<80xi32, #tpu.memory_space<vmem>>
      %dma_start3A_114 = arith.constant 0 : i32
      %dma_start3A_115 = arith.constant 0 : i32
      %dma_start3A_116 = tpu.memref_slice %arg10[%dma_start3A_114, %dma_start3A_115] : memref<10000x128xf32, #tpu.memory_space<vmem_shared>> -> memref<10000x128xf32, #tpu.memory_space<vmem_shared>>
      tpu.enqueue_indirect_dma source(%arg8 : memref<80x128xf32, #tpu.memory_space<vmem>>) target(%dma_start3A_116 : memref<10000x128xf32, #tpu.memory_space<vmem_shared>>) offsets(%dma_start3A_113 : memref<80xi32, #tpu.memory_space<vmem>>) semaphore(%run_scoped3A_110 : memref<!tpu.dma_semaphore, #tpu.memory_space<semaphore_mem>>) {add = true}
      %dma_wait3A_117 = arith.constant 0 : i32
      %dma_wait3A_118 = tpu.memref_slice %arg7[%run_scoped3A_96, %dma_wait3A_117] : memref<125x80xi32, #tpu.memory_space<vmem>> -> memref<1x80xi32, #tpu.memory_space<vmem>>
      %dma_wait3A_119 = tpu.memref_squeeze %dma_wait3A_118 : memref<1x80xi32, #tpu.memory_space<vmem>> -> memref<80xi32, #tpu.memory_space<vmem>>
      %dma_wait3A_120 = arith.constant 0 : i32
      %dma_wait3A_121 = arith.constant 0 : i32
      %dma_wait3A_122 = tpu.memref_slice %arg10[%dma_wait3A_120, %dma_wait3A_121] : memref<10000x128xf32, #tpu.memory_space<vmem_shared>> -> memref<10000x128xf32, #tpu.memory_space<vmem_shared>>
      tpu.wait_indirect_dma semaphore(%run_scoped3A_110 : memref<!tpu.dma_semaphore, #tpu.memory_space<semaphore_mem>>) src(%arg8 : memref<80x128xf32, #tpu.memory_space<vmem>>) dst(%dma_wait3A_122 : memref<10000x128xf32, #tpu.memory_space<vmem_shared>>)
      tpu.yield
    }) : () -> ()
    %barrier3A_97 = arith.constant 0 : index
    tpu.barrier barrier_id(%barrier3A_97)
    %mul3A_98 = arith.constant 10000 : i32
    %mul3A_99 = arith.muli %add3A_1, %mul3A_98 : i32
    %lt3A_100 = arith.constant 15 : i32
    %lt3A_101 = arith.cmpi slt, %arg1, %lt3A_100 : i32
    %convert_element_type3A_102 = arith.extui %lt3A_101 : i1 to i32
    %cond3A_103 = arith.constant 0 : i32
    %cond3A_104 = arith.cmpi ne, %convert_element_type3A_102, %cond3A_103 : i32
    scf.if %cond3A_104 {
      %mul3A_110 = arith.constant 632 : i32
      %mul3A_111 = arith.muli %arg1, %mul3A_110 : i32
      %add3A_112 = arith.constant 0 : i32
      %add3A_113 = arith.addi %add3A_112, %mul3A_111 : i32
      %multiple_of3A = tpu.assume_multiple %add3A_113, 8 : i32
      %mul3A_114 = arith.constant 632 : i32
      %mul3A_115 = arith.muli %arg1, %mul3A_114 : i32
      %add3A_116 = arith.addi %mul3A_99, %mul3A_115 : i32
      %multiple_of3A_117 = tpu.assume_multiple %add3A_116, 8 : i32
      "tpu.region"() ({
        %run_scoped3A_118 = tpu.sem_alloc : memref<!tpu.dma_semaphore, #tpu.memory_space<semaphore_mem>>
        %dma_start3A_119 = arith.constant 0 : i32
        %dma_start3A_120 = tpu.memref_slice %arg5[%multiple_of3A_117, %dma_start3A_119] : memref<20000x128xf32, #tpu.memory_space<hbm>> -> memref<632x128xf32, #tpu.memory_space<hbm>>
        %dma_start3A_121 = arith.constant 0 : i32
        %dma_start3A_122 = tpu.memref_slice %arg10[%multiple_of3A, %dma_start3A_121] : memref<10000x128xf32, #tpu.memory_space<vmem_shared>> -> memref<632x128xf32, #tpu.memory_space<vmem_shared>>
        tpu.enqueue_dma source(%dma_start3A_122 : memref<632x128xf32, #tpu.memory_space<vmem_shared>>) target(%dma_start3A_120 : memref<632x128xf32, #tpu.memory_space<hbm>>) target_semaphore(%run_scoped3A_118 : memref<!tpu.dma_semaphore, #tpu.memory_space<semaphore_mem>>)
        %dma_wait3A_123 = arith.constant 0 : i32
        %dma_wait3A_124 = tpu.memref_slice %arg5[%multiple_of3A_117, %dma_wait3A_123] : memref<20000x128xf32, #tpu.memory_space<hbm>> -> memref<632x128xf32, #tpu.memory_space<hbm>>
        %dma_wait3A_125 = arith.constant 0 : i32
        %dma_wait3A_126 = tpu.memref_slice %arg10[%multiple_of3A, %dma_wait3A_125] : memref<10000x128xf32, #tpu.memory_space<vmem_shared>> -> memref<632x128xf32, #tpu.memory_space<vmem_shared>>
        tpu.wait_dma2 semaphore(%run_scoped3A_118 : memref<!tpu.dma_semaphore, #tpu.memory_space<semaphore_mem>>) src(%dma_wait3A_126 : memref<632x128xf32, #tpu.memory_space<vmem_shared>>) dst(%dma_wait3A_124 : memref<632x128xf32, #tpu.memory_space<hbm>>)
        tpu.yield
      }) : () -> ()
    } else {
    }
    %eq3A_105 = arith.constant 15 : i32
    %eq3A_106 = arith.cmpi eq, %arg1, %eq3A_105 : i32
    %convert_element_type3A_107 = arith.extui %eq3A_106 : i1 to i32
    %cond3A_108 = arith.constant 0 : i32
    %cond3A_109 = arith.cmpi ne, %convert_element_type3A_107, %cond3A_108 : i32
    scf.if %cond3A_109 {
      %multiple_of3A = arith.constant 9480 : i32
      %multiple_of3A_110 = tpu.assume_multiple %multiple_of3A, 8 : i32
      %add3A_111 = arith.constant 9480 : i32
      %add3A_112 = arith.addi %mul3A_99, %add3A_111 : i32
      %multiple_of3A_113 = tpu.assume_multiple %add3A_112, 8 : i32
      "tpu.region"() ({
        %run_scoped3A_114 = tpu.sem_alloc : memref<!tpu.dma_semaphore, #tpu.memory_space<semaphore_mem>>
        %dma_start3A_115 = arith.constant 0 : i32
        %dma_start3A_116 = tpu.memref_slice %arg5[%multiple_of3A_113, %dma_start3A_115] : memref<20000x128xf32, #tpu.memory_space<hbm>> -> memref<520x128xf32, #tpu.memory_space<hbm>>
        %dma_start3A_117 = arith.constant 0 : i32
        %dma_start3A_118 = tpu.memref_slice %arg10[%multiple_of3A_110, %dma_start3A_117] : memref<10000x128xf32, #tpu.memory_space<vmem_shared>> -> memref<520x128xf32, #tpu.memory_space<vmem_shared>>
        tpu.enqueue_dma source(%dma_start3A_118 : memref<520x128xf32, #tpu.memory_space<vmem_shared>>) target(%dma_start3A_116 : memref<520x128xf32, #tpu.memory_space<hbm>>) target_semaphore(%run_scoped3A_114 : memref<!tpu.dma_semaphore, #tpu.memory_space<semaphore_mem>>)
        %dma_wait3A_119 = arith.constant 0 : i32
        %dma_wait3A_120 = tpu.memref_slice %arg5[%multiple_of3A_113, %dma_wait3A_119] : memref<20000x128xf32, #tpu.memory_space<hbm>> -> memref<520x128xf32, #tpu.memory_space<hbm>>
        %dma_wait3A_121 = arith.constant 0 : i32
        %dma_wait3A_122 = tpu.memref_slice %arg10[%multiple_of3A_110, %dma_wait3A_121] : memref<10000x128xf32, #tpu.memory_space<vmem_shared>> -> memref<520x128xf32, #tpu.memory_space<vmem_shared>>
        tpu.wait_dma2 semaphore(%run_scoped3A_114 : memref<!tpu.dma_semaphore, #tpu.memory_space<semaphore_mem>>) src(%dma_wait3A_122 : memref<520x128xf32, #tpu.memory_space<vmem_shared>>) dst(%dma_wait3A_120 : memref<520x128xf32, #tpu.memory_space<hbm>>)
        tpu.yield
      }) : () -> ()
    } else {
    }
    return
  }
}

module attributes {stable_mosaic.version = 14 : i64} {
  func.func @body(%arg0: i32, %arg1: memref<2x2000x128xf32, #tpu.memory_space<vmem>>, %arg2: memref<2x128x512xf32, #tpu.memory_space<vmem>>, %arg3: memref<1x512xf32, #tpu.memory_space<vmem>>, %arg4: memref<4x2000x128xf32, #tpu.memory_space<vmem>>) attributes {dimension_semantics = [#tpu.dimension_semantics<arbitrary>], iteration_bounds = array<i64: 5>, scalar_prefetch = 0 : i64, scratch_operands = 0 : i64, tpu.core_type = #tpu.core_type<tc>, window_params = [{transform_indices = @transform_0, window_bounds = array<i64: 2, 2000, 128>}, {pipeline_mode = #tpu.pipeline_mode<synchronous>, transform_indices = @transform_1, window_bounds = array<i64: 2, 128, 512>}, {pipeline_mode = #tpu.pipeline_mode<synchronous>, transform_indices = @transform_2, window_bounds = array<i64: 1, 512>}, {transform_indices = @transform_3, window_bounds = array<i64: 4, 2000, 128>}]} {
    %get3A = arith.constant 0 : index
    %get3A_0 = arith.constant 0 : index
    %get3A_1 = arith.constant 0 : index
    %get3A_2 = vector.load %arg1[%get3A, %get3A_0, %get3A_1] : memref<2x2000x128xf32, #tpu.memory_space<vmem>>, vector<1x2000x128xf32>
    %get3A_3 = vector.shape_cast %get3A_2 : vector<1x2000x128xf32> to vector<2000x128xf32>
    %get3A_4 = arith.constant 0 : index
    %get3A_5 = arith.constant 0 : index
    %get3A_6 = arith.constant 0 : index
    %get3A_7 = vector.load %arg2[%get3A_4, %get3A_5, %get3A_6] : memref<2x128x512xf32, #tpu.memory_space<vmem>>, vector<1x128x512xf32>
    %get3A_8 = vector.shape_cast %get3A_7 : vector<1x128x512xf32> to vector<128x512xf32>
    %dot_general3A = arith.constant dense<0.000000e+00> : vector<2000x512xf32>
    %dot_general3A_9 = tpu.matmul %get3A_3, %get3A_8, %dot_general3A {dimension_numbers = #tpu.dot_dimension_numbers<[1], [0], [0], [1], [0, 0, 1, 1], [], []>, transpose_lhs_hint = false} : vector<2000x128xf32>, vector<128x512xf32>, vector<2000x512xf32> -> vector<2000x512xf32>
    %get3A_10 = arith.constant 1 : index
    %get3A_11 = arith.constant 0 : index
    %get3A_12 = arith.constant 0 : index
    %get3A_13 = vector.load %arg1[%get3A_10, %get3A_11, %get3A_12] : memref<2x2000x128xf32, #tpu.memory_space<vmem>>, vector<1x2000x128xf32>
    %get3A_14 = vector.shape_cast %get3A_13 : vector<1x2000x128xf32> to vector<2000x128xf32>
    %get3A_15 = arith.constant 1 : index
    %get3A_16 = arith.constant 0 : index
    %get3A_17 = arith.constant 0 : index
    %get3A_18 = vector.load %arg2[%get3A_15, %get3A_16, %get3A_17] : memref<2x128x512xf32, #tpu.memory_space<vmem>>, vector<1x128x512xf32>
    %get3A_19 = vector.shape_cast %get3A_18 : vector<1x128x512xf32> to vector<128x512xf32>
    %dot_general3A_20 = arith.constant dense<0.000000e+00> : vector<2000x512xf32>
    %dot_general3A_21 = tpu.matmul %get3A_14, %get3A_19, %dot_general3A_20 {dimension_numbers = #tpu.dot_dimension_numbers<[1], [0], [0], [1], [0, 0, 1, 1], [], []>, transpose_lhs_hint = false} : vector<2000x128xf32>, vector<128x512xf32>, vector<2000x512xf32> -> vector<2000x512xf32>
    %add3A = arith.addf %dot_general3A_9, %dot_general3A_21 : vector<2000x512xf32>
    %get3A_22 = arith.constant 0 : index
    %get3A_23 = arith.constant 0 : index
    %get3A_24 = vector.load %arg3[%get3A_22, %get3A_23] : memref<1x512xf32, #tpu.memory_space<vmem>>, vector<1x512xf32>
    %add3A_25 = vector.broadcast %get3A_24 : vector<1x512xf32> to vector<2000x512xf32>
    %add3A_26 = arith.addf %add3A, %add3A_25 : vector<2000x512xf32>
    %ge3A = arith.constant 0.000000e+00 : f32
    %ge3A_27 = vector.broadcast %ge3A : f32 to vector<2000x512xf32>
    %ge3A_28 = arith.cmpf oge, %add3A_26, %ge3A_27 : vector<2000x512xf32>
    %mul3A = arith.constant 0.00999999977 : f32
    %mul3A_29 = vector.broadcast %mul3A : f32 to vector<2000x512xf32>
    %mul3A_30 = arith.mulf %mul3A_29, %add3A_26 : vector<2000x512xf32>
    %select_n3A = arith.select %ge3A_28, %add3A_26, %mul3A_30 : vector<2000x512xi1>, vector<2000x512xf32>
    %slice3A = vector.extract_strided_slice %select_n3A {offsets = [0, 0], sizes = [2000, 128], strides = [1, 1]} : vector<2000x512xf32> to vector<2000x128xf32>
    %swap3A = arith.constant 0 : index
    %swap3A_31 = arith.constant 0 : index
    %swap3A_32 = arith.constant 0 : index
    %swap3A_33 = vector.load %arg4[%swap3A, %swap3A_31, %swap3A_32] : memref<4x2000x128xf32, #tpu.memory_space<vmem>>, vector<1x2000x128xf32>
    %swap3A_34 = vector.shape_cast %swap3A_33 : vector<1x2000x128xf32> to vector<2000x128xf32>
    %swap3A_35 = vector.shape_cast %slice3A : vector<2000x128xf32> to vector<1x2000x128xf32>
    tpu.vector_store %arg4[%swap3A, %swap3A_31, %swap3A_32], %swap3A_35 {strides = array<i32>} : memref<4x2000x128xf32, #tpu.memory_space<vmem>>, vector<1x2000x128xf32>,
    %slice3A_36 = vector.extract_strided_slice %select_n3A {offsets = [0, 128], sizes = [2000, 128], strides = [1, 1]} : vector<2000x512xf32> to vector<2000x128xf32>
    %swap3A_37 = arith.constant 1 : index
    %swap3A_38 = arith.constant 0 : index
    %swap3A_39 = arith.constant 0 : index
    %swap3A_40 = vector.load %arg4[%swap3A_37, %swap3A_38, %swap3A_39] : memref<4x2000x128xf32, #tpu.memory_space<vmem>>, vector<1x2000x128xf32>
    %swap3A_41 = vector.shape_cast %swap3A_40 : vector<1x2000x128xf32> to vector<2000x128xf32>
    %swap3A_42 = vector.shape_cast %slice3A_36 : vector<2000x128xf32> to vector<1x2000x128xf32>
    tpu.vector_store %arg4[%swap3A_37, %swap3A_38, %swap3A_39], %swap3A_42 {strides = array<i32>} : memref<4x2000x128xf32, #tpu.memory_space<vmem>>, vector<1x2000x128xf32>,
    %slice3A_43 = vector.extract_strided_slice %select_n3A {offsets = [0, 256], sizes = [2000, 128], strides = [1, 1]} : vector<2000x512xf32> to vector<2000x128xf32>
    %swap3A_44 = arith.constant 2 : index
    %swap3A_45 = arith.constant 0 : index
    %swap3A_46 = arith.constant 0 : index
    %swap3A_47 = vector.load %arg4[%swap3A_44, %swap3A_45, %swap3A_46] : memref<4x2000x128xf32, #tpu.memory_space<vmem>>, vector<1x2000x128xf32>
    %swap3A_48 = vector.shape_cast %swap3A_47 : vector<1x2000x128xf32> to vector<2000x128xf32>
    %swap3A_49 = vector.shape_cast %slice3A_43 : vector<2000x128xf32> to vector<1x2000x128xf32>
    tpu.vector_store %arg4[%swap3A_44, %swap3A_45, %swap3A_46], %swap3A_49 {strides = array<i32>} : memref<4x2000x128xf32, #tpu.memory_space<vmem>>, vector<1x2000x128xf32>,
    %slice3A_50 = vector.extract_strided_slice %select_n3A {offsets = [0, 384], sizes = [2000, 128], strides = [1, 1]} : vector<2000x512xf32> to vector<2000x128xf32>
    %swap3A_51 = arith.constant 3 : index
    %swap3A_52 = arith.constant 0 : index
    %swap3A_53 = arith.constant 0 : index
    %swap3A_54 = vector.load %arg4[%swap3A_51, %swap3A_52, %swap3A_53] : memref<4x2000x128xf32, #tpu.memory_space<vmem>>, vector<1x2000x128xf32>
    %swap3A_55 = vector.shape_cast %swap3A_54 : vector<1x2000x128xf32> to vector<2000x128xf32>
    %swap3A_56 = vector.shape_cast %slice3A_50 : vector<2000x128xf32> to vector<1x2000x128xf32>
    tpu.vector_store %arg4[%swap3A_51, %swap3A_52, %swap3A_53], %swap3A_56 {strides = array<i32>} : memref<4x2000x128xf32, #tpu.memory_space<vmem>>, vector<1x2000x128xf32>,
    return
  }
  func.func @transform_0(%arg0: i32) -> (i32, i32, i32) {
    %c0_i32 = arith.constant 0 : i32
    %c0_i32_0 = arith.constant 0 : i32
    %c0_i32_1 = arith.constant 0 : i32
    return %c0_i32, %arg0, %c0_i32_0 : i32, i32, i32
  }
  func.func @transform_1(%arg0: i32) -> (i32, i32, i32) {
    %c0_i32 = arith.constant 0 : i32
    %c0_i32_0 = arith.constant 0 : i32
    %c0_i32_1 = arith.constant 0 : i32
    %c0_i32_2 = arith.constant 0 : i32
    return %c0_i32, %c0_i32_0, %c0_i32_1 : i32, i32, i32
  }
  func.func @transform_2(%arg0: i32) -> (i32, i32) {
    %c0_i32 = arith.constant 0 : i32
    %c0_i32_0 = arith.constant 0 : i32
    %c0_i32_1 = arith.constant 0 : i32
    return %c0_i32, %c0_i32_0 : i32, i32
  }
  func.func @transform_3(%arg0: i32) -> (i32, i32, i32) {
    %c0_i32 = arith.constant 0 : i32
    %c0_i32_0 = arith.constant 0 : i32
    %c0_i32_1 = arith.constant 0 : i32
    return %c0_i32, %arg0, %c0_i32_0 : i32, i32, i32
  }
}

module attributes {stable_mosaic.version = 14 : i64} {
  func.func @body(%arg0: i32, %arg1: memref<4x2000x128xf32, #tpu.memory_space<vmem>>, %arg2: memref<4x128x512xf32, #tpu.memory_space<vmem>>, %arg3: memref<1x512xf32, #tpu.memory_space<vmem>>, %arg4: memref<512x64xf32, #tpu.memory_space<vmem>>, %arg5: memref<1x64xf32, #tpu.memory_space<vmem>>, %arg6: memref<1x64xf32, #tpu.memory_space<vmem>>, %arg7: memref<1x512xf32, #tpu.memory_space<vmem>>) attributes {dimension_semantics = [#tpu.dimension_semantics<arbitrary>], iteration_bounds = array<i64: 5>, scalar_prefetch = 0 : i64, scratch_operands = 1 : i64, tpu.core_type = #tpu.core_type<tc>, window_params = [{transform_indices = @transform_0, window_bounds = array<i64: 4, 2000, 128>}, {pipeline_mode = #tpu.pipeline_mode<synchronous>, transform_indices = @transform_1, window_bounds = array<i64: 4, 128, 512>}, {pipeline_mode = #tpu.pipeline_mode<synchronous>, transform_indices = @transform_2, window_bounds = array<i64: 1, 512>}, {pipeline_mode = #tpu.pipeline_mode<synchronous>, transform_indices = @transform_3, window_bounds = array<i64: 512, 64>}, {pipeline_mode = #tpu.pipeline_mode<synchronous>, transform_indices = @transform_4, window_bounds = array<i64: 1, 64>}, {pipeline_mode = #tpu.pipeline_mode<synchronous>, transform_indices = @transform_5, window_bounds = array<i64: 1, 64>}]} {
    %get3A = arith.constant 0 : index
    %get3A_0 = arith.constant 0 : index
    %get3A_1 = arith.constant 0 : index
    %get3A_2 = vector.load %arg1[%get3A, %get3A_0, %get3A_1] : memref<4x2000x128xf32, #tpu.memory_space<vmem>>, vector<1x2000x128xf32>
    %get3A_3 = vector.shape_cast %get3A_2 : vector<1x2000x128xf32> to vector<2000x128xf32>
    %get3A_4 = arith.constant 0 : index
    %get3A_5 = arith.constant 0 : index
    %get3A_6 = arith.constant 0 : index
    %get3A_7 = vector.load %arg2[%get3A_4, %get3A_5, %get3A_6] : memref<4x128x512xf32, #tpu.memory_space<vmem>>, vector<1x128x512xf32>
    %get3A_8 = vector.shape_cast %get3A_7 : vector<1x128x512xf32> to vector<128x512xf32>
    %dot_general3A = arith.constant dense<0.000000e+00> : vector<2000x512xf32>
    %dot_general3A_9 = tpu.matmul %get3A_3, %get3A_8, %dot_general3A {dimension_numbers = #tpu.dot_dimension_numbers<[1], [0], [0], [1], [0, 0, 1, 1], [], []>, transpose_lhs_hint = false} : vector<2000x128xf32>, vector<128x512xf32>, vector<2000x512xf32> -> vector<2000x512xf32>
    %get3A_10 = arith.constant 1 : index
    %get3A_11 = arith.constant 0 : index
    %get3A_12 = arith.constant 0 : index
    %get3A_13 = vector.load %arg1[%get3A_10, %get3A_11, %get3A_12] : memref<4x2000x128xf32, #tpu.memory_space<vmem>>, vector<1x2000x128xf32>
    %get3A_14 = vector.shape_cast %get3A_13 : vector<1x2000x128xf32> to vector<2000x128xf32>
    %get3A_15 = arith.constant 1 : index
    %get3A_16 = arith.constant 0 : index
    %get3A_17 = arith.constant 0 : index
    %get3A_18 = vector.load %arg2[%get3A_15, %get3A_16, %get3A_17] : memref<4x128x512xf32, #tpu.memory_space<vmem>>, vector<1x128x512xf32>
    %get3A_19 = vector.shape_cast %get3A_18 : vector<1x128x512xf32> to vector<128x512xf32>
    %dot_general3A_20 = arith.constant dense<0.000000e+00> : vector<2000x512xf32>
    %dot_general3A_21 = tpu.matmul %get3A_14, %get3A_19, %dot_general3A_20 {dimension_numbers = #tpu.dot_dimension_numbers<[1], [0], [0], [1], [0, 0, 1, 1], [], []>, transpose_lhs_hint = false} : vector<2000x128xf32>, vector<128x512xf32>, vector<2000x512xf32> -> vector<2000x512xf32>
    %add3A = arith.addf %dot_general3A_9, %dot_general3A_21 : vector<2000x512xf32>
    %get3A_22 = arith.constant 2 : index
    %get3A_23 = arith.constant 0 : index
    %get3A_24 = arith.constant 0 : index
    %get3A_25 = vector.load %arg1[%get3A_22, %get3A_23, %get3A_24] : memref<4x2000x128xf32, #tpu.memory_space<vmem>>, vector<1x2000x128xf32>
    %get3A_26 = vector.shape_cast %get3A_25 : vector<1x2000x128xf32> to vector<2000x128xf32>
    %get3A_27 = arith.constant 2 : index
    %get3A_28 = arith.constant 0 : index
    %get3A_29 = arith.constant 0 : index
    %get3A_30 = vector.load %arg2[%get3A_27, %get3A_28, %get3A_29] : memref<4x128x512xf32, #tpu.memory_space<vmem>>, vector<1x128x512xf32>
    %get3A_31 = vector.shape_cast %get3A_30 : vector<1x128x512xf32> to vector<128x512xf32>
    %dot_general3A_32 = arith.constant dense<0.000000e+00> : vector<2000x512xf32>
    %dot_general3A_33 = tpu.matmul %get3A_26, %get3A_31, %dot_general3A_32 {dimension_numbers = #tpu.dot_dimension_numbers<[1], [0], [0], [1], [0, 0, 1, 1], [], []>, transpose_lhs_hint = false} : vector<2000x128xf32>, vector<128x512xf32>, vector<2000x512xf32> -> vector<2000x512xf32>
    %add3A_34 = arith.addf %add3A, %dot_general3A_33 : vector<2000x512xf32>
    %get3A_35 = arith.constant 3 : index
    %get3A_36 = arith.constant 0 : index
    %get3A_37 = arith.constant 0 : index
    %get3A_38 = vector.load %arg1[%get3A_35, %get3A_36, %get3A_37] : memref<4x2000x128xf32, #tpu.memory_space<vmem>>, vector<1x2000x128xf32>
    %get3A_39 = vector.shape_cast %get3A_38 : vector<1x2000x128xf32> to vector<2000x128xf32>
    %get3A_40 = arith.constant 3 : index
    %get3A_41 = arith.constant 0 : index
    %get3A_42 = arith.constant 0 : index
    %get3A_43 = vector.load %arg2[%get3A_40, %get3A_41, %get3A_42] : memref<4x128x512xf32, #tpu.memory_space<vmem>>, vector<1x128x512xf32>
    %get3A_44 = vector.shape_cast %get3A_43 : vector<1x128x512xf32> to vector<128x512xf32>
    %dot_general3A_45 = arith.constant dense<0.000000e+00> : vector<2000x512xf32>
    %dot_general3A_46 = tpu.matmul %get3A_39, %get3A_44, %dot_general3A_45 {dimension_numbers = #tpu.dot_dimension_numbers<[1], [0], [0], [1], [0, 0, 1, 1], [], []>, transpose_lhs_hint = false} : vector<2000x128xf32>, vector<128x512xf32>, vector<2000x512xf32> -> vector<2000x512xf32>
    %add3A_47 = arith.addf %add3A_34, %dot_general3A_46 : vector<2000x512xf32>
    %get3A_48 = arith.constant 0 : index
    %get3A_49 = arith.constant 0 : index
    %get3A_50 = vector.load %arg3[%get3A_48, %get3A_49] : memref<1x512xf32, #tpu.memory_space<vmem>>, vector<1x512xf32>
    %add3A_51 = vector.broadcast %get3A_50 : vector<1x512xf32> to vector<2000x512xf32>
    %add3A_52 = arith.addf %add3A_47, %add3A_51 : vector<2000x512xf32>
    %ge3A = arith.constant 0.000000e+00 : f32
    %ge3A_53 = vector.broadcast %ge3A : f32 to vector<2000x512xf32>
    %ge3A_54 = arith.cmpf oge, %add3A_52, %ge3A_53 : vector<2000x512xf32>
    %mul3A = arith.constant 0.00999999977 : f32
    %mul3A_55 = vector.broadcast %mul3A : f32 to vector<2000x512xf32>
    %mul3A_56 = arith.mulf %mul3A_55, %add3A_52 : vector<2000x512xf32>
    %select_n3A = arith.select %ge3A_54, %add3A_52, %mul3A_56 : vector<2000x512xi1>, vector<2000x512xf32>
    %reduce_sum3A = arith.constant dense<0.000000e+00> : vector<512xf32>
    %reduce_sum3A_57 = vector.multi_reduction <add>, %select_n3A, %reduce_sum3A [0] : vector<2000x512xf32> to vector<512xf32>
    %broadcast_in_dim3A = vector.shape_cast %reduce_sum3A_57 : vector<512xf32> to vector<1x512xf32>
    %eq3A = arith.constant 0 : i32
    %eq3A_58 = arith.cmpi eq, %arg0, %eq3A : i32
    %convert_element_type3A = arith.extui %eq3A_58 : i1 to i32
    %cond3A = arith.constant 0 : i32
    %cond3A_59 = arith.cmpi ne, %convert_element_type3A, %cond3A : i32
    scf.if %cond3A_59 {
      %swap3A = arith.constant 0 : index
      %swap3A_69 = arith.constant 0 : index
      %swap3A_70 = vector.load %arg7[%swap3A, %swap3A_69] : memref<1x512xf32, #tpu.memory_space<vmem>>, vector<1x512xf32>
      tpu.vector_store %arg7[%swap3A, %swap3A_69], %broadcast_in_dim3A {strides = array<i32>} : memref<1x512xf32, #tpu.memory_space<vmem>>, vector<1x512xf32>,
    } else {
    }
    %gt3A = arith.constant 0 : i32
    %gt3A_60 = arith.cmpi sgt, %arg0, %gt3A : i32
    %convert_element_type3A_61 = arith.extui %gt3A_60 : i1 to i32
    %cond3A_62 = arith.constant 0 : i32
    %cond3A_63 = arith.cmpi ne, %convert_element_type3A_61, %cond3A_62 : i32
    scf.if %cond3A_63 {
      %get3A_69 = arith.constant 0 : index
      %get3A_70 = arith.constant 0 : index
      %get3A_71 = vector.load %arg7[%get3A_69, %get3A_70] : memref<1x512xf32, #tpu.memory_space<vmem>>, vector<1x512xf32>
      %add3A_72 = arith.addf %get3A_71, %broadcast_in_dim3A : vector<1x512xf32>
      %swap3A = arith.constant 0 : index
      %swap3A_73 = arith.constant 0 : index
      %swap3A_74 = vector.load %arg7[%swap3A, %swap3A_73] : memref<1x512xf32, #tpu.memory_space<vmem>>, vector<1x512xf32>
      tpu.vector_store %arg7[%swap3A, %swap3A_73], %add3A_72 {strides = array<i32>} : memref<1x512xf32, #tpu.memory_space<vmem>>, vector<1x512xf32>,
    } else {
    }
    %eq3A_64 = arith.constant 4 : i32
    %eq3A_65 = arith.cmpi eq, %arg0, %eq3A_64 : i32
    %convert_element_type3A_66 = arith.extui %eq3A_65 : i1 to i32
    %cond3A_67 = arith.constant 0 : i32
    %cond3A_68 = arith.cmpi ne, %convert_element_type3A_66, %cond3A_67 : i32
    scf.if %cond3A_68 {
      %get3A_69 = arith.constant 0 : index
      %get3A_70 = arith.constant 0 : index
      %get3A_71 = vector.load %arg7[%get3A_69, %get3A_70] : memref<1x512xf32, #tpu.memory_space<vmem>>, vector<1x512xf32>
      %get3A_72 = arith.constant 0 : index
      %get3A_73 = arith.constant 0 : index
      %get3A_74 = vector.load %arg4[%get3A_72, %get3A_73] : memref<512x64xf32, #tpu.memory_space<vmem>>, vector<512x64xf32>
      %dot_general3A_75 = arith.constant dense<0.000000e+00> : vector<1x64xf32>
      %dot_general3A_76 = tpu.matmul %get3A_71, %get3A_74, %dot_general3A_75 {dimension_numbers = #tpu.dot_dimension_numbers<[1], [0], [0], [1], [0, 0, 1, 1], [], []>, transpose_lhs_hint = false} : vector<1x512xf32>, vector<512x64xf32>, vector<1x64xf32> -> vector<1x64xf32>
      %get3A_77 = arith.constant 0 : index
      %get3A_78 = arith.constant 0 : index
      %get3A_79 = vector.load %arg5[%get3A_77, %get3A_78] : memref<1x64xf32, #tpu.memory_space<vmem>>, vector<1x64xf32>
      %add3A_80 = arith.addf %dot_general3A_76, %get3A_79 : vector<1x64xf32>
      %swap3A = arith.constant 0 : index
      %swap3A_81 = arith.constant 0 : index
      %swap3A_82 = vector.load %arg6[%swap3A, %swap3A_81] : memref<1x64xf32, #tpu.memory_space<vmem>>, vector<1x64xf32>
      tpu.vector_store %arg6[%swap3A, %swap3A_81], %add3A_80 {strides = array<i32>} : memref<1x64xf32, #tpu.memory_space<vmem>>, vector<1x64xf32>,
    } else {
    }
    return
  }
  func.func @transform_0(%arg0: i32) -> (i32, i32, i32) {
    %c0_i32 = arith.constant 0 : i32
    %c0_i32_0 = arith.constant 0 : i32
    %c0_i32_1 = arith.constant 0 : i32
    return %c0_i32, %arg0, %c0_i32_0 : i32, i32, i32
  }
  func.func @transform_1(%arg0: i32) -> (i32, i32, i32) {
    %c0_i32 = arith.constant 0 : i32
    %c0_i32_0 = arith.constant 0 : i32
    %c0_i32_1 = arith.constant 0 : i32
    %c0_i32_2 = arith.constant 0 : i32
    return %c0_i32, %c0_i32_0, %c0_i32_1 : i32, i32, i32
  }
  func.func @transform_2(%arg0: i32) -> (i32, i32) {
    %c0_i32 = arith.constant 0 : i32
    %c0_i32_0 = arith.constant 0 : i32
    %c0_i32_1 = arith.constant 0 : i32
    return %c0_i32, %c0_i32_0 : i32, i32
  }
  func.func @transform_3(%arg0: i32) -> (i32, i32) {
    %c0_i32 = arith.constant 0 : i32
    %c0_i32_0 = arith.constant 0 : i32
    %c0_i32_1 = arith.constant 0 : i32
    return %c0_i32, %c0_i32_0 : i32, i32
  }
  func.func @transform_4(%arg0: i32) -> (i32, i32) {
    %c0_i32 = arith.constant 0 : i32
    %c0_i32_0 = arith.constant 0 : i32
    %c0_i32_1 = arith.constant 0 : i32
    return %c0_i32, %c0_i32_0 : i32, i32
  }
  func.func @transform_5(%arg0: i32) -> (i32, i32) {
    %c0_i32 = arith.constant 0 : i32
    %c0_i32_0 = arith.constant 0 : i32
    %c0_i32_1 = arith.constant 0 : i32
    return %c0_i32, %c0_i32_0 : i32, i32
  }
}

</mosaic_0001>

<sc_bundles>
// kernel: kernel.6.cloned.1.call-start
scs
__scs_entry_jumppad:
0x0: {  	(pc) =	sbr.rel $0x88, $3  }
0x1: {  	(tag) =	ssettag $0x0;
	lr =	simm.s32 $0x1  }
0x2: {  	[smem:$0x3F99] =	sst lr;
	_ =	strace $0xD0000000  }
0x3: {  	_ = 	snop  }
0x4: {  	_ = 	snop  }
0x5: {  	_ = 	snop  }
0x6: {  	_ = 	snop  }
0x7: {  	_ = 	snop  }
__scs_overlays_trampoline_lowered:
0x8: {  	[smem:$0x3FA8] =	sst s0  }
0x9: {  	[smem:$0x3FA9] =	sst s1  }
0xa: {  	[smem:$0x3FAA] =	sst s2  }
0xb: {  	[smem:$0x3FAB] =	sst s3  }
0xc: {  	[smem:$0x3FAC] =	sst s4  }
0xd: {  	[smem:$0x3FAD] =	sst s5  }
0xe: {  	[smem:$0x3FAE] =	sst s6  }
0xf: {  	[smem:$0x3FAF] =	sst s7  }
0x10: {  	[smem:$0x3FB0] =	sst s8  }
0x11: {  	[smem:$0x3FB1] =	sst s9;
	s0 =	simm.s32 @!p0 $0x0  }
0x12: {  	s1 =	sld [smem:$0x3F97];
	s0 =	simm.s32 @p0 $0x1  }
0x13: {  	[smem:$0x3FB2] =	sst s0;
	s0 =	simm.s32 @!p1 $0x0  }
0x14: {  	s2 =	sld [smem:$0x3F96];
	s0 =	simm.s32 @p1 $0x1  }
0x15: {  	[smem:$0x3FB3] =	sst s0;
	s0 =	simm.s32 @!p2 $0x0  }
0x16: {  	s3 =	sld [smem:$0x3FDB];
	s0 =	simm.s32 @p2 $0x1  }
0x17: {  	s4 =	simm.s32 $0x1BF5;
	[smem:$0x3FB5] =	sst s0  }
0x18: {  	s0 =	sld [smem:$0x3F98];
	_ =	swait.ge [sflag:s4], $0x0  }
0x19: {  	s7 =	sld [smem:$0x3F99]  }
0x1a: {  	s8 =	sadd.s32 $0xFFFFE003, lr  }
0x1b: {  	s9 =	sadd.s32 $0xFFFFFEF7, lr;
	s5 =	simm.s32 $0xFFFFFFFF;
	p2 =	slt.u32 s8, $0xFFFFF086  }
0x1c: {  	p1 =	slt.u32 s9, $0xF7A;
	s5 =	simm.s32 @!p2 $0x0  }
0x1d: {  	s5 =	simm.s32 @p1 $0x1;
	p0 =	seq.s32 s7, s2  }
0x1e: {  	s7 =	smul.u32 @!p0 $0xF7A, s2;
	p2 =	seq.s32 @!p0 s5, $0x0  }
0x1f: {  	s9 =	smul.u32 $0xF7A, s1;
	s8 =	simm.s32 @!p0 $0x1BF5;
	p2 =	por !p2, p0  }
0x20: {  	[sflag:s8] =	ssyncset.s32 @!p0 $0xFFFFF086;
	s6 =	sadd.s32 @!p0 s3, s7;
	s7 =	simm.s32 @!p0 $0x108  }
0x21: {  	s3 =	sadd.s32 s3, s9;
	s6 =	sadd.s32 @!p0 $0x88, s6;
	s7 =	simm.s32 @p2 $0x1082  }
0x22: {  	[simem:s7], [sflag:s8] =	dma.local @!p0 [hbm:s6], $0xF7A  }
0x23: {  	s9 =	sor.u32 $0xD0000000, s2;
	s6 =	simm.s32 $0x108;
	_ =	swait.ge @!p0 [sflag:s8], $0x0  }
0x24: {  	s3 =	sadd.s32 $0x88, s3;
	s6 =	simm.s32 @!p1 $0x1082;
	[sflag:s4] =	ssyncset.s32 $0xFFFFF086  }
0x25: {  	[simem:s6], [sflag:s4] =	dma.local [hbm:s3], $0xF7A  }
0x26: {  	[smem:$0x3F99] =	sst s1;
	(tag) =	ssettag s2;
	_ =	strace s9  }
0x27: {  	s1 =	sld [smem:$0x3FA9]  }
0x28: {  	s2 =	sld [smem:$0x3FAA]  }
0x29: {  	s4 =	sld [smem:$0x3FAC]  }
0x2a: {  	p0 =	seq.s32 s5, $0x0;
	s5 =	sld [smem:$0x3FAD]  }
0x2b: {  	s6 =	sld [smem:$0x3FAE]  }
0x2c: {  	s7 =	sld [smem:$0x3FAF]  }
0x2d: {  	s3 =	simm.s32 $0x108;
	s8 =	sld [smem:$0x3FB0]  }
0x2e: {  	s3 =	simm.s32 @!p0 $0x1082;
	s9 =	sld [smem:$0x3FB1]  }
0x2f: {  	lr =	sadd.s32 s0, s3;
	s0 =	sld [smem:$0x3FA8]  }
0x30: {  	s3 =	sld [smem:$0x3FAB]  }
0x31: {  	[smem:$0x3FB4] =	sst s10  }
0x32: {  	s10 =	sld [smem:$0x3FB2];
	_ =	sdelay $0x3  }
0x33: {  	p0 =	seq.s32 s10, $0x1;
	s10 =	sld [smem:$0x3FB4];
	_ =	sdelay $0x3  }
0x34: {  	[smem:$0x3FB4] =	sst s10  }
0x35: {  	s10 =	sld [smem:$0x3FB3];
	_ =	sdelay $0x3  }
0x36: {  	p1 =	seq.s32 s10, $0x1;
	s10 =	sld [smem:$0x3FB4];
	_ =	sdelay $0x3  }
0x37: {  	[smem:$0x3FB4] =	sst s10  }
0x38: {  	s10 =	sld [smem:$0x3FB5]  }
0x39: {  	_ = 	snop;
	(pc) =	sbr.ind lr, $3  }
0x3a: {  	_ = 	snop  }
0x3b: {  	_ = 	snop  }
0x3c: {  	p2 =	seq.s32 s10, $0x1;
	s10 =	sld [smem:$0x3FB4]  }
0x3d: {  	_ =	shalt  }
0x3e: {  	_ =	shalt  }
0x3f: {  	_ =	shalt  }
0x40: {  	_ =	shalt  }
0x41: {  	_ =	shalt  }
0x42: {  	_ =	shalt  }
0x43: {  	_ =	shalt  }
0x44: {  	_ =	shalt  }
0x45: {  	_ =	shalt  }
0x46: {  	_ =	shalt  }
0x47: {  	_ =	shalt  }
0x48: {  	_ =	shalt  }
0x49: {  	_ =	shalt  }
0x4a: {  	_ =	shalt  }
0x4b: {  	_ =	shalt  }
0x4c: {  	_ =	shalt  }
0x4d: {  	_ =	shalt  }
0x4e: {  	_ =	shalt  }
0x4f: {  	_ =	shalt  }
0x50: {  	_ =	shalt  }
0x51: {  	_ =	shalt  }
0x52: {  	_ =	shalt  }
0x53: {  	_ =	shalt  }
0x54: {  	_ =	shalt  }
0x55: {  	_ =	shalt  }
0x56: {  	_ =	shalt  }
0x57: {  	_ =	shalt  }
0x58: {  	_ =	shalt  }
0x59: {  	_ =	shalt  }
0x5a: {  	_ =	shalt  }
0x5b: {  	_ =	shalt  }
0x5c: {  	_ =	shalt  }
0x5d: {  	_ =	shalt  }
0x5e: {  	_ =	shalt  }
0x5f: {  	_ =	shalt  }
0x60: {  	_ =	shalt  }
0x61: {  	_ =	shalt  }
0x62: {  	_ =	shalt  }
0x63: {  	_ =	shalt  }
0x64: {  	_ =	shalt  }
0x65: {  	_ =	shalt  }
0x66: {  	_ =	shalt  }
0x67: {  	_ =	shalt  }
0x68: {  	_ =	shalt  }
0x69: {  	_ =	shalt  }
0x6a: {  	_ =	shalt  }
0x6b: {  	_ =	shalt  }
0x6c: {  	_ =	shalt  }
0x6d: {  	_ =	shalt  }
0x6e: {  	_ =	shalt  }
0x6f: {  	_ =	shalt  }
0x70: {  	_ =	shalt  }
0x71: {  	_ =	shalt  }
0x72: {  	_ =	shalt  }
0x73: {  	_ =	shalt  }
0x74: {  	_ =	shalt  }
0x75: {  	_ =	shalt  }
0x76: {  	_ =	shalt  }
0x77: {  	_ =	shalt  }
0x78: {  	_ =	shalt  }
0x79: {  	_ =	shalt  }
0x7a: {  	_ =	shalt  }
0x7b: {  	_ =	shalt  }
0x7c: {  	_ =	shalt  }
0x7d: {  	_ =	shalt  }
0x7e: {  	_ =	shalt  }
0x7f: {  	_ =	shalt  }
0x80: {  	_ =	shalt  }
0x81: {  	_ =	shalt  }
0x82: {  	_ =	shalt  }
0x83: {  	_ =	shalt  }
0x84: {  	_ =	shalt  }
0x85: {  	_ =	shalt  }
0x86: {  	_ =	shalt  }
0x87: {  	_ =	shalt  }
.Lfunc_end0:
.L_simem_size_0:
called_computation_lowered:
.L_overlay_start_0:
0x88: {  	s2 =	sld [smem:$0x3FD9]  }
0x89: {  	s3 =	sld [smem:$0x3FFE];
	_ =	sdelay $0x1  }
0x8a: {  	s1 =	srdreg.scid  }
0x8b: {  	s0 =	sand.u32 $0x1, s1  }
0x8c: {  	s16 =	sshll.u32 s0, $0xA;
	s2 =	sadd.s32 s3, s2  }
0x8d: {  	s2 =	sadd.s32 s2, s16  }
0x8e: {  	[smem:$0x3FC0] =	sst s2  }
0x8f: {  	_ = 	snop  }
0x90: {  	(tm) =	ssettm $0x1  }
0x91: {  	s17 =	sld [smem:$0x3FFB];
	_ =	sdelay $0x3  }
0x92: {  	_ =	strace s17  }
0x93: {  	s2 =	sld [smem:$0x3FFC];
	_ =	sdelay $0x3  }
0x94: {  	_ =	strace s2  }
0x95: {  	s2 =	sld [smem:$0x3FFD];
	_ =	sdelay $0x3  }
0x96: {  	_ =	strace s2  }
0x97: {  	_ =	strace $0x8FFFFFFF  }
0x98: {  	s18 =	sld [smem:$0x3FDB];
	_ =	sdelay $0x1  }
0x99: {  	s19 =	simm.s32 $_scs_section_size  }
0x9a: {  	s4 =	simm.s32 $_size__tile_overlayer_lowered;
	s5 =	simm.s32 $_tile_overlayer_lowered  }
0x9b: {  	s22 =	simm.s32 $0x1BFF;
	s21 =	sshll.u32 s5, $0x1;
	s2 =	sadd.s32 s19, s18  }
0x9c: {  	s6 =	simm.s32 $0x0;
	s20 =	sshll.u32 s4, $0x1;
	s4 =	sadd.s32 s21, s2  }
0x9d: {  	[timem:s6], [sflag:s22] =	dma.local [hbm:s4], s20  }
0x9e: {  	_ =	swait.ge [sflag:s22], s20  }
0x9f: {  	s3 =	ssub.s32 $0x0, s20;
	[sflag:s22] =	ssyncset.done $0x0  }
0xa0: {  	[sflag:s22] =	ssyncadd.s32 s3;
	_ =	sdelay $0x1  }
0xa1: {  	s23 =	simm.s32 $0x1B8B  }
0xa2: {  	_ =	swait.ge [sflag:s23], $0x1  }
0xa3: {  	[sflag:s23] =	ssyncset.done $0x0  }
0xa4: {  	s25 =	simm.s32 $0x1B8E;
	s24 =	sld [smem:$0x3FFE];
	[sflag:s23] =	ssyncadd.s32 $0xFFFFFFFF  }
0xa5: {  	s26 =	simm.s32 $execute0_lowered;
	[smem:$0x3FD2] =	sst s25  }
0xa6: {  	s4 =	sshll.u32 s26, $0x1;
	_ =	strace $0x80000046;
	[dreg:$0x1] =	wrdreg $0xFFFFFFFF  }
0xa7: {  	s28 =	simm.s32 $_size_execute0_lowered;
	s2 =	sadd.s32 s2, s4;
	[dreg:$0x0] =	wrdreg $0x0  }
0xa8: {  	s4 =	sshll.u32 s28, $0x1;
	[dreg:$0x2] =	wrdreg s2  }
0xa9: {  	[dreg:$0x3] =	wrdreg s4  }
0xaa: {  	[dreg:$0x4] =	wrdreg $0xC0  }
0xab: {  	_ =	task [dreg:s6], $0x5FFFF  }
0xac: {  	[dreg:$0x1] =	wrdreg $0xFFFFFFFF  }
0xad: {  	[dreg:$0x0] =	wrdreg $0x60  }
0xae: {  	[dreg:$0x2] =	wrdreg s24  }
0xaf: {  	[dreg:$0x3] =	wrdreg $0xB0000  }
0xb0: {  	[dreg:$0x4] =	wrdreg $0x9  }
0xb1: {  	_ =	task.clear_ibuf [dreg:s6], $0x5FFFF;
	_ =	strace $0x90000046  }
0xb2: {  	s29 =	simm.s32 $0x9;
	_ =	strace $0x80000048  }
0xb3: {  	_ =	swait.ge [sflag:s29], $0x1  }
0xb4: {  	[sflag:s29] =	ssyncadd.s32 $0xFFFFFFFF  }
0xb5: {  	_ =	strace $0x90000048  }
0xb6: {  	_ =	sfence  }
0xb7: {  	s30 =	sld [smem:$0x0];
	_ =	sdelay $0x2  }
0xb8: {  	s31 =	sshll.u32 s1, $0xD;
	s1 =	sshrl.u32 s1, $0x2  }
0xb9: {  	s3 =	sand.u32 $0x4000, s31;
	s1 =	sadd.s32 s1, s30  }
0xba: {  	s0 =	sor.u32 s3, s0;
	s1 =	sshll.u32 s1, $0x11  }
0xbb: {  	s0 =	sor.u32 s1, s0  }
0xbc: {  	s0 =	sadd.s32 $0x8F2B, s0  }
0xbd: {  	[sflag:s0] =	ssyncadd.remote.s32 $0x1  }
0xbe: {  	_ =	sfence.sel $0xFFFF  }
0xbf: {  	[dreg:$0x0] =	wrdreg $0xFFFFFFFF;
	(pc) =	sbr.abs _section_cstart, $3  }
0xc0: {  	[dreg:$0x1] =	wrdreg $0xFFFFFFFF  }
0xc1: {  	_ =	task.clear_ibuf [dreg:s6], $0x2FFFF;
	_ =	strace $0x9FFFFFFF  }
0xc2: {  	(tm) =	ssettm $0x7FFFFFFF  }
0xc3: {  	_ =	shalt  }
tec
execute0_lowered:
.L_overlay_start_1:
0x0: {  	(tag) =	ssettag $0x1  }
0x1: {  	s0 =	rddreg [dreg:$0x0]  }
0x2: {  	s1 =	rddreg [dreg:$0x1];
	s2 =	simm.s32 $0x0;
	s3 =	srdreg.scid  }
0x3: {  	s13 =	simm.s32 $0x3;
	s17 =	simm.s32 $0x50;
	s18 =	simm.s32 $0x6000  }
0x4: {  	s19 =	simm.s32 $0x80;
	s20 =	simm.s32 $0x8800;
	s21 =	simm.s32 $0x1  }
0x5: {  	s22 =	simm.s32 $0x2;
	s28 =	simm.s32 $0x5D80;
	s29 =	simm.s32 $0x5E00  }
0x6: {  	s30 =	simm.s32 $0x0;
	[smem:$0x7FF] =	sst s2;
	s7 =	sand.u32 $0x1, s3  }
0x7: {  	s3 =	stileid.u32;
	s14 =	sadd.s32 $0x128400, s1;
	s6 =	smul.u32 $0x2710, s7  }
0x8: {  	s4 =	sadd.s32 $0x9400, s0;
	_ =	strace $0x80000047;
	s9 =	smul.u32 $0x4F000, s3  }
0x9: {  	s5 =	sshll.u32 s3, $0xB;
	s8 =	ssub.s32 $0x2, s7;
	s11 =	smul.u32 $0x278, s3  }
0xa: {  	s24 =	smul.u32 $0x138800, s7;
	s31 =	sshll.u32 s7, $0xF;
	p0 =	seq.s32 s3, $0xF  }
0xb: {  	s10 =	sadd.s32 s5, s0;
	s23 =	sshrl.u32 s8, $0x1;
	s0 =	sadd.s32 $0x67600, s0  }
0xc: {  	s14 =	sshrl.u32 @p0 s14, $0x3;
	s12 =	ssub.s32 s8, s23;
	s5 =	sadd.s32 $0x1400, s10  }
0xd: {  	s9 =	sshrl.u32 s9, $0x2;
	s6 =	sadd.s32 s11, s6;
	s8 =	sshrl.u32 s24, $0x3  }
0xe: {  	s23 =	simm.s32 $0x3F00;
	s24 =	simm.s32 $0x3F80;
	s16 =	sadd.s32 s9, s1  }
0xf: {  	s25 =	sshll.u32 s6, $0x4;
	s26 =	sadd.s32 $0x25080, s8;
	s8 =	sadd.s32 s31, s10  }
0x10: {  	s11 =	smax.u32 s12, $0x1;
	s12 =	simm.s32 $0x2000;
	s6 =	sadd.s32 s4, s25  }
0x11: {  	s7 =	sadd.s32 s4, s26;
	s8 =	sadd.s32 $0x57600, s8;
	s9 =	sadd.s32 s0, s25  }
0x12: {  	s10 =	sadd.s32 s0, s26;
	s0 =	sshll.u32 @!p0 s3, $0x6;
	s16 =	sshrl.u32 @!p0 s16, $0x3  }
0x13: {  	s25 =	simm.s32 $0x5D00;
	s26 =	simm.s32 $0x1E00;
	s15 =	sor.u32 @!p0 $0x1C03, s0  }
.LBB2_1:
0x14: {  	[tilespmem:s12], [sflag:$0x3] =	stream.linear.gather [hbm4b:s5+s2], $0x3E80, $0x38;
	[tilespmem:$0x1E880] =	vst v63  }
0x15: {  	_ =	swait.ge [sflag:s13], $0x3E80  }
0x16: {  	[sflag:s13] =	ssyncset.done $0x0  }
0x17: {  	s0 =	simm.s32 @p0 $0x1FC3;
	[sflag:s13] =	ssyncadd.s32 $0xFFFFC180  }
0x18: {  	[spmem:s14], [sflag:s0] =	dma.local @p0 [hbm:s7], $0x2080  }
0x19: {  	s0 =	simm.s32 @p0 $0x3  }
0x1a: {  	_ =	swait.ge @p0 [sflag:s0], $0x2080  }
0x1b: {  	[sflag:s0] =	ssyncset.done @p0 $0x0  }
0x1c: {  	[sflag:s0] =	ssyncadd.s32 @p0 $0xFFFFDF80;
	s0 =	simm.s32 @!p0 $0x3  }
0x1d: {  	[spmem:s16], [sflag:s15] =	dma.local @!p0 [hbm:s6], $0x2780  }
0x1e: {  	_ =	swait.ge @!p0 [sflag:s0], $0x2780  }
0x1f: {  	[sflag:s0] =	ssyncset.done @!p0 $0x0  }
0x20: {  	[sflag:s0] =	ssyncadd.s32 @!p0 $0xFFFFD880  }
0x21: {  	[bflag:$0x0] =	sbarrier.arrive $0xFFFF  }
0x22: {  	[tilespmem:s2], [sflag:$0x3] =	stream.linear.gather [hbm4b:s8+s2], $0x2000, $0x38;
	[tilespmem:$0x1E880] =	vst v63  }
0x23: {  	_ =	swait.ge [sflag:s13], $0x2000  }
0x24: {  	[sflag:s13] =	ssyncset.done $0x0  }
0x25: {  	[sflag:s13] =	ssyncadd.s32 $0xFFFFE000  }
0x26: {  	[tilespmem:s18], [sflag:$0x1] =	stream.indirect.gather [hbm4b:s4+s17], $0x80, s2, s17, $0xb8;
	[tilespmem:$0x1E880] =	vst v63  }
0x27: {  	_ = 	snop  }
0x28: {  	[tilespmem:s20], [sflag:$0x2] =	stream.indirect.gather [hbm4b:s4+s17], $0x80, s19, s17, $0xb8;
	[tilespmem:$0x1E880] =	vst v63  }
0x29: {  	_ =	swait.ge [sflag:s21], $0x2800  }
0x2a: {  	[sflag:s21] =	ssyncset.done $0x0  }
0x2b: {  	s3 =	simm.s32 $0x2000;
	[sflag:s21] =	ssyncadd.s32 $0xFFFFD800  }
0x2c: {  	[spmem:s1] =	stream.indirect.scatter.add.f32 [tilespmem:s18], [sflag:$0x3], $0x80, s3, s17, $0xb8;
	[tilespmem:$0x1E880] =	vst v63  }
0x2d: {  	_ =	swait.ge [sflag:s13], $0x2800  }
0x2e: {  	[sflag:s13] =	ssyncset.done $0x0  }
0x2f: {  	s3 =	simm.s32 $0x100;
	[sflag:s13] =	ssyncadd.s32 $0xFFFFD800  }
0x30: {  	[tilespmem:s18], [sflag:$0x1] =	stream.indirect.gather [hbm4b:s4+s17], $0x80, s3, s17, $0xb8;
	[tilespmem:$0x1E880] =	vst v63  }
0x31: {  	_ =	swait.ge [sflag:s22], $0x2800  }
0x32: {  	[sflag:s22] =	ssyncset.done $0x0  }
0x33: {  	s3 =	simm.s32 $0x2080;
	[sflag:s22] =	ssyncadd.s32 $0xFFFFD800  }
0x34: {  	[spmem:s1] =	stream.indirect.scatter.add.f32 [tilespmem:s20], [sflag:$0x3], $0x80, s3, s17, $0xb8;
	[tilespmem:$0x1E880] =	vst v63  }
0x35: {  	_ =	swait.ge [sflag:s13], $0x2800  }
0x36: {  	[sflag:s13] =	ssyncset.done $0x0  }
0x37: {  	s31 =	simm.s32 $0x400;
	s0 =	simm.s32 $0x180;
	[sflag:s13] =	ssyncadd.s32 $0xFFFFD800  }
.LBB2_2:
0x38: {  	[tilespmem:s20], [sflag:$0x2] =	stream.indirect.gather [hbm4b:s4+s17], $0x80, s0, s17, $0xb8;
	[tilespmem:$0x1E880] =	vst v63  }
0x39: {  	s0 =	smov.u32 s31  }
0x3a: {  	p1 =	sne.s32 s31, $0x7800;
	s31 =	sadd.s32 $0x400, s31;
	_ =	swait.ge [sflag:s21], $0x2800  }
0x3b: {  	s0 =	sshra.s32 s0, $0x2;
	[sflag:s21] =	ssyncset.done $0x0  }
0x3c: {  	s3 =	sadd.s32 $0x2000, s0;
	[sflag:s21] =	ssyncadd.s32 $0xFFFFD800  }
0x3d: {  	[spmem:s1] =	stream.indirect.scatter.add.f32 [tilespmem:s18], [sflag:$0x3], $0x80, s3, s17, $0xb8;
	[tilespmem:$0x1E880] =	vst v63  }
0x3e: {  	_ =	swait.ge [sflag:s13], $0x2800  }
0x3f: {  	[sflag:s13] =	ssyncset.done $0x0  }
0x40: {  	s3 =	sadd.s32 $0x100, s0;
	[sflag:s13] =	ssyncadd.s32 $0xFFFFD800  }
0x41: {  	[tilespmem:s18], [sflag:$0x1] =	stream.indirect.gather [hbm4b:s4+s17], $0x80, s3, s17, $0xb8;
	[tilespmem:$0x1E880] =	vst v63  }
0x42: {  	_ =	swait.ge [sflag:s22], $0x2800  }
0x43: {  	[sflag:s22] =	ssyncset.done $0x0  }
.Ltmp0:
0x44: {  	s3 =	sadd.s32 $0x2080, s0;
	[sflag:s22] =	ssyncadd.s32 $0xFFFFD800;
	(pc) =	sbr.rel @p1 .LBB2_2-.Ltmp0, $4  }
0x45: {  	[spmem:s1] =	stream.indirect.scatter.add.f32 [tilespmem:s20], [sflag:$0x3], $0x80, s3, s17, $0xb8;
	[tilespmem:$0x1E880] =	vst v63  }
0x46: {  	_ =	swait.ge [sflag:s13], $0x2800  }
0x47: {  	[sflag:s13] =	ssyncset.done $0x0  }
0x48: {  	s0 =	sadd.s32 $0x180, s0;
	[sflag:s13] =	ssyncadd.s32 $0xFFFFD800  }
0x49: {  	[tilespmem:s20], [sflag:$0x2] =	stream.indirect.gather [hbm4b:s4+s17], $0x80, s0, s17, $0xb8;
	[tilespmem:$0x1E880] =	vst v63  }
0x4a: {  	_ =	swait.ge [sflag:s21], $0x2800  }
0x4b: {  	[sflag:s21] =	ssyncset.done $0x0  }
0x4c: {  	[sflag:s21] =	ssyncadd.s32 $0xFFFFD800  }
0x4d: {  	[spmem:s1] =	stream.indirect.scatter.add.f32 [tilespmem:s18], [sflag:$0x3], $0x80, s23, s17, $0xb8;
	[tilespmem:$0x1E880] =	vst v63  }
0x4e: {  	_ =	swait.ge [sflag:s13], $0x2800  }
0x4f: {  	[sflag:s13] =	ssyncset.done $0x0  }
0x50: {  	[sflag:s13] =	ssyncadd.s32 $0xFFFFD800  }
0x51: {  	_ =	swait.ge [sflag:s22], $0x2800  }
0x52: {  	[sflag:s22] =	ssyncset.done $0x0  }
0x53: {  	[sflag:s22] =	ssyncadd.s32 $0xFFFFD800  }
0x54: {  	[spmem:s1] =	stream.indirect.scatter.add.f32 [tilespmem:s20], [sflag:$0x3], $0x80, s24, s17, $0xb8;
	[tilespmem:$0x1E880] =	vst v63  }
0x55: {  	_ =	swait.ge [sflag:s13], $0x2800  }
0x56: {  	[sflag:s13] =	ssyncset.done $0x0  }
0x57: {  	s3 =	sadd.s32 $0x400, s8;
	[sflag:s13] =	ssyncadd.s32 $0xFFFFD800  }
0x58: {  	[tilespmem:s2], [sflag:$0x3] =	stream.linear.gather [hbm4b:s3+s2], $0x1E80, $0x38;
	[tilespmem:$0x1E880] =	vst v63  }
0x59: {  	_ =	swait.ge [sflag:s13], $0x1E80  }
0x5a: {  	[sflag:s13] =	ssyncset.done $0x0  }
0x5b: {  	[sflag:s13] =	ssyncadd.s32 $0xFFFFE180  }
0x5c: {  	[tilespmem:s18], [sflag:$0x1] =	stream.indirect.gather [hbm4b:s4+s17], $0x80, s2, s17, $0xb8;
	[tilespmem:$0x1E880] =	vst v63  }
0x5d: {  	_ = 	snop  }
0x5e: {  	[tilespmem:s20], [sflag:$0x2] =	stream.indirect.gather [hbm4b:s4+s17], $0x80, s19, s17, $0xb8;
	[tilespmem:$0x1E880] =	vst v63  }
0x5f: {  	_ =	swait.ge [sflag:s21], $0x2800  }
0x60: {  	[sflag:s21] =	ssyncset.done $0x0  }
0x61: {  	s3 =	simm.s32 $0x4000;
	[sflag:s21] =	ssyncadd.s32 $0xFFFFD800  }
0x62: {  	[spmem:s1] =	stream.indirect.scatter.add.f32 [tilespmem:s18], [sflag:$0x3], $0x80, s3, s17, $0xb8;
	[tilespmem:$0x1E880] =	vst v63  }
0x63: {  	_ =	swait.ge [sflag:s13], $0x2800  }
0x64: {  	[sflag:s13] =	ssyncset.done $0x0  }
0x65: {  	s3 =	simm.s32 $0x100;
	[sflag:s13] =	ssyncadd.s32 $0xFFFFD800  }
0x66: {  	[tilespmem:s18], [sflag:$0x1] =	stream.indirect.gather [hbm4b:s4+s17], $0x80, s3, s17, $0xb8;
	[tilespmem:$0x1E880] =	vst v63  }
0x67: {  	_ =	swait.ge [sflag:s22], $0x2800  }
0x68: {  	[sflag:s22] =	ssyncset.done $0x0  }
0x69: {  	s3 =	simm.s32 $0x4080;
	[sflag:s22] =	ssyncadd.s32 $0xFFFFD800  }
0x6a: {  	[spmem:s1] =	stream.indirect.scatter.add.f32 [tilespmem:s20], [sflag:$0x3], $0x80, s3, s17, $0xb8;
	[tilespmem:$0x1E880] =	vst v63  }
0x6b: {  	_ =	swait.ge [sflag:s13], $0x2800  }
0x6c: {  	[sflag:s13] =	ssyncset.done $0x0  }
0x6d: {  	s31 =	simm.s32 $0xFFFF9000;
	s0 =	simm.s32 $0x180;
	[sflag:s13] =	ssyncadd.s32 $0xFFFFD800  }
.LBB2_4:
0x6e: {  	[tilespmem:s20], [sflag:$0x2] =	stream.indirect.gather [hbm4b:s4+s17], $0x80, s0, s17, $0xb8;
	[tilespmem:$0x1E880] =	vst v63  }
0x6f: {  	s0 =	smov.u32 s31  }
0x70: {  	p1 =	sne.s32 s31, $0xFFFFFC00;
	s31 =	sadd.s32 $0x400, s31;
	_ =	swait.ge [sflag:s21], $0x2800  }
0x71: {  	s0 =	sshra.s32 s0, $0x2;
	[sflag:s21] =	ssyncset.done $0x0  }
0x72: {  	s3 =	sadd.s32 $0x5D00, s0;
	[sflag:s21] =	ssyncadd.s32 $0xFFFFD800  }
0x73: {  	[spmem:s1] =	stream.indirect.scatter.add.f32 [tilespmem:s18], [sflag:$0x3], $0x80, s3, s17, $0xb8;
	[tilespmem:$0x1E880] =	vst v63  }
0x74: {  	_ =	swait.ge [sflag:s13], $0x2800  }
0x75: {  	[sflag:s13] =	ssyncset.done $0x0  }
0x76: {  	s3 =	sadd.s32 $0x1E00, s0;
	[sflag:s13] =	ssyncadd.s32 $0xFFFFD800  }
0x77: {  	[tilespmem:s18], [sflag:$0x1] =	stream.indirect.gather [hbm4b:s4+s17], $0x80, s3, s17, $0xb8;
	[tilespmem:$0x1E880] =	vst v63  }
0x78: {  	_ =	swait.ge [sflag:s22], $0x2800  }
0x79: {  	[sflag:s22] =	ssyncset.done $0x0  }
.Ltmp1:
0x7a: {  	s3 =	sadd.s32 $0x5D80, s0;
	[sflag:s22] =	ssyncadd.s32 $0xFFFFD800;
	(pc) =	sbr.rel @p1 .LBB2_4-.Ltmp1, $4  }
0x7b: {  	[spmem:s1] =	stream.indirect.scatter.add.f32 [tilespmem:s20], [sflag:$0x3], $0x80, s3, s17, $0xb8;
	[tilespmem:$0x1E880] =	vst v63  }
0x7c: {  	_ =	swait.ge [sflag:s13], $0x2800  }
0x7d: {  	[sflag:s13] =	ssyncset.done $0x0  }
0x7e: {  	s0 =	sadd.s32 $0x1E80, s0;
	[sflag:s13] =	ssyncadd.s32 $0xFFFFD800  }
0x7f: {  	[tilespmem:s20], [sflag:$0x2] =	stream.indirect.gather [hbm4b:s4+s17], $0x80, s0, s17, $0xb8;
	[tilespmem:$0x1E880] =	vst v63  }
0x80: {  	_ =	swait.ge [sflag:s21], $0x2800  }
0x81: {  	[sflag:s21] =	ssyncset.done $0x0  }
0x82: {  	[sflag:s21] =	ssyncadd.s32 $0xFFFFD800  }
0x83: {  	[spmem:s1] =	stream.indirect.scatter.add.f32 [tilespmem:s18], [sflag:$0x3], $0x80, s25, s17, $0xb8;
	[tilespmem:$0x1E880] =	vst v63  }
0x84: {  	_ =	swait.ge [sflag:s13], $0x2800  }
0x85: {  	[sflag:s13] =	ssyncset.done $0x0  }
0x86: {  	[sflag:s13] =	ssyncadd.s32 $0xFFFFD800  }
0x87: {  	[tilespmem:s18], [sflag:$0x1] =	stream.indirect.gather [hbm4b:s4+s17], $0x80, s26, s17, $0xb8;
	[tilespmem:$0x1E880] =	vst v63  }
0x88: {  	_ =	swait.ge [sflag:s22], $0x2800  }
0x89: {  	[sflag:s22] =	ssyncset.done $0x0  }
0x8a: {  	[sflag:s22] =	ssyncadd.s32 $0xFFFFD800  }
0x8b: {  	[spmem:s1] =	stream.indirect.scatter.add.f32 [tilespmem:s20], [sflag:$0x3], $0x80, s28, s17, $0xb8;
	[tilespmem:$0x1E880] =	vst v63  }
0x8c: {  	_ =	swait.ge [sflag:s13], $0x2800  }
0x8d: {  	[sflag:s13] =	ssyncset.done $0x0  }
0x8e: {  	[sflag:s13] =	ssyncadd.s32 $0xFFFFD800  }
0x8f: {  	_ =	swait.ge [sflag:s21], $0x2800  }
0x90: {  	[sflag:s21] =	ssyncset.done $0x0  }
0x91: {  	[sflag:s21] =	ssyncadd.s32 $0xFFFFD800  }
0x92: {  	[spmem:s1] =	stream.indirect.scatter.add.f32 [tilespmem:s18], [sflag:$0x3], $0x80, s29, s17, $0xb8;
	[tilespmem:$0x1E880] =	vst v63  }
0x93: {  	_ =	swait.ge [sflag:s13], $0x2800  }
0x94: {  	[sflag:s13] =	ssyncset.done $0x0  }
0x95: {  	[sflag:s13] =	ssyncadd.s32 $0xFFFFD800  }
0x96: {  	s0 =	simm.s32 @p0 $0x1FC3;
	[bflag:$0x0] =	sbarrier.arrive $0xFFFF  }
0x97: {  	[hbm:s10], [sflag:s0] =	dma.local @p0 [spmem:s14], $0x2080  }
0x98: {  	s0 =	simm.s32 @p0 $0x3  }
0x99: {  	s30 =	sadd.s32 $0x1, s30;
	_ =	swait.ge @p0 [sflag:s0], $0x2080  }
0x9a: {  	p1 =	sne.s32 s30, s11;
	[sflag:s0] =	ssyncset.done @p0 $0x0  }
.Ltmp2:
0x9b: {  	[sflag:s0] =	ssyncadd.s32 @p0 $0xFFFFDF80;
	s0 =	simm.s32 @!p0 $0x3;
	(pc) =	sbr.rel @p1 .LBB2_1-.Ltmp2, $4  }
0x9c: {  	[hbm:s9], [sflag:s15] =	dma.local @!p0 [spmem:s16], $0x2780  }
0x9d: {  	_ =	swait.ge @!p0 [sflag:s0], $0x2780  }
0x9e: {  	[sflag:s0] =	ssyncset.done @!p0 $0x0  }
0x9f: {  	[sflag:s0] =	ssyncadd.s32 @!p0 $0xFFFFD880  }
0xa0: {  	_ =	sfence.sel $0x180000  }
0xa1: {  	[bflag:$0x0] =	sbarrier.arrive $0xFFFF  }
0xa2: {  	_ =	strace $0x90000047  }
0xa3: {  	s0 =	stileid.u32;
	[bflag:$0x2] =	sbarrier.arrive $0xFFFF  }
0xa4: {  	p0 =	sne.s32 s0, $0x0;
	s0 =	rddreg [dreg:$0x2]  }
0xa5: {  	s0 =	sadd.s32 @!p0 $0x100000, s0  }
0xa6: {  	[sflag:s0] =	ssyncadd.tile.s32 @!p0 $0x1;
	_ =	shalt  }
.Lfunc_end2:
_tile_overlayer_lowered:
.L_overlay_start_2:
0xa7: {  	(tag) =	ssettag $0x2  }
0xa8: {  	s0 =	rddreg [dreg:$0x0];
	s2 =	stileid.u32  }
0xa9: {  	s1 =	rddreg [dreg:$0x1];
	p0 =	sne.s32 s2, $0x0  }
0xaa: {  	s3 =	rddreg [dreg:$0x2];
	[bflag:$0x3] =	sbarrier.arrive $0xFFFF;
	s2 =	simm.s32 @!p0 $0x1C03  }
0xab: {  	[timem:s3], [sflag:s2] =	dma.local @!p0 [hbm:s0], s1  }
0xac: {  	s0 =	simm.s32 @!p0 $0x3  }
0xad: {  	_ =	swait.ge @!p0 [sflag:s0], s1  }
0xae: {  	s1 =	ssub.s32 @!p0 $0x0, s1;
	[sflag:s0] =	ssyncset.done @!p0 $0x0  }
0xaf: {  	[sflag:s0] =	ssyncadd.s32 @!p0 s1  }
0xb0: {  	[bflag:$0x3] =	sbarrier.arrive $0xFFFF  }
0xb1: {  	_ =	shalt  }

// kernel: kernel.9.cloned.1.call-start
scs
__scs_entry_jumppad:
0x0: {  	(pc) =	sbr.rel $0x88, $3  }
0x1: {  	(tag) =	ssettag $0x0;
	lr =	simm.s32 $0x1  }
0x2: {  	[smem:$0x3F99] =	sst lr;
	_ =	strace $0xD0000000  }
0x3: {  	_ = 	snop  }
0x4: {  	_ = 	snop  }
0x5: {  	_ = 	snop  }
0x6: {  	_ = 	snop  }
0x7: {  	_ = 	snop  }
__scs_overlays_trampoline_lowered:
0x8: {  	[smem:$0x3FA8] =	sst s0  }
0x9: {  	[smem:$0x3FA9] =	sst s1  }
0xa: {  	[smem:$0x3FAA] =	sst s2  }
0xb: {  	[smem:$0x3FAB] =	sst s3  }
0xc: {  	[smem:$0x3FAC] =	sst s4  }
0xd: {  	[smem:$0x3FAD] =	sst s5  }
0xe: {  	[smem:$0x3FAE] =	sst s6  }
0xf: {  	[smem:$0x3FAF] =	sst s7  }
0x10: {  	[smem:$0x3FB0] =	sst s8  }
0x11: {  	[smem:$0x3FB1] =	sst s9;
	s0 =	simm.s32 @!p0 $0x0  }
0x12: {  	s1 =	sld [smem:$0x3F97];
	s0 =	simm.s32 @p0 $0x1  }
0x13: {  	[smem:$0x3FB2] =	sst s0;
	s0 =	simm.s32 @!p1 $0x0  }
0x14: {  	s2 =	sld [smem:$0x3F96];
	s0 =	simm.s32 @p1 $0x1  }
0x15: {  	[smem:$0x3FB3] =	sst s0;
	s0 =	simm.s32 @!p2 $0x0  }
0x16: {  	s3 =	sld [smem:$0x3FDB];
	s0 =	simm.s32 @p2 $0x1  }
0x17: {  	s4 =	simm.s32 $0x1BF5;
	[smem:$0x3FB5] =	sst s0  }
0x18: {  	s0 =	sld [smem:$0x3F98];
	_ =	swait.ge [sflag:s4], $0x0  }
0x19: {  	s7 =	sld [smem:$0x3F99]  }
0x1a: {  	s8 =	sadd.s32 $0xFFFFE003, lr  }
0x1b: {  	s9 =	sadd.s32 $0xFFFFFEF7, lr;
	s5 =	simm.s32 $0xFFFFFFFF;
	p2 =	slt.u32 s8, $0xFFFFF086  }
0x1c: {  	p1 =	slt.u32 s9, $0xF7A;
	s5 =	simm.s32 @!p2 $0x0  }
0x1d: {  	s5 =	simm.s32 @p1 $0x1;
	p0 =	seq.s32 s7, s2  }
0x1e: {  	s7 =	smul.u32 @!p0 $0xF7A, s2;
	p2 =	seq.s32 @!p0 s5, $0x0  }
0x1f: {  	s9 =	smul.u32 $0xF7A, s1;
	s8 =	simm.s32 @!p0 $0x1BF5;
	p2 =	por !p2, p0  }
0x20: {  	[sflag:s8] =	ssyncset.s32 @!p0 $0xFFFFF086;
	s6 =	sadd.s32 @!p0 s3, s7;
	s7 =	simm.s32 @!p0 $0x108  }
0x21: {  	s3 =	sadd.s32 s3, s9;
	s6 =	sadd.s32 @!p0 $0x88, s6;
	s7 =	simm.s32 @p2 $0x1082  }
0x22: {  	[simem:s7], [sflag:s8] =	dma.local @!p0 [hbm:s6], $0xF7A  }
0x23: {  	s9 =	sor.u32 $0xD0000000, s2;
	s6 =	simm.s32 $0x108;
	_ =	swait.ge @!p0 [sflag:s8], $0x0  }
0x24: {  	s3 =	sadd.s32 $0x88, s3;
	s6 =	simm.s32 @!p1 $0x1082;
	[sflag:s4] =	ssyncset.s32 $0xFFFFF086  }
0x25: {  	[simem:s6], [sflag:s4] =	dma.local [hbm:s3], $0xF7A  }
0x26: {  	[smem:$0x3F99] =	sst s1;
	(tag) =	ssettag s2;
	_ =	strace s9  }
0x27: {  	s1 =	sld [smem:$0x3FA9]  }
0x28: {  	s2 =	sld [smem:$0x3FAA]  }
0x29: {  	s4 =	sld [smem:$0x3FAC]  }
0x2a: {  	p0 =	seq.s32 s5, $0x0;
	s5 =	sld [smem:$0x3FAD]  }
0x2b: {  	s6 =	sld [smem:$0x3FAE]  }
0x2c: {  	s7 =	sld [smem:$0x3FAF]  }
0x2d: {  	s3 =	simm.s32 $0x108;
	s8 =	sld [smem:$0x3FB0]  }
0x2e: {  	s3 =	simm.s32 @!p0 $0x1082;
	s9 =	sld [smem:$0x3FB1]  }
0x2f: {  	lr =	sadd.s32 s0, s3;
	s0 =	sld [smem:$0x3FA8]  }
0x30: {  	s3 =	sld [smem:$0x3FAB]  }
0x31: {  	[smem:$0x3FB4] =	sst s10  }
0x32: {  	s10 =	sld [smem:$0x3FB2];
	_ =	sdelay $0x3  }
0x33: {  	p0 =	seq.s32 s10, $0x1;
	s10 =	sld [smem:$0x3FB4];
	_ =	sdelay $0x3  }
0x34: {  	[smem:$0x3FB4] =	sst s10  }
0x35: {  	s10 =	sld [smem:$0x3FB3];
	_ =	sdelay $0x3  }
0x36: {  	p1 =	seq.s32 s10, $0x1;
	s10 =	sld [smem:$0x3FB4];
	_ =	sdelay $0x3  }
0x37: {  	[smem:$0x3FB4] =	sst s10  }
0x38: {  	s10 =	sld [smem:$0x3FB5]  }
0x39: {  	_ = 	snop;
	(pc) =	sbr.ind lr, $3  }
0x3a: {  	_ = 	snop  }
0x3b: {  	_ = 	snop  }
0x3c: {  	p2 =	seq.s32 s10, $0x1;
	s10 =	sld [smem:$0x3FB4]  }
0x3d: {  	_ =	shalt  }
0x3e: {  	_ =	shalt  }
0x3f: {  	_ =	shalt  }
0x40: {  	_ =	shalt  }
0x41: {  	_ =	shalt  }
0x42: {  	_ =	shalt  }
0x43: {  	_ =	shalt  }
0x44: {  	_ =	shalt  }
0x45: {  	_ =	shalt  }
0x46: {  	_ =	shalt  }
0x47: {  	_ =	shalt  }
0x48: {  	_ =	shalt  }
0x49: {  	_ =	shalt  }
0x4a: {  	_ =	shalt  }
0x4b: {  	_ =	shalt  }
0x4c: {  	_ =	shalt  }
0x4d: {  	_ =	shalt  }
0x4e: {  	_ =	shalt  }
0x4f: {  	_ =	shalt  }
0x50: {  	_ =	shalt  }
0x51: {  	_ =	shalt  }
0x52: {  	_ =	shalt  }
0x53: {  	_ =	shalt  }
0x54: {  	_ =	shalt  }
0x55: {  	_ =	shalt  }
0x56: {  	_ =	shalt  }
0x57: {  	_ =	shalt  }
0x58: {  	_ =	shalt  }
0x59: {  	_ =	shalt  }
0x5a: {  	_ =	shalt  }
0x5b: {  	_ =	shalt  }
0x5c: {  	_ =	shalt  }
0x5d: {  	_ =	shalt  }
0x5e: {  	_ =	shalt  }
0x5f: {  	_ =	shalt  }
0x60: {  	_ =	shalt  }
0x61: {  	_ =	shalt  }
0x62: {  	_ =	shalt  }
0x63: {  	_ =	shalt  }
0x64: {  	_ =	shalt  }
0x65: {  	_ =	shalt  }
0x66: {  	_ =	shalt  }
0x67: {  	_ =	shalt  }
0x68: {  	_ =	shalt  }
0x69: {  	_ =	shalt  }
0x6a: {  	_ =	shalt  }
0x6b: {  	_ =	shalt  }
0x6c: {  	_ =	shalt  }
0x6d: {  	_ =	shalt  }
0x6e: {  	_ =	shalt  }
0x6f: {  	_ =	shalt  }
0x70: {  	_ =	shalt  }
0x71: {  	_ =	shalt  }
0x72: {  	_ =	shalt  }
0x73: {  	_ =	shalt  }
0x74: {  	_ =	shalt  }
0x75: {  	_ =	shalt  }
0x76: {  	_ =	shalt  }
0x77: {  	_ =	shalt  }
0x78: {  	_ =	shalt  }
0x79: {  	_ =	shalt  }
0x7a: {  	_ =	shalt  }
0x7b: {  	_ =	shalt  }
0x7c: {  	_ =	shalt  }
0x7d: {  	_ =	shalt  }
0x7e: {  	_ =	shalt  }
0x7f: {  	_ =	shalt  }
0x80: {  	_ =	shalt  }
0x81: {  	_ =	shalt  }
0x82: {  	_ =	shalt  }
0x83: {  	_ =	shalt  }
0x84: {  	_ =	shalt  }
0x85: {  	_ =	shalt  }
0x86: {  	_ =	shalt  }
0x87: {  	_ =	shalt  }
.Lfunc_end0:
.L_simem_size_0:
called_computation.1_lowered:
.L_overlay_start_0:
0x88: {  	s2 =	sld [smem:$0x3FD9]  }
0x89: {  	s3 =	sld [smem:$0x3FFE];
	_ =	sdelay $0x1  }
0x8a: {  	s1 =	srdreg.scid  }
0x8b: {  	s0 =	sand.u32 $0x1, s1  }
0x8c: {  	s16 =	sshll.u32 s0, $0xA;
	s2 =	sadd.s32 s3, s2  }
0x8d: {  	s2 =	sadd.s32 s2, s16  }
0x8e: {  	[smem:$0x3FC0] =	sst s2  }
0x8f: {  	_ = 	snop  }
0x90: {  	(tm) =	ssettm $0x1  }
0x91: {  	s17 =	sld [smem:$0x3FFB];
	_ =	sdelay $0x3  }
0x92: {  	_ =	strace s17  }
0x93: {  	s2 =	sld [smem:$0x3FFC];
	_ =	sdelay $0x3  }
0x94: {  	_ =	strace s2  }
0x95: {  	s2 =	sld [smem:$0x3FFD];
	_ =	sdelay $0x3  }
0x96: {  	_ =	strace s2  }
0x97: {  	_ =	strace $0x8FFFFFFF  }
0x98: {  	s18 =	sld [smem:$0x3FDB];
	_ =	sdelay $0x1  }
0x99: {  	s19 =	simm.s32 $_scs_section_size  }
0x9a: {  	s4 =	simm.s32 $_size__tile_overlayer_lowered;
	s5 =	simm.s32 $_tile_overlayer_lowered  }
0x9b: {  	s22 =	simm.s32 $0x1BFF;
	s21 =	sshll.u32 s5, $0x1;
	s2 =	sadd.s32 s19, s18  }
0x9c: {  	s6 =	simm.s32 $0x0;
	s20 =	sshll.u32 s4, $0x1;
	s4 =	sadd.s32 s21, s2  }
0x9d: {  	[timem:s6], [sflag:s22] =	dma.local [hbm:s4], s20  }
0x9e: {  	_ =	swait.ge [sflag:s22], s20  }
0x9f: {  	s3 =	ssub.s32 $0x0, s20;
	[sflag:s22] =	ssyncset.done $0x0  }
0xa0: {  	[sflag:s22] =	ssyncadd.s32 s3;
	_ =	sdelay $0x1  }
0xa1: {  	s23 =	simm.s32 $0x1B8B  }
0xa2: {  	_ =	swait.ge [sflag:s23], $0x1  }
0xa3: {  	[sflag:s23] =	ssyncset.done $0x0  }
0xa4: {  	s25 =	simm.s32 $0x1B8E;
	s24 =	sld [smem:$0x3FFE];
	[sflag:s23] =	ssyncadd.s32 $0xFFFFFFFF  }
0xa5: {  	s26 =	simm.s32 $execute0_lowered;
	[smem:$0x3FD2] =	sst s25  }
0xa6: {  	s4 =	sshll.u32 s26, $0x1;
	_ =	strace $0x80000049;
	[dreg:$0x1] =	wrdreg $0xFFFFFFFF  }
0xa7: {  	s28 =	simm.s32 $_size_execute0_lowered;
	s2 =	sadd.s32 s2, s4;
	[dreg:$0x0] =	wrdreg $0x0  }
0xa8: {  	s4 =	sshll.u32 s28, $0x1;
	[dreg:$0x2] =	wrdreg s2  }
0xa9: {  	[dreg:$0x3] =	wrdreg s4  }
0xaa: {  	[dreg:$0x4] =	wrdreg $0xC0  }
0xab: {  	_ =	task [dreg:s6], $0x5FFFF  }
0xac: {  	[dreg:$0x1] =	wrdreg $0xFFFFFFFF  }
0xad: {  	[dreg:$0x0] =	wrdreg $0x60  }
0xae: {  	[dreg:$0x2] =	wrdreg s24  }
0xaf: {  	[dreg:$0x3] =	wrdreg $0xB0000  }
0xb0: {  	[dreg:$0x4] =	wrdreg $0x9  }
0xb1: {  	_ =	task.clear_ibuf [dreg:s6], $0x5FFFF;
	_ =	strace $0x90000049  }
0xb2: {  	s29 =	simm.s32 $0x9;
	_ =	strace $0x8000004B  }
0xb3: {  	_ =	swait.ge [sflag:s29], $0x1  }
0xb4: {  	[sflag:s29] =	ssyncadd.s32 $0xFFFFFFFF  }
0xb5: {  	_ =	strace $0x9000004B  }
0xb6: {  	_ =	sfence  }
0xb7: {  	s30 =	sld [smem:$0x0];
	_ =	sdelay $0x2  }
0xb8: {  	s31 =	sshll.u32 s1, $0xD;
	s1 =	sshrl.u32 s1, $0x2  }
0xb9: {  	s3 =	sand.u32 $0x4000, s31;
	s1 =	sadd.s32 s1, s30  }
0xba: {  	s0 =	sor.u32 s3, s0;
	s1 =	sshll.u32 s1, $0x11  }
0xbb: {  	s0 =	sor.u32 s1, s0  }
0xbc: {  	s0 =	sadd.s32 $0x8F2B, s0  }
0xbd: {  	[sflag:s0] =	ssyncadd.remote.s32 $0x1  }
0xbe: {  	_ =	sfence.sel $0xFFFF  }
0xbf: {  	[dreg:$0x0] =	wrdreg $0xFFFFFFFF;
	(pc) =	sbr.abs _section_cstart, $3  }
0xc0: {  	[dreg:$0x1] =	wrdreg $0xFFFFFFFF  }
0xc1: {  	_ =	task.clear_ibuf [dreg:s6], $0x2FFFF;
	_ =	strace $0x9FFFFFFF  }
0xc2: {  	(tm) =	ssettm $0x7FFFFFFF  }
0xc3: {  	_ =	shalt  }
tec
execute0_lowered:
.L_overlay_start_1:
0x0: {  	(tag) =	ssettag $0x1  }
0x1: {  	s0 =	rddreg [dreg:$0x0]  }
0x2: {  	s1 =	rddreg [dreg:$0x1]  }
0x3: {  	s2 =	simm.s32 $0x0;
	s3 =	srdreg.scid;
	s19 =	stileid.u32  }
0x4: {  	s28 =	simm.s32 $0x3F00;
	s29 =	simm.s32 $0x3F80;
	s30 =	simm.s32 $0x5D00  }
0x5: {  	s31 =	simm.s32 $0x1E00;
	[smem:$0x7FF] =	sst s2;
	s4 =	sadd.s32 $0x9400, s0  }
0x6: {  	s3 =	sand.u32 $0x1, s3;
	s5 =	sadd.s32 $0xB5800, s0;
	s9 =	smul.u32 $0x278, s19  }
0x7: {  	s6 =	sshll.u32 s19, $0xB;
	s11 =	smul.u32 $0x4F000, s19;
	s13 =	sshll.u32 s19, $0xE  }
0x8: {  	s12 =	sadd.s32 $0x128400, s1;
	p0 =	seq.s32 s19, $0xF;
	s19 =	simm.s32 $0x5E00  }
0x9: {  	_ =	strace $0x8000004A;
	s7 =	smul.u32 $0x4E20, s3;
	s6 =	sadd.s32 s6, s0  }
0xa: {  	s8 =	ssub.s32 $0x2, s3;
	s0 =	sadd.s32 $0xD5800, s0;
	s16 =	smul.u32 $0x271000, s3  }
0xb: {  	s21 =	sshll.u32 s3, $0x13;
	s3 =	sshllo.u32 s3, $0x1;
	[dreg:$0x6] =	wrdreg s12  }
0xc: {  	s10 =	sshrl.u32 s8, $0x1;
	s6 =	sadd.s32 $0x1400, s6;
	s22 =	smul.u32 $0x2710, s3  }
0xd: {  	s17 =	sshrl.u32 s11, $0x2;
	s14 =	smul.u32 $0x138800, s3;
	s3 =	sshll.u32 s3, $0x12  }
0xe: {  	s8 =	ssub.s32 s8, s10;
	s7 =	sadd.s32 s9, s7;
	[dreg:$0x3] =	wrdreg s6  }
0xf: {  	s6 =	sadd.s32 s17, s1;
	s20 =	sshrl.u32 s16, $0x3;
	s10 =	sor.u32 s13, s21  }
0x10: {  	s3 =	sor.u32 s13, s3;
	s21 =	simm.s32 $0x50;
	s7 =	sshll.u32 s7, $0x4  }
0x11: {  	[dreg:$0x4] =	wrdreg s6;
	s6 =	sadd.s32 $0x25080, s20;
	s10 =	sshrl.u32 s10, $0x3  }
0x12: {  	s9 =	sadd.s32 s9, s22;
	s25 =	sshrl.u32 s14, $0x3;
	s3 =	sshrl.u32 s3, $0x3  }
0x13: {  	s15 =	smax.u32 s8, $0x1;
	s20 =	simm.s32 $0x3;
	s22 =	simm.s32 $0x6000  }
0x14: {  	s18 =	sadd.s32 s4, s7;
	s23 =	sadd.s32 s4, s6;
	s10 =	sadd.s32 s5, s10  }
0x15: {  	s7 =	sadd.s32 s0, s7;
	s24 =	sshll.u32 s9, $0x4;
	s13 =	sadd.s32 s0, s6  }
0x16: {  	s26 =	sadd.s32 $0x25080, s25;
	s16 =	sadd.s32 s5, s3;
	[dreg:$0x5] =	wrdreg s18  }
0x17: {  	s25 =	simm.s32 $0x1;
	s3 =	simm.s32 $0x0;
	[dreg:$0x7] =	wrdreg s23  }
0x18: {  	[dreg:$0x8] =	wrdreg s7;
	s12 =	sadd.s32 s4, s24;
	s14 =	sadd.s32 s4, s26  }
0x19: {  	s17 =	sadd.s32 s0, s24;
	s18 =	sadd.s32 s0, s26;
	s23 =	simm.s32 $0x80  }
0x1a: {  	s24 =	simm.s32 $0x8800;
	s26 =	simm.s32 $0x2;
	s0 =	simm.s32 $0x5D80  }
.LBB2_1:
0x1b: {  	s5 =	rddreg [dreg:$0x3];
	s6 =	simm.s32 $0x2000  }
0x1c: {  	[tilespmem:s6], [sflag:$0x3] =	stream.linear.gather [hbm4b:s5+s2], $0x3E80, $0x38;
	[tilespmem:$0x1E880] =	vst v63  }
0x1d: {  	_ =	swait.ge [sflag:s20], $0x3E80  }
0x1e: {  	s6 =	simm.s32 @p0 $0x1FC3;
	[sflag:s20] =	ssyncset.done $0x0;
	s5 =	rddreg [dreg:$0x6]  }
0x1f: {  	s7 =	rddreg [dreg:$0x7];
	[sflag:s20] =	ssyncadd.s32 $0xFFFFC180;
	s5 =	sshrl.u32 @p0 s5, $0x3  }
0x20: {  	[spmem:s5], [sflag:s6] =	dma.local @p0 [hbm:s7], $0x2080  }
0x21: {  	s6 =	simm.s32 @p0 $0x3  }
0x22: {  	s7 =	stileid.u32;
	_ =	swait.ge @p0 [sflag:s6], $0x2080  }
0x23: {  	s7 =	sshll.u32 @!p0 s7, $0x6;
	[sflag:s6] =	ssyncset.done @p0 $0x0  }
0x24: {  	[sflag:s6] =	ssyncadd.s32 @p0 $0xFFFFDF80;
	s6 =	sor.u32 @!p0 $0x1C03, s7;
	s7 =	rddreg [dreg:$0x4]  }
0x25: {  	s8 =	rddreg [dreg:$0x5];
	s7 =	sshrl.u32 @!p0 s7, $0x3  }
0x26: {  	[spmem:s7], [sflag:s6] =	dma.local @!p0 [hbm:s8], $0x2780  }
0x27: {  	s8 =	simm.s32 @!p0 $0x3  }
0x28: {  	_ =	swait.ge @!p0 [sflag:s8], $0x2780  }
0x29: {  	[sflag:s8] =	ssyncset.done @!p0 $0x0  }
0x2a: {  	[sflag:s8] =	ssyncadd.s32 @!p0 $0xFFFFD880  }
0x2b: {  	[bflag:$0x0] =	sbarrier.arrive $0xFFFF  }
0x2c: {  	[tilespmem:s2], [sflag:$0x3] =	stream.linear.gather [hbm4b:s10+s2], $0x2000, $0x38;
	[tilespmem:$0x1E880] =	vst v63  }
0x2d: {  	_ =	swait.ge [sflag:s20], $0x2000  }
0x2e: {  	[sflag:s20] =	ssyncset.done $0x0  }
0x2f: {  	[sflag:s20] =	ssyncadd.s32 $0xFFFFE000  }
0x30: {  	[tilespmem:s22], [sflag:$0x1] =	stream.indirect.gather [hbm4b:s4+s21], $0x80, s2, s21, $0xb8;
	[tilespmem:$0x1E880] =	vst v63  }
0x31: {  	_ = 	snop  }
0x32: {  	[tilespmem:s24], [sflag:$0x2] =	stream.indirect.gather [hbm4b:s4+s21], $0x80, s23, s21, $0xb8;
	[tilespmem:$0x1E880] =	vst v63  }
0x33: {  	_ =	swait.ge [sflag:s25], $0x2800  }
0x34: {  	[sflag:s25] =	ssyncset.done $0x0  }
0x35: {  	s11 =	simm.s32 $0x2000;
	[sflag:s25] =	ssyncadd.s32 $0xFFFFD800  }
0x36: {  	[spmem:s1] =	stream.indirect.scatter.add.f32 [tilespmem:s22], [sflag:$0x3], $0x80, s11, s21, $0xb8;
	[tilespmem:$0x1E880] =	vst v63  }
0x37: {  	_ =	swait.ge [sflag:s20], $0x2800  }
0x38: {  	[sflag:s20] =	ssyncset.done $0x0  }
0x39: {  	s9 =	simm.s32 $0x100;
	[sflag:s20] =	ssyncadd.s32 $0xFFFFD800  }
0x3a: {  	[tilespmem:s22], [sflag:$0x1] =	stream.indirect.gather [hbm4b:s4+s21], $0x80, s9, s21, $0xb8;
	[tilespmem:$0x1E880] =	vst v63  }
0x3b: {  	_ =	swait.ge [sflag:s26], $0x2800  }
0x3c: {  	[sflag:s26] =	ssyncset.done $0x0  }
0x3d: {  	s11 =	simm.s32 $0x2080;
	[sflag:s26] =	ssyncadd.s32 $0xFFFFD800  }
0x3e: {  	[spmem:s1] =	stream.indirect.scatter.add.f32 [tilespmem:s24], [sflag:$0x3], $0x80, s11, s21, $0xb8;
	[tilespmem:$0x1E880] =	vst v63  }
0x3f: {  	_ =	swait.ge [sflag:s20], $0x2800  }
0x40: {  	[sflag:s20] =	ssyncset.done $0x0  }
0x41: {  	s8 =	simm.s32 $0x400;
	s9 =	simm.s32 $0x180;
	[sflag:s20] =	ssyncadd.s32 $0xFFFFD800  }
.LBB2_2:
0x42: {  	[tilespmem:s24], [sflag:$0x2] =	stream.indirect.gather [hbm4b:s4+s21], $0x80, s9, s21, $0xb8;
	[tilespmem:$0x1E880] =	vst v63  }
0x43: {  	s9 =	smov.u32 s8  }
0x44: {  	p1 =	sne.s32 s8, $0x7800;
	s8 =	sadd.s32 $0x400, s8;
	_ =	swait.ge [sflag:s25], $0x2800  }
0x45: {  	s9 =	sshra.s32 s9, $0x2;
	[sflag:s25] =	ssyncset.done $0x0  }
0x46: {  	s11 =	sadd.s32 $0x2000, s9;
	[sflag:s25] =	ssyncadd.s32 $0xFFFFD800  }
0x47: {  	[spmem:s1] =	stream.indirect.scatter.add.f32 [tilespmem:s22], [sflag:$0x3], $0x80, s11, s21, $0xb8;
	[tilespmem:$0x1E880] =	vst v63  }
0x48: {  	_ =	swait.ge [sflag:s20], $0x2800  }
0x49: {  	[sflag:s20] =	ssyncset.done $0x0  }
0x4a: {  	s11 =	sadd.s32 $0x100, s9;
	[sflag:s20] =	ssyncadd.s32 $0xFFFFD800  }
0x4b: {  	[tilespmem:s22], [sflag:$0x1] =	stream.indirect.gather [hbm4b:s4+s21], $0x80, s11, s21, $0xb8;
	[tilespmem:$0x1E880] =	vst v63  }
0x4c: {  	_ =	swait.ge [sflag:s26], $0x2800  }
0x4d: {  	[sflag:s26] =	ssyncset.done $0x0  }
.Ltmp0:
0x4e: {  	s11 =	sadd.s32 $0x2080, s9;
	[sflag:s26] =	ssyncadd.s32 $0xFFFFD800;
	(pc) =	sbr.rel @p1 .LBB2_2-.Ltmp0, $4  }
0x4f: {  	[spmem:s1] =	stream.indirect.scatter.add.f32 [tilespmem:s24], [sflag:$0x3], $0x80, s11, s21, $0xb8;
	[tilespmem:$0x1E880] =	vst v63  }
0x50: {  	_ =	swait.ge [sflag:s20], $0x2800  }
0x51: {  	[sflag:s20] =	ssyncset.done $0x0  }
0x52: {  	s9 =	sadd.s32 $0x180, s9;
	[sflag:s20] =	ssyncadd.s32 $0xFFFFD800  }
0x53: {  	[tilespmem:s24], [sflag:$0x2] =	stream.indirect.gather [hbm4b:s4+s21], $0x80, s9, s21, $0xb8;
	[tilespmem:$0x1E880] =	vst v63  }
0x54: {  	_ =	swait.ge [sflag:s25], $0x2800  }
0x55: {  	[sflag:s25] =	ssyncset.done $0x0  }
0x56: {  	[sflag:s25] =	ssyncadd.s32 $0xFFFFD800  }
0x57: {  	[spmem:s1] =	stream.indirect.scatter.add.f32 [tilespmem:s22], [sflag:$0x3], $0x80, s28, s21, $0xb8;
	[tilespmem:$0x1E880] =	vst v63  }
0x58: {  	_ =	swait.ge [sflag:s20], $0x2800  }
0x59: {  	[sflag:s20] =	ssyncset.done $0x0  }
0x5a: {  	[sflag:s20] =	ssyncadd.s32 $0xFFFFD800  }
0x5b: {  	_ =	swait.ge [sflag:s26], $0x2800  }
0x5c: {  	[sflag:s26] =	ssyncset.done $0x0  }
0x5d: {  	[sflag:s26] =	ssyncadd.s32 $0xFFFFD800  }
0x5e: {  	[spmem:s1] =	stream.indirect.scatter.add.f32 [tilespmem:s24], [sflag:$0x3], $0x80, s29, s21, $0xb8;
	[tilespmem:$0x1E880] =	vst v63  }
0x5f: {  	_ =	swait.ge [sflag:s20], $0x2800  }
0x60: {  	[sflag:s20] =	ssyncset.done $0x0  }
0x61: {  	s8 =	sadd.s32 $0x400, s10;
	[sflag:s20] =	ssyncadd.s32 $0xFFFFD800  }
0x62: {  	[tilespmem:s2], [sflag:$0x3] =	stream.linear.gather [hbm4b:s8+s2], $0x1E80, $0x38;
	[tilespmem:$0x1E880] =	vst v63  }
0x63: {  	_ =	swait.ge [sflag:s20], $0x1E80  }
0x64: {  	[sflag:s20] =	ssyncset.done $0x0  }
0x65: {  	[sflag:s20] =	ssyncadd.s32 $0xFFFFE180  }
0x66: {  	[tilespmem:s22], [sflag:$0x1] =	stream.indirect.gather [hbm4b:s4+s21], $0x80, s2, s21, $0xb8;
	[tilespmem:$0x1E880] =	vst v63  }
0x67: {  	_ = 	snop  }
0x68: {  	[tilespmem:s24], [sflag:$0x2] =	stream.indirect.gather [hbm4b:s4+s21], $0x80, s23, s21, $0xb8;
	[tilespmem:$0x1E880] =	vst v63  }
0x69: {  	_ =	swait.ge [sflag:s25], $0x2800  }
0x6a: {  	[sflag:s25] =	ssyncset.done $0x0  }
0x6b: {  	s11 =	simm.s32 $0x4000;
	[sflag:s25] =	ssyncadd.s32 $0xFFFFD800  }
0x6c: {  	[spmem:s1] =	stream.indirect.scatter.add.f32 [tilespmem:s22], [sflag:$0x3], $0x80, s11, s21, $0xb8;
	[tilespmem:$0x1E880] =	vst v63  }
0x6d: {  	_ =	swait.ge [sflag:s20], $0x2800  }
0x6e: {  	[sflag:s20] =	ssyncset.done $0x0  }
0x6f: {  	s9 =	simm.s32 $0x100;
	[sflag:s20] =	ssyncadd.s32 $0xFFFFD800  }
0x70: {  	[tilespmem:s22], [sflag:$0x1] =	stream.indirect.gather [hbm4b:s4+s21], $0x80, s9, s21, $0xb8;
	[tilespmem:$0x1E880] =	vst v63  }
0x71: {  	_ =	swait.ge [sflag:s26], $0x2800  }
0x72: {  	[sflag:s26] =	ssyncset.done $0x0  }
0x73: {  	s11 =	simm.s32 $0x4080;
	[sflag:s26] =	ssyncadd.s32 $0xFFFFD800  }
0x74: {  	[spmem:s1] =	stream.indirect.scatter.add.f32 [tilespmem:s24], [sflag:$0x3], $0x80, s11, s21, $0xb8;
	[tilespmem:$0x1E880] =	vst v63  }
0x75: {  	_ =	swait.ge [sflag:s20], $0x2800  }
0x76: {  	[sflag:s20] =	ssyncset.done $0x0  }
0x77: {  	s8 =	simm.s32 $0xFFFF9000;
	s9 =	simm.s32 $0x180;
	[sflag:s20] =	ssyncadd.s32 $0xFFFFD800  }
.LBB2_4:
0x78: {  	[tilespmem:s24], [sflag:$0x2] =	stream.indirect.gather [hbm4b:s4+s21], $0x80, s9, s21, $0xb8;
	[tilespmem:$0x1E880] =	vst v63  }
0x79: {  	s9 =	smov.u32 s8  }
0x7a: {  	p1 =	sne.s32 s8, $0xFFFFFC00;
	s8 =	sadd.s32 $0x400, s8;
	_ =	swait.ge [sflag:s25], $0x2800  }
0x7b: {  	s9 =	sshra.s32 s9, $0x2;
	[sflag:s25] =	ssyncset.done $0x0  }
0x7c: {  	s11 =	sadd.s32 $0x5D00, s9;
	[sflag:s25] =	ssyncadd.s32 $0xFFFFD800  }
0x7d: {  	[spmem:s1] =	stream.indirect.scatter.add.f32 [tilespmem:s22], [sflag:$0x3], $0x80, s11, s21, $0xb8;
	[tilespmem:$0x1E880] =	vst v63  }
0x7e: {  	_ =	swait.ge [sflag:s20], $0x2800  }
0x7f: {  	[sflag:s20] =	ssyncset.done $0x0  }
0x80: {  	s11 =	sadd.s32 $0x1E00, s9;
	[sflag:s20] =	ssyncadd.s32 $0xFFFFD800  }
0x81: {  	[tilespmem:s22], [sflag:$0x1] =	stream.indirect.gather [hbm4b:s4+s21], $0x80, s11, s21, $0xb8;
	[tilespmem:$0x1E880] =	vst v63  }
0x82: {  	_ =	swait.ge [sflag:s26], $0x2800  }
0x83: {  	[sflag:s26] =	ssyncset.done $0x0  }
.Ltmp1:
0x84: {  	s11 =	sadd.s32 $0x5D80, s9;
	[sflag:s26] =	ssyncadd.s32 $0xFFFFD800;
	(pc) =	sbr.rel @p1 .LBB2_4-.Ltmp1, $4  }
0x85: {  	[spmem:s1] =	stream.indirect.scatter.add.f32 [tilespmem:s24], [sflag:$0x3], $0x80, s11, s21, $0xb8;
	[tilespmem:$0x1E880] =	vst v63  }
0x86: {  	_ =	swait.ge [sflag:s20], $0x2800  }
0x87: {  	[sflag:s20] =	ssyncset.done $0x0  }
0x88: {  	s9 =	sadd.s32 $0x1E80, s9;
	[sflag:s20] =	ssyncadd.s32 $0xFFFFD800  }
0x89: {  	[tilespmem:s24], [sflag:$0x2] =	stream.indirect.gather [hbm4b:s4+s21], $0x80, s9, s21, $0xb8;
	[tilespmem:$0x1E880] =	vst v63  }
0x8a: {  	_ =	swait.ge [sflag:s25], $0x2800  }
0x8b: {  	[sflag:s25] =	ssyncset.done $0x0  }
0x8c: {  	[sflag:s25] =	ssyncadd.s32 $0xFFFFD800  }
0x8d: {  	[spmem:s1] =	stream.indirect.scatter.add.f32 [tilespmem:s22], [sflag:$0x3], $0x80, s30, s21, $0xb8;
	[tilespmem:$0x1E880] =	vst v63  }
0x8e: {  	_ =	swait.ge [sflag:s20], $0x2800  }
0x8f: {  	[sflag:s20] =	ssyncset.done $0x0  }
0x90: {  	[sflag:s20] =	ssyncadd.s32 $0xFFFFD800  }
0x91: {  	[tilespmem:s22], [sflag:$0x1] =	stream.indirect.gather [hbm4b:s4+s21], $0x80, s31, s21, $0xb8;
	[tilespmem:$0x1E880] =	vst v63  }
0x92: {  	_ =	swait.ge [sflag:s26], $0x2800  }
0x93: {  	[sflag:s26] =	ssyncset.done $0x0  }
0x94: {  	[sflag:s26] =	ssyncadd.s32 $0xFFFFD800  }
0x95: {  	[spmem:s1] =	stream.indirect.scatter.add.f32 [tilespmem:s24], [sflag:$0x3], $0x80, s0, s21, $0xb8;
	[tilespmem:$0x1E880] =	vst v63  }
0x96: {  	_ =	swait.ge [sflag:s20], $0x2800  }
0x97: {  	[sflag:s20] =	ssyncset.done $0x0  }
0x98: {  	[sflag:s20] =	ssyncadd.s32 $0xFFFFD800  }
0x99: {  	_ =	swait.ge [sflag:s25], $0x2800  }
0x9a: {  	[sflag:s25] =	ssyncset.done $0x0  }
0x9b: {  	[sflag:s25] =	ssyncadd.s32 $0xFFFFD800  }
0x9c: {  	[spmem:s1] =	stream.indirect.scatter.add.f32 [tilespmem:s22], [sflag:$0x3], $0x80, s19, s21, $0xb8;
	[tilespmem:$0x1E880] =	vst v63  }
0x9d: {  	_ =	swait.ge [sflag:s20], $0x2800  }
0x9e: {  	[sflag:s20] =	ssyncset.done $0x0  }
0x9f: {  	[sflag:s20] =	ssyncadd.s32 $0xFFFFD800  }
0xa0: {  	s8 =	simm.s32 @p0 $0x1FC3;
	s9 =	simm.s32 @p0 $0x3;
	[bflag:$0x0] =	sbarrier.arrive $0xFFFF  }
0xa1: {  	[hbm:s13], [sflag:s8] =	dma.local @p0 [spmem:s5], $0x2080  }
0xa2: {  	_ =	swait.ge @p0 [sflag:s9], $0x2080  }
0xa3: {  	[sflag:s9] =	ssyncset.done @p0 $0x0  }
0xa4: {  	[sflag:s9] =	ssyncadd.s32 @p0 $0xFFFFDF80  }
0xa5: {  	[spmem:s5], [sflag:s8] =	dma.local @p0 [hbm:s14], $0x2080  }
0xa6: {  	_ =	swait.ge @p0 [sflag:s9], $0x2080  }
0xa7: {  	[sflag:s9] =	ssyncset.done @p0 $0x0  }
0xa8: {  	s8 =	rddreg [dreg:$0x8];
	[sflag:s9] =	ssyncadd.s32 @p0 $0xFFFFDF80  }
0xa9: {  	[hbm:s8], [sflag:s6] =	dma.local @!p0 [spmem:s7], $0x2780  }
0xaa: {  	s8 =	simm.s32 @!p0 $0x3  }
0xab: {  	_ =	swait.ge @!p0 [sflag:s8], $0x2780  }
0xac: {  	[sflag:s8] =	ssyncset.done @!p0 $0x0  }
0xad: {  	[sflag:s8] =	ssyncadd.s32 @!p0 $0xFFFFD880  }
0xae: {  	[spmem:s7], [sflag:s6] =	dma.local @!p0 [hbm:s12], $0x2780  }
0xaf: {  	_ =	swait.ge @!p0 [sflag:s8], $0x2780  }
0xb0: {  	[sflag:s8] =	ssyncset.done @!p0 $0x0  }
0xb1: {  	[sflag:s8] =	ssyncadd.s32 @!p0 $0xFFFFD880  }
0xb2: {  	s9 =	simm.s32 $0x0;
	[bflag:$0x0] =	sbarrier.arrive $0xFFFF  }
0xb3: {  	[tilespmem:s9], [sflag:$0x3] =	stream.linear.gather [hbm4b:s16+s9], $0x2000, $0x38;
	[tilespmem:$0x1E880] =	vst v63  }
0xb4: {  	_ =	swait.ge [sflag:s20], $0x2000  }
0xb5: {  	[sflag:s20] =	ssyncset.done $0x0  }
0xb6: {  	[sflag:s20] =	ssyncadd.s32 $0xFFFFE000  }
0xb7: {  	[tilespmem:s22], [sflag:$0x1] =	stream.indirect.gather [hbm4b:s4+s21], $0x80, s9, s21, $0xb8;
	[tilespmem:$0x1E880] =	vst v63  }
0xb8: {  	_ = 	snop  }
0xb9: {  	[tilespmem:s24], [sflag:$0x2] =	stream.indirect.gather [hbm4b:s4+s21], $0x80, s23, s21, $0xb8;
	[tilespmem:$0x1E880] =	vst v63  }
0xba: {  	_ =	swait.ge [sflag:s25], $0x2800  }
0xbb: {  	[sflag:s25] =	ssyncset.done $0x0  }
0xbc: {  	s11 =	simm.s32 $0x2000;
	[sflag:s25] =	ssyncadd.s32 $0xFFFFD800  }
0xbd: {  	[spmem:s1] =	stream.indirect.scatter.add.f32 [tilespmem:s22], [sflag:$0x3], $0x80, s11, s21, $0xb8;
	[tilespmem:$0x1E880] =	vst v63  }
0xbe: {  	_ =	swait.ge [sflag:s20], $0x2800  }
0xbf: {  	[sflag:s20] =	ssyncset.done $0x0  }
0xc0: {  	s9 =	simm.s32 $0x100;
	[sflag:s20] =	ssyncadd.s32 $0xFFFFD800  }
0xc1: {  	[tilespmem:s22], [sflag:$0x1] =	stream.indirect.gather [hbm4b:s4+s21], $0x80, s9, s21, $0xb8;
	[tilespmem:$0x1E880] =	vst v63  }
0xc2: {  	_ =	swait.ge [sflag:s26], $0x2800  }
0xc3: {  	[sflag:s26] =	ssyncset.done $0x0  }
0xc4: {  	s11 =	simm.s32 $0x2080;
	[sflag:s26] =	ssyncadd.s32 $0xFFFFD800  }
0xc5: {  	[spmem:s1] =	stream.indirect.scatter.add.f32 [tilespmem:s24], [sflag:$0x3], $0x80, s11, s21, $0xb8;
	[tilespmem:$0x1E880] =	vst v63  }
0xc6: {  	_ =	swait.ge [sflag:s20], $0x2800  }
0xc7: {  	[sflag:s20] =	ssyncset.done $0x0  }
0xc8: {  	s8 =	simm.s32 $0x400;
	s9 =	simm.s32 $0x180;
	[sflag:s20] =	ssyncadd.s32 $0xFFFFD800  }
.LBB2_6:
0xc9: {  	[tilespmem:s24], [sflag:$0x2] =	stream.indirect.gather [hbm4b:s4+s21], $0x80, s9, s21, $0xb8;
	[tilespmem:$0x1E880] =	vst v63  }
0xca: {  	s9 =	smov.u32 s8  }
0xcb: {  	p1 =	sne.s32 s8, $0x7800;
	s8 =	sadd.s32 $0x400, s8;
	_ =	swait.ge [sflag:s25], $0x2800  }
0xcc: {  	s9 =	sshra.s32 s9, $0x2;
	[sflag:s25] =	ssyncset.done $0x0  }
0xcd: {  	s11 =	sadd.s32 $0x2000, s9;
	[sflag:s25] =	ssyncadd.s32 $0xFFFFD800  }
0xce: {  	[spmem:s1] =	stream.indirect.scatter.add.f32 [tilespmem:s22], [sflag:$0x3], $0x80, s11, s21, $0xb8;
	[tilespmem:$0x1E880] =	vst v63  }
0xcf: {  	_ =	swait.ge [sflag:s20], $0x2800  }
0xd0: {  	[sflag:s20] =	ssyncset.done $0x0  }
0xd1: {  	s11 =	sadd.s32 $0x100, s9;
	[sflag:s20] =	ssyncadd.s32 $0xFFFFD800  }
0xd2: {  	[tilespmem:s22], [sflag:$0x1] =	stream.indirect.gather [hbm4b:s4+s21], $0x80, s11, s21, $0xb8;
	[tilespmem:$0x1E880] =	vst v63  }
0xd3: {  	_ =	swait.ge [sflag:s26], $0x2800  }
0xd4: {  	[sflag:s26] =	ssyncset.done $0x0  }
.Ltmp2:
0xd5: {  	s11 =	sadd.s32 $0x2080, s9;
	[sflag:s26] =	ssyncadd.s32 $0xFFFFD800;
	(pc) =	sbr.rel @p1 .LBB2_6-.Ltmp2, $4  }
0xd6: {  	[spmem:s1] =	stream.indirect.scatter.add.f32 [tilespmem:s24], [sflag:$0x3], $0x80, s11, s21, $0xb8;
	[tilespmem:$0x1E880] =	vst v63  }
0xd7: {  	_ =	swait.ge [sflag:s20], $0x2800  }
0xd8: {  	[sflag:s20] =	ssyncset.done $0x0  }
0xd9: {  	s9 =	sadd.s32 $0x180, s9;
	[sflag:s20] =	ssyncadd.s32 $0xFFFFD800  }
0xda: {  	[tilespmem:s24], [sflag:$0x2] =	stream.indirect.gather [hbm4b:s4+s21], $0x80, s9, s21, $0xb8;
	[tilespmem:$0x1E880] =	vst v63  }
0xdb: {  	_ =	swait.ge [sflag:s25], $0x2800  }
0xdc: {  	[sflag:s25] =	ssyncset.done $0x0  }
0xdd: {  	[sflag:s25] =	ssyncadd.s32 $0xFFFFD800  }
0xde: {  	[spmem:s1] =	stream.indirect.scatter.add.f32 [tilespmem:s22], [sflag:$0x3], $0x80, s28, s21, $0xb8;
	[tilespmem:$0x1E880] =	vst v63  }
0xdf: {  	_ =	swait.ge [sflag:s20], $0x2800  }
0xe0: {  	[sflag:s20] =	ssyncset.done $0x0  }
0xe1: {  	[sflag:s20] =	ssyncadd.s32 $0xFFFFD800  }
0xe2: {  	_ =	swait.ge [sflag:s26], $0x2800  }
0xe3: {  	[sflag:s26] =	ssyncset.done $0x0  }
0xe4: {  	[sflag:s26] =	ssyncadd.s32 $0xFFFFD800  }
0xe5: {  	[spmem:s1] =	stream.indirect.scatter.add.f32 [tilespmem:s24], [sflag:$0x3], $0x80, s29, s21, $0xb8;
	[tilespmem:$0x1E880] =	vst v63  }
0xe6: {  	_ =	swait.ge [sflag:s20], $0x2800  }
0xe7: {  	[sflag:s20] =	ssyncset.done $0x0  }
0xe8: {  	s8 =	sadd.s32 $0x400, s16;
	[sflag:s20] =	ssyncadd.s32 $0xFFFFD800  }
0xe9: {  	[tilespmem:s2], [sflag:$0x3] =	stream.linear.gather [hbm4b:s8+s2], $0x1E80, $0x38;
	[tilespmem:$0x1E880] =	vst v63  }
0xea: {  	_ =	swait.ge [sflag:s20], $0x1E80  }
0xeb: {  	[sflag:s20] =	ssyncset.done $0x0  }
0xec: {  	[sflag:s20] =	ssyncadd.s32 $0xFFFFE180  }
0xed: {  	[tilespmem:s22], [sflag:$0x1] =	stream.indirect.gather [hbm4b:s4+s21], $0x80, s2, s21, $0xb8;
	[tilespmem:$0x1E880] =	vst v63  }
0xee: {  	_ = 	snop  }
0xef: {  	[tilespmem:s24], [sflag:$0x2] =	stream.indirect.gather [hbm4b:s4+s21], $0x80, s23, s21, $0xb8;
	[tilespmem:$0x1E880] =	vst v63  }
0xf0: {  	_ =	swait.ge [sflag:s25], $0x2800  }
0xf1: {  	[sflag:s25] =	ssyncset.done $0x0  }
0xf2: {  	s11 =	simm.s32 $0x4000;
	[sflag:s25] =	ssyncadd.s32 $0xFFFFD800  }
0xf3: {  	[spmem:s1] =	stream.indirect.scatter.add.f32 [tilespmem:s22], [sflag:$0x3], $0x80, s11, s21, $0xb8;
	[tilespmem:$0x1E880] =	vst v63  }
0xf4: {  	_ =	swait.ge [sflag:s20], $0x2800  }
0xf5: {  	[sflag:s20] =	ssyncset.done $0x0  }
0xf6: {  	s9 =	simm.s32 $0x100;
	[sflag:s20] =	ssyncadd.s32 $0xFFFFD800  }
0xf7: {  	[tilespmem:s22], [sflag:$0x1] =	stream.indirect.gather [hbm4b:s4+s21], $0x80, s9, s21, $0xb8;
	[tilespmem:$0x1E880] =	vst v63  }
0xf8: {  	_ =	swait.ge [sflag:s26], $0x2800  }
0xf9: {  	[sflag:s26] =	ssyncset.done $0x0  }
0xfa: {  	s11 =	simm.s32 $0x4080;
	[sflag:s26] =	ssyncadd.s32 $0xFFFFD800  }
0xfb: {  	[spmem:s1] =	stream.indirect.scatter.add.f32 [tilespmem:s24], [sflag:$0x3], $0x80, s11, s21, $0xb8;
	[tilespmem:$0x1E880] =	vst v63  }
0xfc: {  	_ =	swait.ge [sflag:s20], $0x2800  }
0xfd: {  	[sflag:s20] =	ssyncset.done $0x0  }
0xfe: {  	s8 =	simm.s32 $0xFFFF9000;
	s9 =	simm.s32 $0x180;
	[sflag:s20] =	ssyncadd.s32 $0xFFFFD800  }
.LBB2_8:
0xff: {  	[tilespmem:s24], [sflag:$0x2] =	stream.indirect.gather [hbm4b:s4+s21], $0x80, s9, s21, $0xb8;
	[tilespmem:$0x1E880] =	vst v63  }
0x100: {  	s9 =	smov.u32 s8  }
0x101: {  	p1 =	sne.s32 s8, $0xFFFFFC00;
	s8 =	sadd.s32 $0x400, s8;
	_ =	swait.ge [sflag:s25], $0x2800  }
0x102: {  	s9 =	sshra.s32 s9, $0x2;
	[sflag:s25] =	ssyncset.done $0x0  }
0x103: {  	s11 =	sadd.s32 $0x5D00, s9;
	[sflag:s25] =	ssyncadd.s32 $0xFFFFD800  }
0x104: {  	[spmem:s1] =	stream.indirect.scatter.add.f32 [tilespmem:s22], [sflag:$0x3], $0x80, s11, s21, $0xb8;
	[tilespmem:$0x1E880] =	vst v63  }
0x105: {  	_ =	swait.ge [sflag:s20], $0x2800  }
0x106: {  	[sflag:s20] =	ssyncset.done $0x0  }
0x107: {  	s11 =	sadd.s32 $0x1E00, s9;
	[sflag:s20] =	ssyncadd.s32 $0xFFFFD800  }
0x108: {  	[tilespmem:s22], [sflag:$0x1] =	stream.indirect.gather [hbm4b:s4+s21], $0x80, s11, s21, $0xb8;
	[tilespmem:$0x1E880] =	vst v63  }
0x109: {  	_ =	swait.ge [sflag:s26], $0x2800  }
0x10a: {  	[sflag:s26] =	ssyncset.done $0x0  }
.Ltmp3:
0x10b: {  	s11 =	sadd.s32 $0x5D80, s9;
	[sflag:s26] =	ssyncadd.s32 $0xFFFFD800;
	(pc) =	sbr.rel @p1 .LBB2_8-.Ltmp3, $4  }
0x10c: {  	[spmem:s1] =	stream.indirect.scatter.add.f32 [tilespmem:s24], [sflag:$0x3], $0x80, s11, s21, $0xb8;
	[tilespmem:$0x1E880] =	vst v63  }
0x10d: {  	_ =	swait.ge [sflag:s20], $0x2800  }
0x10e: {  	[sflag:s20] =	ssyncset.done $0x0  }
0x10f: {  	s9 =	sadd.s32 $0x1E80, s9;
	[sflag:s20] =	ssyncadd.s32 $0xFFFFD800  }
0x110: {  	[tilespmem:s24], [sflag:$0x2] =	stream.indirect.gather [hbm4b:s4+s21], $0x80, s9, s21, $0xb8;
	[tilespmem:$0x1E880] =	vst v63  }
0x111: {  	_ =	swait.ge [sflag:s25], $0x2800  }
0x112: {  	[sflag:s25] =	ssyncset.done $0x0  }
0x113: {  	[sflag:s25] =	ssyncadd.s32 $0xFFFFD800  }
0x114: {  	[spmem:s1] =	stream.indirect.scatter.add.f32 [tilespmem:s22], [sflag:$0x3], $0x80, s30, s21, $0xb8;
	[tilespmem:$0x1E880] =	vst v63  }
0x115: {  	_ =	swait.ge [sflag:s20], $0x2800  }
0x116: {  	[sflag:s20] =	ssyncset.done $0x0  }
0x117: {  	[sflag:s20] =	ssyncadd.s32 $0xFFFFD800  }
0x118: {  	[tilespmem:s22], [sflag:$0x1] =	stream.indirect.gather [hbm4b:s4+s21], $0x80, s31, s21, $0xb8;
	[tilespmem:$0x1E880] =	vst v63  }
0x119: {  	_ =	swait.ge [sflag:s26], $0x2800  }
0x11a: {  	[sflag:s26] =	ssyncset.done $0x0  }
0x11b: {  	[sflag:s26] =	ssyncadd.s32 $0xFFFFD800  }
0x11c: {  	[spmem:s1] =	stream.indirect.scatter.add.f32 [tilespmem:s24], [sflag:$0x3], $0x80, s0, s21, $0xb8;
	[tilespmem:$0x1E880] =	vst v63  }
0x11d: {  	_ =	swait.ge [sflag:s20], $0x2800  }
0x11e: {  	[sflag:s20] =	ssyncset.done $0x0  }
0x11f: {  	[sflag:s20] =	ssyncadd.s32 $0xFFFFD800  }
0x120: {  	_ =	swait.ge [sflag:s25], $0x2800  }
0x121: {  	[sflag:s25] =	ssyncset.done $0x0  }
0x122: {  	[sflag:s25] =	ssyncadd.s32 $0xFFFFD800  }
0x123: {  	[spmem:s1] =	stream.indirect.scatter.add.f32 [tilespmem:s22], [sflag:$0x3], $0x80, s19, s21, $0xb8;
	[tilespmem:$0x1E880] =	vst v63  }
0x124: {  	_ =	swait.ge [sflag:s20], $0x2800  }
0x125: {  	[sflag:s20] =	ssyncset.done $0x0  }
0x126: {  	[sflag:s20] =	ssyncadd.s32 $0xFFFFD800  }
0x127: {  	s8 =	simm.s32 @p0 $0x1FC3;
	[bflag:$0x0] =	sbarrier.arrive $0xFFFF  }
0x128: {  	[hbm:s18], [sflag:s8] =	dma.local @p0 [spmem:s5], $0x2080  }
0x129: {  	s5 =	simm.s32 @p0 $0x3  }
0x12a: {  	s3 =	sadd.s32 $0x1, s3;
	_ =	swait.ge @p0 [sflag:s5], $0x2080  }
0x12b: {  	p1 =	sne.s32 s3, s15;
	[sflag:s5] =	ssyncset.done @p0 $0x0  }
.Ltmp4:
0x12c: {  	[sflag:s5] =	ssyncadd.s32 @p0 $0xFFFFDF80;
	s5 =	simm.s32 @!p0 $0x3;
	(pc) =	sbr.rel @p1 .LBB2_1-.Ltmp4, $4  }
0x12d: {  	[hbm:s17], [sflag:s6] =	dma.local @!p0 [spmem:s7], $0x2780  }
0x12e: {  	_ =	swait.ge @!p0 [sflag:s5], $0x2780  }
0x12f: {  	[sflag:s5] =	ssyncset.done @!p0 $0x0  }
0x130: {  	[sflag:s5] =	ssyncadd.s32 @!p0 $0xFFFFD880  }
0x131: {  	_ =	sfence.sel $0x180000  }
0x132: {  	[bflag:$0x0] =	sbarrier.arrive $0xFFFF  }
0x133: {  	_ =	strace $0x9000004A  }
0x134: {  	s0 =	stileid.u32;
	[bflag:$0x2] =	sbarrier.arrive $0xFFFF  }
0x135: {  	p0 =	sne.s32 s0, $0x0;
	s0 =	rddreg [dreg:$0x2]  }
0x136: {  	s0 =	sadd.s32 @!p0 $0x100000, s0  }
0x137: {  	[sflag:s0] =	ssyncadd.tile.s32 @!p0 $0x1;
	_ =	shalt  }
.Lfunc_end2:
_tile_overlayer_lowered:
.L_overlay_start_2:
0x138: {  	(tag) =	ssettag $0x2  }
0x139: {  	s0 =	rddreg [dreg:$0x0];
	s2 =	stileid.u32  }
0x13a: {  	s1 =	rddreg [dreg:$0x1];
	p0 =	sne.s32 s2, $0x0  }
0x13b: {  	s3 =	rddreg [dreg:$0x2];
	[bflag:$0x3] =	sbarrier.arrive $0xFFFF;
	s2 =	simm.s32 @!p0 $0x1C03  }
0x13c: {  	[timem:s3], [sflag:s2] =	dma.local @!p0 [hbm:s0], s1  }
0x13d: {  	s0 =	simm.s32 @!p0 $0x3  }
0x13e: {  	_ =	swait.ge @!p0 [sflag:s0], s1  }
0x13f: {  	s1 =	ssub.s32 @!p0 $0x0, s1;
	[sflag:s0] =	ssyncset.done @!p0 $0x0  }
0x140: {  	[sflag:s0] =	ssyncadd.s32 @!p0 s1  }
0x141: {  	[bflag:$0x3] =	sbarrier.arrive $0xFFFF  }
0x142: {  	_ =	shalt  }

</sc_bundles>
